<compile_context>
chip_gen: v7x
topology: tpu7x:2x2x1
jax: 0.10.2.dev20260603
libtpu: 0.0.44.dev20260713+nightly
codegen_flags: <defaults>
</compile_context>

<pallas_src>
import functools
import math

import jax
import jax.numpy as jnp
from jax import lax
from jax.experimental import pallas as pl
from jax.experimental.pallas import tpu as pltpu
from jax.experimental.pallas import tpu_sc as plsc

NUM_BINS = 20000
BINS_PAD = 20480
ROWS = 4096
COLS = 4096
NW = 32
ROWS_PER_W = ROWS // NW
BAND = 8
NBAND = ROWS_PER_W // BAND
U = 2
CVEC = COLS // 16


def _sc_histogram(masks):
    mesh = plsc.VectorSubcoreMesh(core_axis_name="c", subcore_axis_name="s")

    @functools.partial(
        pl.kernel,
        out_type=jax.ShapeDtypeStruct((NW * BINS_PAD,), jnp.int32),
        mesh=mesh,
        compiler_params=pltpu.CompilerParams(
            needs_layout_passes=False, disable_bounds_checks=True),
        scratch_types=[
            pltpu.VMEM((BAND, COLS), jnp.int32),
            pltpu.VMEM((BAND, COLS), jnp.int32),
            pltpu.VMEM((BINS_PAD,), jnp.int32),
            pltpu.VMEM((BINS_PAD,), jnp.int32),
            pltpu.SemaphoreType.DMA,
            pltpu.SemaphoreType.DMA,
        ],
    )
    def hist_kernel(masks_hbm, out_hbm, buf0, buf1, hist0, hist1,
                    sem0, sem1):
        wid = lax.axis_index("s") * 2 + lax.axis_index("c")
        bufs = (buf0, buf1)
        sems = (sem0, sem1)
        hists = (hist0, hist1)

        zeros16 = jnp.zeros((16,), jnp.int32)
        row0 = wid * ROWS_PER_W

        copies = [None, None]
        copies[0] = pltpu.async_copy(
            masks_hbm.at[pl.ds(row0, BAND), :], buf0, sem0)

        @plsc.parallel_loop(0, BINS_PAD // 16, 1, unroll=8)
        def zero_body(i):
            hist0[pl.ds(i * 16, 16)] = zeros16
            hist1[pl.ds(i * 16, 16)] = zeros16

        for b in range(NBAND):
            cur = b % 2
            nxt = (b + 1) % 2
            if b + 1 < NBAND:
                copies[nxt] = pltpu.async_copy(
                    masks_hbm.at[pl.ds(row0 + (b + 1) * BAND, BAND), :],
                    bufs[nxt], sems[nxt])
            copies[cur].wait()
            buf = bufs[cur]

            ones16 = jnp.ones((16,), jnp.int32)

            @plsc.parallel_loop(0, CVEC, 1, unroll=2)
            def vec_body(i, buf=buf):
                for r in range(BAND):
                    lab = buf[r, pl.ds(i * 16, 16)]
                    plsc.addupdate_scatter(hists[r % U], [lab], ones16)

        @plsc.parallel_loop(0, BINS_PAD // 16, 1, unroll=8)
        def merge_body(i):
            hist0[pl.ds(i * 16, 16)] = (hist0[pl.ds(i * 16, 16)]
                                        + hist1[pl.ds(i * 16, 16)])

        pltpu.sync_copy(hist0,
                        out_hbm.at[pl.ds(wid * BINS_PAD, BINS_PAD)])

    return hist_kernel(masks)


def _tc_median(parts):
    R = BINS_PAD // 128

    def body(p_ref, o_ref):
        counts = p_ref[pl.ds(0, R), :]
        for k in range(1, NW):
            counts = counts + p_ref[pl.ds(k * R, R), :]
        lin = (lax.broadcasted_iota(jnp.int32, (R, 128), 0) * 128
               + lax.broadcasted_iota(jnp.int32, (R, 128), 1))
        valid = (lin > 0) & (lin < NUM_BINS) & (counts > 0)
        m = jnp.sum(valid.astype(jnp.int32))
        r1 = (m + 1) // 2
        r2 = m // 2 + 1

        def step(i, t1):
            c1 = t1 + (jnp.int32(1) << (24 - i))
            g1 = jnp.sum((valid & (counts <= c1)).astype(jnp.int32))
            return jnp.where(g1 < r1, c1, t1)

        t1 = lax.fori_loop(0, 25, step, jnp.int32(0))
        v1 = t1 + 1
        g_v1 = jnp.sum((valid & (counts <= v1)).astype(jnp.int32))
        big = jnp.int32(1 << 25)
        nxt = jnp.min(jnp.where(valid & (counts > v1), counts, big))
        v2 = jnp.where(g_v1 >= r2, v1, nxt)
        md = (jnp.sqrt(v1.astype(jnp.float32))
              + jnp.sqrt(v2.astype(jnp.float32))) * jnp.float32(0.5)
        res = md / jnp.float32(math.pi ** 0.5 / 2.0)
        o_ref[0, 0] = jnp.where(m == 0, jnp.float32(0.0), res)

    return pl.pallas_call(
        body,
        out_shape=jax.ShapeDtypeStruct((1, 1), jnp.float32),
        out_specs=pl.BlockSpec(memory_space=pltpu.SMEM),
    )(parts)


def kernel(masks):
    parts = _sc_histogram(masks)
    return _tc_median(parts.reshape(NW * (BINS_PAD // 128), 128)).reshape(())

# --- scband reference (transcript-rebuilt; emitter-appended) ---
"""Pipeline reference for scband-size-model-48438641164331 (READ-ONLY COPY).

The authoritative reference and input builder live on the scoring server;
editing this copy changes nothing except your own understanding.
"""

import jax, jax.numpy as jnp
import numpy as np

NUM_LABELS = 20000


def setup_inputs(seed: int = 0) -> dict:
    key = jax.random.key(seed)
    masks = jax.random.randint(key, (4096, 4096), 0, NUM_LABELS, dtype=jnp.int32)
    return {"masks": masks}


def reference(masks):
    # torch.unique(masks.int(), return_counts=True) -> sorted unique labels with counts.
    # counts[1:] drops the first (smallest) label, i.e. background label 0.
    flat = masks.astype(jnp.int32).reshape(-1)
    counts = jnp.bincount(flat, length=NUM_LABELS)
    counts = counts[1:]  # drop background (label 0)
    # torch.unique only keeps present labels; emulate by nan-masking absent labels
    sq = jnp.sqrt(counts.astype(jnp.float32))
    sq = jnp.where(counts > 0, sq, jnp.nan)
    md = jnp.nanmedian(sq)  # median over sqrt(counts) of present instance labels
    md = md / (np.pi ** 0.5 / 2.0)
    # if median is nan (no instances), forward returns 0.0
    return jnp.where(jnp.isnan(md), jnp.float32(0.0), md.astype(jnp.float32))

if __name__ == "__main__":
    import jax
    _d = setup_inputs()
    print(jax.jit(kernel)(*tuple(_d.values())))

</pallas_src>

<mosaic_0001>
#map = affine_map<(d0, d1) -> (0, 0)>
#map1 = affine_map<(d0, d1) -> (0)>
module attributes {stable_mosaic.version = 14 : i64} {
  func.func @hist_kernel(%arg0: i32, %arg1: i32, %arg2: memref<4096x4096xi32, #tpu.memory_space<hbm>>, %arg3: memref<655360xi32, #tpu.memory_space<hbm>>, %arg4: memref<8x4096xi32, #tpu.memory_space<vmem>>, %arg5: memref<8x4096xi32, #tpu.memory_space<vmem>>, %arg6: memref<20480xi32, #tpu.memory_space<vmem>>, %arg7: memref<20480xi32, #tpu.memory_space<vmem>>, %arg8: memref<!tpu.dma_semaphore, #tpu.memory_space<semaphore_mem>>, %arg9: memref<!tpu.dma_semaphore, #tpu.memory_space<semaphore_mem>>) attributes {dimension_semantics = [#tpu.dimension_semantics<core_parallel>, #tpu.dimension_semantics<subcore_parallel>], iteration_bounds = array<i64: 2, 16>, scalar_prefetch = 0 : i64, scratch_operands = 6 : i64, tpu.core_type = #tpu.core_type<sc_vector_subcore>, window_params = [{transform_indices = #map}, {transform_indices = #map1}]} {
    %mul3A = arith.constant 2 : i32
    %mul3A_0 = arith.muli %arg1, %mul3A : i32
    %add3A = arith.addi %mul3A_0, %arg0 : i32
    %broadcast_in_dim3A = arith.constant 0 : i32
    %broadcast_in_dim3A_1 = vector.broadcast %broadcast_in_dim3A : i32 to vector<16xi32>
    %mul3A_2 = arith.constant 128 : i32
    %mul3A_3 = arith.muli %add3A, %mul3A_2 : i32
    %dma_start3A = arith.constant 0 : i32
    %dma_start3A_4 = tpu.memref_slice %arg2[%mul3A_3, %dma_start3A] : memref<4096x4096xi32, #tpu.memory_space<hbm>> -> memref<8x4096xi32, #tpu.memory_space<hbm>>
    %dma_start3A_5 = arith.constant 0 : i32
    %dma_start3A_6 = tpu.memref_slice %arg2[%mul3A_3, %dma_start3A_5] : memref<4096x4096xi32, #tpu.memory_space<hbm>> -> memref<8x4096xi32, #tpu.memory_space<hbm>>
    tpu.enqueue_dma source(%dma_start3A_6 : memref<8x4096xi32, #tpu.memory_space<hbm>>) target(%arg4 : memref<8x4096xi32, #tpu.memory_space<vmem>>) target_semaphore(%arg8 : memref<!tpu.dma_semaphore, #tpu.memory_space<semaphore_mem>>)
    %parallel_loop3A = arith.constant 0 : i32
    %parallel_loop3A_7 = arith.constant 1280 : i32
    %parallel_loop3A_8 = arith.constant 1 : i32
    scf.for %parallel_loop3A_247 = %parallel_loop3A to %parallel_loop3A_7 step %parallel_loop3A_8  : i32 {
      %parallel_loop3A_248 = arith.constant 16 : i32
      %parallel_loop3A_249 = arith.muli %parallel_loop3A_247, %parallel_loop3A_248 : i32
      %parallel_loop3A_250 = arith.index_cast %parallel_loop3A_249 : i32 to index
      %parallel_loop3A_251 = tpu.vector_load %arg6[%parallel_loop3A_250] {strides = array<i32>} : memref<20480xi32, #tpu.memory_space<vmem>>, vector<16xi32>,
      tpu.vector_store %arg6[%parallel_loop3A_250], %broadcast_in_dim3A_1 {strides = array<i32>} : memref<20480xi32, #tpu.memory_space<vmem>>, vector<16xi32>,
      %parallel_loop3A_252 = arith.constant 16 : i32
      %parallel_loop3A_253 = arith.muli %parallel_loop3A_247, %parallel_loop3A_252 : i32
      %parallel_loop3A_254 = arith.index_cast %parallel_loop3A_253 : i32 to index
      %parallel_loop3A_255 = tpu.vector_load %arg7[%parallel_loop3A_254] {strides = array<i32>} : memref<20480xi32, #tpu.memory_space<vmem>>, vector<16xi32>,
      tpu.vector_store %arg7[%parallel_loop3A_254], %broadcast_in_dim3A_1 {strides = array<i32>} : memref<20480xi32, #tpu.memory_space<vmem>>, vector<16xi32>,
    } {sc.loop_unroll_factor = 8 : i64, sc.parallel_access}
    %add3A_9 = arith.constant 8 : i32
    %add3A_10 = arith.addi %mul3A_3, %add3A_9 : i32
    %dma_start3A_11 = arith.constant 0 : i32
    %dma_start3A_12 = tpu.memref_slice %arg2[%add3A_10, %dma_start3A_11] : memref<4096x4096xi32, #tpu.memory_space<hbm>> -> memref<8x4096xi32, #tpu.memory_space<hbm>>
    %dma_start3A_13 = arith.constant 0 : i32
    %dma_start3A_14 = tpu.memref_slice %arg2[%add3A_10, %dma_start3A_13] : memref<4096x4096xi32, #tpu.memory_space<hbm>> -> memref<8x4096xi32, #tpu.memory_space<hbm>>
    tpu.enqueue_dma source(%dma_start3A_14 : memref<8x4096xi32, #tpu.memory_space<hbm>>) target(%arg5 : memref<8x4096xi32, #tpu.memory_space<vmem>>) target_semaphore(%arg9 : memref<!tpu.dma_semaphore, #tpu.memory_space<semaphore_mem>>)
    %dma_wait3A = arith.constant 0 : i32
    %dma_wait3A_15 = tpu.memref_slice %arg2[%mul3A_3, %dma_wait3A] : memref<4096x4096xi32, #tpu.memory_space<hbm>> -> memref<8x4096xi32, #tpu.memory_space<hbm>>
    %dma_wait3A_16 = arith.constant 0 : i32
    %dma_wait3A_17 = tpu.memref_slice %arg2[%mul3A_3, %dma_wait3A_16] : memref<4096x4096xi32, #tpu.memory_space<hbm>> -> memref<8x4096xi32, #tpu.memory_space<hbm>>
    tpu.wait_dma2 semaphore(%arg8 : memref<!tpu.dma_semaphore, #tpu.memory_space<semaphore_mem>>) src(%dma_wait3A_17 : memref<8x4096xi32, #tpu.memory_space<hbm>>) dst(%arg4 : memref<8x4096xi32, #tpu.memory_space<vmem>>)
    %broadcast_in_dim3A_18 = arith.constant 1 : i32
    %broadcast_in_dim3A_19 = vector.broadcast %broadcast_in_dim3A_18 : i32 to vector<16xi32>
    %parallel_loop3A_20 = arith.constant 0 : i32
    %parallel_loop3A_21 = arith.constant 256 : i32
    %parallel_loop3A_22 = arith.constant 1 : i32
    scf.for %parallel_loop3A_247 = %parallel_loop3A_20 to %parallel_loop3A_21 step %parallel_loop3A_22  : i32 {
      %parallel_loop3A_248 = arith.constant 16 : i32
      %parallel_loop3A_249 = arith.muli %parallel_loop3A_247, %parallel_loop3A_248 : i32
      %parallel_loop3A_250 = arith.constant 0 : i32
      %parallel_loop3A_251 = arith.index_cast %parallel_loop3A_250 : i32 to index
      %parallel_loop3A_252 = arith.index_cast %parallel_loop3A_249 : i32 to index
      %parallel_loop3A_253 = tpu.vector_load %arg4[%parallel_loop3A_251, %parallel_loop3A_252] {strides = array<i32>} : memref<8x4096xi32, #tpu.memory_space<vmem>>, vector<16xi32>,
      tpu.vector_store_idx %arg6[%parallel_loop3A_253], %broadcast_in_dim3A_19 {add = true} : memref<20480xi32, #tpu.memory_space<vmem>>[vector<16xi32>], vector<16xi32>,
      %parallel_loop3A_254 = arith.constant 16 : i32
      %parallel_loop3A_255 = arith.muli %parallel_loop3A_247, %parallel_loop3A_254 : i32
      %parallel_loop3A_256 = arith.constant 1 : i32
      %parallel_loop3A_257 = arith.index_cast %parallel_loop3A_256 : i32 to index
      %parallel_loop3A_258 = arith.index_cast %parallel_loop3A_255 : i32 to index
      %parallel_loop3A_259 = tpu.vector_load %arg4[%parallel_loop3A_257, %parallel_loop3A_258] {strides = array<i32>} : memref<8x4096xi32, #tpu.memory_space<vmem>>, vector<16xi32>,
      tpu.vector_store_idx %arg7[%parallel_loop3A_259], %broadcast_in_dim3A_19 {add = true} : memref<20480xi32, #tpu.memory_space<vmem>>[vector<16xi32>], vector<16xi32>,
      %parallel_loop3A_260 = arith.constant 16 : i32
      %parallel_loop3A_261 = arith.muli %parallel_loop3A_247, %parallel_loop3A_260 : i32
      %parallel_loop3A_262 = arith.constant 2 : i32
      %parallel_loop3A_263 = arith.index_cast %parallel_loop3A_262 : i32 to index
      %parallel_loop3A_264 = arith.index_cast %parallel_loop3A_261 : i32 to index
      %parallel_loop3A_265 = tpu.vector_load %arg4[%parallel_loop3A_263, %parallel_loop3A_264] {strides = array<i32>} : memref<8x4096xi32, #tpu.memory_space<vmem>>, vector<16xi32>,
      tpu.vector_store_idx %arg6[%parallel_loop3A_265], %broadcast_in_dim3A_19 {add = true} : memref<20480xi32, #tpu.memory_space<vmem>>[vector<16xi32>], vector<16xi32>,
      %parallel_loop3A_266 = arith.constant 16 : i32
      %parallel_loop3A_267 = arith.muli %parallel_loop3A_247, %parallel_loop3A_266 : i32
      %parallel_loop3A_268 = arith.constant 3 : i32
      %parallel_loop3A_269 = arith.index_cast %parallel_loop3A_268 : i32 to index
      %parallel_loop3A_270 = arith.index_cast %parallel_loop3A_267 : i32 to index
      %parallel_loop3A_271 = tpu.vector_load %arg4[%parallel_loop3A_269, %parallel_loop3A_270] {strides = array<i32>} : memref<8x4096xi32, #tpu.memory_space<vmem>>, vector<16xi32>,
      tpu.vector_store_idx %arg7[%parallel_loop3A_271], %broadcast_in_dim3A_19 {add = true} : memref<20480xi32, #tpu.memory_space<vmem>>[vector<16xi32>], vector<16xi32>,
      %parallel_loop3A_272 = arith.constant 16 : i32
      %parallel_loop3A_273 = arith.muli %parallel_loop3A_247, %parallel_loop3A_272 : i32
      %parallel_loop3A_274 = arith.constant 4 : i32
      %parallel_loop3A_275 = arith.index_cast %parallel_loop3A_274 : i32 to index
      %parallel_loop3A_276 = arith.index_cast %parallel_loop3A_273 : i32 to index
      %parallel_loop3A_277 = tpu.vector_load %arg4[%parallel_loop3A_275, %parallel_loop3A_276] {strides = array<i32>} : memref<8x4096xi32, #tpu.memory_space<vmem>>, vector<16xi32>,
      tpu.vector_store_idx %arg6[%parallel_loop3A_277], %broadcast_in_dim3A_19 {add = true} : memref<20480xi32, #tpu.memory_space<vmem>>[vector<16xi32>], vector<16xi32>,
      %parallel_loop3A_278 = arith.constant 16 : i32
      %parallel_loop3A_279 = arith.muli %parallel_loop3A_247, %parallel_loop3A_278 : i32
      %parallel_loop3A_280 = arith.constant 5 : i32
      %parallel_loop3A_281 = arith.index_cast %parallel_loop3A_280 : i32 to index
      %parallel_loop3A_282 = arith.index_cast %parallel_loop3A_279 : i32 to index
      %parallel_loop3A_283 = tpu.vector_load %arg4[%parallel_loop3A_281, %parallel_loop3A_282] {strides = array<i32>} : memref<8x4096xi32, #tpu.memory_space<vmem>>, vector<16xi32>,
      tpu.vector_store_idx %arg7[%parallel_loop3A_283], %broadcast_in_dim3A_19 {add = true} : memref<20480xi32, #tpu.memory_space<vmem>>[vector<16xi32>], vector<16xi32>,
      %parallel_loop3A_284 = arith.constant 16 : i32
      %parallel_loop3A_285 = arith.muli %parallel_loop3A_247, %parallel_loop3A_284 : i32
      %parallel_loop3A_286 = arith.constant 6 : i32
      %parallel_loop3A_287 = arith.index_cast %parallel_loop3A_286 : i32 to index
      %parallel_loop3A_288 = arith.index_cast %parallel_loop3A_285 : i32 to index
      %parallel_loop3A_289 = tpu.vector_load %arg4[%parallel_loop3A_287, %parallel_loop3A_288] {strides = array<i32>} : memref<8x4096xi32, #tpu.memory_space<vmem>>, vector<16xi32>,
      tpu.vector_store_idx %arg6[%parallel_loop3A_289], %broadcast_in_dim3A_19 {add = true} : memref<20480xi32, #tpu.memory_space<vmem>>[vector<16xi32>], vector<16xi32>,
      %parallel_loop3A_290 = arith.constant 16 : i32
      %parallel_loop3A_291 = arith.muli %parallel_loop3A_247, %parallel_loop3A_290 : i32
      %parallel_loop3A_292 = arith.constant 7 : i32
      %parallel_loop3A_293 = arith.index_cast %parallel_loop3A_292 : i32 to index
      %parallel_loop3A_294 = arith.index_cast %parallel_loop3A_291 : i32 to index
      %parallel_loop3A_295 = tpu.vector_load %arg4[%parallel_loop3A_293, %parallel_loop3A_294] {strides = array<i32>} : memref<8x4096xi32, #tpu.memory_space<vmem>>, vector<16xi32>,
      tpu.vector_store_idx %arg7[%parallel_loop3A_295], %broadcast_in_dim3A_19 {add = true} : memref<20480xi32, #tpu.memory_space<vmem>>[vector<16xi32>], vector<16xi32>,
    } {sc.loop_unroll_factor = 2 : i64, sc.parallel_access}
    %add3A_23 = arith.constant 16 : i32
    %add3A_24 = arith.addi %mul3A_3, %add3A_23 : i32
    %dma_start3A_25 = arith.constant 0 : i32
    %dma_start3A_26 = tpu.memref_slice %arg2[%add3A_24, %dma_start3A_25] : memref<4096x4096xi32, #tpu.memory_space<hbm>> -> memref<8x4096xi32, #tpu.memory_space<hbm>>
    %dma_start3A_27 = arith.constant 0 : i32
    %dma_start3A_28 = tpu.memref_slice %arg2[%add3A_24, %dma_start3A_27] : memref<4096x4096xi32, #tpu.memory_space<hbm>> -> memref<8x4096xi32, #tpu.memory_space<hbm>>
    tpu.enqueue_dma source(%dma_start3A_28 : memref<8x4096xi32, #tpu.memory_space<hbm>>) target(%arg4 : memref<8x4096xi32, #tpu.memory_space<vmem>>) target_semaphore(%arg8 : memref<!tpu.dma_semaphore, #tpu.memory_space<semaphore_mem>>)
    %dma_wait3A_29 = arith.constant 0 : i32
    %dma_wait3A_30 = tpu.memref_slice %arg2[%add3A_10, %dma_wait3A_29] : memref<4096x4096xi32, #tpu.memory_space<hbm>> -> memref<8x4096xi32, #tpu.memory_space<hbm>>
    %dma_wait3A_31 = arith.constant 0 : i32
    %dma_wait3A_32 = tpu.memref_slice %arg2[%add3A_10, %dma_wait3A_31] : memref<4096x4096xi32, #tpu.memory_space<hbm>> -> memref<8x4096xi32, #tpu.memory_space<hbm>>
    tpu.wait_dma2 semaphore(%arg9 : memref<!tpu.dma_semaphore, #tpu.memory_space<semaphore_mem>>) src(%dma_wait3A_32 : memref<8x4096xi32, #tpu.memory_space<hbm>>) dst(%arg5 : memref<8x4096xi32, #tpu.memory_space<vmem>>)
    %broadcast_in_dim3A_33 = arith.constant 1 : i32
    %broadcast_in_dim3A_34 = vector.broadcast %broadcast_in_dim3A_33 : i32 to vector<16xi32>
    %parallel_loop3A_35 = arith.constant 0 : i32
    %parallel_loop3A_36 = arith.constant 256 : i32
    %parallel_loop3A_37 = arith.constant 1 : i32
    scf.for %parallel_loop3A_247 = %parallel_loop3A_35 to %parallel_loop3A_36 step %parallel_loop3A_37  : i32 {
      %parallel_loop3A_248 = arith.constant 16 : i32
      %parallel_loop3A_249 = arith.muli %parallel_loop3A_247, %parallel_loop3A_248 : i32
      %parallel_loop3A_250 = arith.constant 0 : i32
      %parallel_loop3A_251 = arith.index_cast %parallel_loop3A_250 : i32 to index
      %parallel_loop3A_252 = arith.index_cast %parallel_loop3A_249 : i32 to index
      %parallel_loop3A_253 = tpu.vector_load %arg5[%parallel_loop3A_251, %parallel_loop3A_252] {strides = array<i32>} : memref<8x4096xi32, #tpu.memory_space<vmem>>, vector<16xi32>,
      tpu.vector_store_idx %arg6[%parallel_loop3A_253], %broadcast_in_dim3A_34 {add = true} : memref<20480xi32, #tpu.memory_space<vmem>>[vector<16xi32>], vector<16xi32>,
      %parallel_loop3A_254 = arith.constant 16 : i32
      %parallel_loop3A_255 = arith.muli %parallel_loop3A_247, %parallel_loop3A_254 : i32
      %parallel_loop3A_256 = arith.constant 1 : i32
      %parallel_loop3A_257 = arith.index_cast %parallel_loop3A_256 : i32 to index
      %parallel_loop3A_258 = arith.index_cast %parallel_loop3A_255 : i32 to index
      %parallel_loop3A_259 = tpu.vector_load %arg5[%parallel_loop3A_257, %parallel_loop3A_258] {strides = array<i32>} : memref<8x4096xi32, #tpu.memory_space<vmem>>, vector<16xi32>,
      tpu.vector_store_idx %arg7[%parallel_loop3A_259], %broadcast_in_dim3A_34 {add = true} : memref<20480xi32, #tpu.memory_space<vmem>>[vector<16xi32>], vector<16xi32>,
      %parallel_loop3A_260 = arith.constant 16 : i32
      %parallel_loop3A_261 = arith.muli %parallel_loop3A_247, %parallel_loop3A_260 : i32
      %parallel_loop3A_262 = arith.constant 2 : i32
      %parallel_loop3A_263 = arith.index_cast %parallel_loop3A_262 : i32 to index
      %parallel_loop3A_264 = arith.index_cast %parallel_loop3A_261 : i32 to index
      %parallel_loop3A_265 = tpu.vector_load %arg5[%parallel_loop3A_263, %parallel_loop3A_264] {strides = array<i32>} : memref<8x4096xi32, #tpu.memory_space<vmem>>, vector<16xi32>,
      tpu.vector_store_idx %arg6[%parallel_loop3A_265], %broadcast_in_dim3A_34 {add = true} : memref<20480xi32, #tpu.memory_space<vmem>>[vector<16xi32>], vector<16xi32>,
      %parallel_loop3A_266 = arith.constant 16 : i32
      %parallel_loop3A_267 = arith.muli %parallel_loop3A_247, %parallel_loop3A_266 : i32
      %parallel_loop3A_268 = arith.constant 3 : i32
      %parallel_loop3A_269 = arith.index_cast %parallel_loop3A_268 : i32 to index
      %parallel_loop3A_270 = arith.index_cast %parallel_loop3A_267 : i32 to index
      %parallel_loop3A_271 = tpu.vector_load %arg5[%parallel_loop3A_269, %parallel_loop3A_270] {strides = array<i32>} : memref<8x4096xi32, #tpu.memory_space<vmem>>, vector<16xi32>,
      tpu.vector_store_idx %arg7[%parallel_loop3A_271], %broadcast_in_dim3A_34 {add = true} : memref<20480xi32, #tpu.memory_space<vmem>>[vector<16xi32>], vector<16xi32>,
      %parallel_loop3A_272 = arith.constant 16 : i32
      %parallel_loop3A_273 = arith.muli %parallel_loop3A_247, %parallel_loop3A_272 : i32
      %parallel_loop3A_274 = arith.constant 4 : i32
      %parallel_loop3A_275 = arith.index_cast %parallel_loop3A_274 : i32 to index
      %parallel_loop3A_276 = arith.index_cast %parallel_loop3A_273 : i32 to index
      %parallel_loop3A_277 = tpu.vector_load %arg5[%parallel_loop3A_275, %parallel_loop3A_276] {strides = array<i32>} : memref<8x4096xi32, #tpu.memory_space<vmem>>, vector<16xi32>,
      tpu.vector_store_idx %arg6[%parallel_loop3A_277], %broadcast_in_dim3A_34 {add = true} : memref<20480xi32, #tpu.memory_space<vmem>>[vector<16xi32>], vector<16xi32>,
      %parallel_loop3A_278 = arith.constant 16 : i32
      %parallel_loop3A_279 = arith.muli %parallel_loop3A_247, %parallel_loop3A_278 : i32
      %parallel_loop3A_280 = arith.constant 5 : i32
      %parallel_loop3A_281 = arith.index_cast %parallel_loop3A_280 : i32 to index
      %parallel_loop3A_282 = arith.index_cast %parallel_loop3A_279 : i32 to index
      %parallel_loop3A_283 = tpu.vector_load %arg5[%parallel_loop3A_281, %parallel_loop3A_282] {strides = array<i32>} : memref<8x4096xi32, #tpu.memory_space<vmem>>, vector<16xi32>,
      tpu.vector_store_idx %arg7[%parallel_loop3A_283], %broadcast_in_dim3A_34 {add = true} : memref<20480xi32, #tpu.memory_space<vmem>>[vector<16xi32>], vector<16xi32>,
      %parallel_loop3A_284 = arith.constant 16 : i32
      %parallel_loop3A_285 = arith.muli %parallel_loop3A_247, %parallel_loop3A_284 : i32
      %parallel_loop3A_286 = arith.constant 6 : i32
      %parallel_loop3A_287 = arith.index_cast %parallel_loop3A_286 : i32 to index
      %parallel_loop3A_288 = arith.index_cast %parallel_loop3A_285 : i32 to index
      %parallel_loop3A_289 = tpu.vector_load %arg5[%parallel_loop3A_287, %parallel_loop3A_288] {strides = array<i32>} : memref<8x4096xi32, #tpu.memory_space<vmem>>, vector<16xi32>,
      tpu.vector_store_idx %arg6[%parallel_loop3A_289], %broadcast_in_dim3A_34 {add = true} : memref<20480xi32, #tpu.memory_space<vmem>>[vector<16xi32>], vector<16xi32>,
      %parallel_loop3A_290 = arith.constant 16 : i32
      %parallel_loop3A_291 = arith.muli %parallel_loop3A_247, %parallel_loop3A_290 : i32
      %parallel_loop3A_292 = arith.constant 7 : i32
      %parallel_loop3A_293 = arith.index_cast %parallel_loop3A_292 : i32 to index
      %parallel_loop3A_294 = arith.index_cast %parallel_loop3A_291 : i32 to index
      %parallel_loop3A_295 = tpu.vector_load %arg5[%parallel_loop3A_293, %parallel_loop3A_294] {strides = array<i32>} : memref<8x4096xi32, #tpu.memory_space<vmem>>, vector<16xi32>,
      tpu.vector_store_idx %arg7[%parallel_loop3A_295], %broadcast_in_dim3A_34 {add = true} : memref<20480xi32, #tpu.memory_space<vmem>>[vector<16xi32>], vector<16xi32>,
    } {sc.loop_unroll_factor = 2 : i64, sc.parallel_access}
    %add3A_38 = arith.constant 24 : i32
    %add3A_39 = arith.addi %mul3A_3, %add3A_38 : i32
    %dma_start3A_40 = arith.constant 0 : i32
    %dma_start3A_41 = tpu.memref_slice %arg2[%add3A_39, %dma_start3A_40] : memref<4096x4096xi32, #tpu.memory_space<hbm>> -> memref<8x4096xi32, #tpu.memory_space<hbm>>
    %dma_start3A_42 = arith.constant 0 : i32
    %dma_start3A_43 = tpu.memref_slice %arg2[%add3A_39, %dma_start3A_42] : memref<4096x4096xi32, #tpu.memory_space<hbm>> -> memref<8x4096xi32, #tpu.memory_space<hbm>>
    tpu.enqueue_dma source(%dma_start3A_43 : memref<8x4096xi32, #tpu.memory_space<hbm>>) target(%arg5 : memref<8x4096xi32, #tpu.memory_space<vmem>>) target_semaphore(%arg9 : memref<!tpu.dma_semaphore, #tpu.memory_space<semaphore_mem>>)
    %dma_wait3A_44 = arith.constant 0 : i32
    %dma_wait3A_45 = tpu.memref_slice %arg2[%add3A_24, %dma_wait3A_44] : memref<4096x4096xi32, #tpu.memory_space<hbm>> -> memref<8x4096xi32, #tpu.memory_space<hbm>>
    %dma_wait3A_46 = arith.constant 0 : i32
    %dma_wait3A_47 = tpu.memref_slice %arg2[%add3A_24, %dma_wait3A_46] : memref<4096x4096xi32, #tpu.memory_space<hbm>> -> memref<8x4096xi32, #tpu.memory_space<hbm>>
    tpu.wait_dma2 semaphore(%arg8 : memref<!tpu.dma_semaphore, #tpu.memory_space<semaphore_mem>>) src(%dma_wait3A_47 : memref<8x4096xi32, #tpu.memory_space<hbm>>) dst(%arg4 : memref<8x4096xi32, #tpu.memory_space<vmem>>)
    %broadcast_in_dim3A_48 = arith.constant 1 : i32
    %broadcast_in_dim3A_49 = vector.broadcast %broadcast_in_dim3A_48 : i32 to vector<16xi32>
    %parallel_loop3A_50 = arith.constant 0 : i32
    %parallel_loop3A_51 = arith.constant 256 : i32
    %parallel_loop3A_52 = arith.constant 1 : i32
    scf.for %parallel_loop3A_247 = %parallel_loop3A_50 to %parallel_loop3A_51 step %parallel_loop3A_52  : i32 {
      %parallel_loop3A_248 = arith.constant 16 : i32
      %parallel_loop3A_249 = arith.muli %parallel_loop3A_247, %parallel_loop3A_248 : i32
      %parallel_loop3A_250 = arith.constant 0 : i32
      %parallel_loop3A_251 = arith.index_cast %parallel_loop3A_250 : i32 to index
      %parallel_loop3A_252 = arith.index_cast %parallel_loop3A_249 : i32 to index
      %parallel_loop3A_253 = tpu.vector_load %arg4[%parallel_loop3A_251, %parallel_loop3A_252] {strides = array<i32>} : memref<8x4096xi32, #tpu.memory_space<vmem>>, vector<16xi32>,
      tpu.vector_store_idx %arg6[%parallel_loop3A_253], %broadcast_in_dim3A_49 {add = true} : memref<20480xi32, #tpu.memory_space<vmem>>[vector<16xi32>], vector<16xi32>,
      %parallel_loop3A_254 = arith.constant 16 : i32
      %parallel_loop3A_255 = arith.muli %parallel_loop3A_247, %parallel_loop3A_254 : i32
      %parallel_loop3A_256 = arith.constant 1 : i32
      %parallel_loop3A_257 = arith.index_cast %parallel_loop3A_256 : i32 to index
      %parallel_loop3A_258 = arith.index_cast %parallel_loop3A_255 : i32 to index
      %parallel_loop3A_259 = tpu.vector_load %arg4[%parallel_loop3A_257, %parallel_loop3A_258] {strides = array<i32>} : memref<8x4096xi32, #tpu.memory_space<vmem>>, vector<16xi32>,
      tpu.vector_store_idx %arg7[%parallel_loop3A_259], %broadcast_in_dim3A_49 {add = true} : memref<20480xi32, #tpu.memory_space<vmem>>[vector<16xi32>], vector<16xi32>,
      %parallel_loop3A_260 = arith.constant 16 : i32
      %parallel_loop3A_261 = arith.muli %parallel_loop3A_247, %parallel_loop3A_260 : i32
      %parallel_loop3A_262 = arith.constant 2 : i32
      %parallel_loop3A_263 = arith.index_cast %parallel_loop3A_262 : i32 to index
      %parallel_loop3A_264 = arith.index_cast %parallel_loop3A_261 : i32 to index
      %parallel_loop3A_265 = tpu.vector_load %arg4[%parallel_loop3A_263, %parallel_loop3A_264] {strides = array<i32>} : memref<8x4096xi32, #tpu.memory_space<vmem>>, vector<16xi32>,
      tpu.vector_store_idx %arg6[%parallel_loop3A_265], %broadcast_in_dim3A_49 {add = true} : memref<20480xi32, #tpu.memory_space<vmem>>[vector<16xi32>], vector<16xi32>,
      %parallel_loop3A_266 = arith.constant 16 : i32
      %parallel_loop3A_267 = arith.muli %parallel_loop3A_247, %parallel_loop3A_266 : i32
      %parallel_loop3A_268 = arith.constant 3 : i32
      %parallel_loop3A_269 = arith.index_cast %parallel_loop3A_268 : i32 to index
      %parallel_loop3A_270 = arith.index_cast %parallel_loop3A_267 : i32 to index
      %parallel_loop3A_271 = tpu.vector_load %arg4[%parallel_loop3A_269, %parallel_loop3A_270] {strides = array<i32>} : memref<8x4096xi32, #tpu.memory_space<vmem>>, vector<16xi32>,
      tpu.vector_store_idx %arg7[%parallel_loop3A_271], %broadcast_in_dim3A_49 {add = true} : memref<20480xi32, #tpu.memory_space<vmem>>[vector<16xi32>], vector<16xi32>,
      %parallel_loop3A_272 = arith.constant 16 : i32
      %parallel_loop3A_273 = arith.muli %parallel_loop3A_247, %parallel_loop3A_272 : i32
      %parallel_loop3A_274 = arith.constant 4 : i32
      %parallel_loop3A_275 = arith.index_cast %parallel_loop3A_274 : i32 to index
      %parallel_loop3A_276 = arith.index_cast %parallel_loop3A_273 : i32 to index
      %parallel_loop3A_277 = tpu.vector_load %arg4[%parallel_loop3A_275, %parallel_loop3A_276] {strides = array<i32>} : memref<8x4096xi32, #tpu.memory_space<vmem>>, vector<16xi32>,
      tpu.vector_store_idx %arg6[%parallel_loop3A_277], %broadcast_in_dim3A_49 {add = true} : memref<20480xi32, #tpu.memory_space<vmem>>[vector<16xi32>], vector<16xi32>,
      %parallel_loop3A_278 = arith.constant 16 : i32
      %parallel_loop3A_279 = arith.muli %parallel_loop3A_247, %parallel_loop3A_278 : i32
      %parallel_loop3A_280 = arith.constant 5 : i32
      %parallel_loop3A_281 = arith.index_cast %parallel_loop3A_280 : i32 to index
      %parallel_loop3A_282 = arith.index_cast %parallel_loop3A_279 : i32 to index
      %parallel_loop3A_283 = tpu.vector_load %arg4[%parallel_loop3A_281, %parallel_loop3A_282] {strides = array<i32>} : memref<8x4096xi32, #tpu.memory_space<vmem>>, vector<16xi32>,
      tpu.vector_store_idx %arg7[%parallel_loop3A_283], %broadcast_in_dim3A_49 {add = true} : memref<20480xi32, #tpu.memory_space<vmem>>[vector<16xi32>], vector<16xi32>,
      %parallel_loop3A_284 = arith.constant 16 : i32
      %parallel_loop3A_285 = arith.muli %parallel_loop3A_247, %parallel_loop3A_284 : i32
      %parallel_loop3A_286 = arith.constant 6 : i32
      %parallel_loop3A_287 = arith.index_cast %parallel_loop3A_286 : i32 to index
      %parallel_loop3A_288 = arith.index_cast %parallel_loop3A_285 : i32 to index
      %parallel_loop3A_289 = tpu.vector_load %arg4[%parallel_loop3A_287, %parallel_loop3A_288] {strides = array<i32>} : memref<8x4096xi32, #tpu.memory_space<vmem>>, vector<16xi32>,
      tpu.vector_store_idx %arg6[%parallel_loop3A_289], %broadcast_in_dim3A_49 {add = true} : memref<20480xi32, #tpu.memory_space<vmem>>[vector<16xi32>], vector<16xi32>,
      %parallel_loop3A_290 = arith.constant 16 : i32
      %parallel_loop3A_291 = arith.muli %parallel_loop3A_247, %parallel_loop3A_290 : i32
      %parallel_loop3A_292 = arith.constant 7 : i32
      %parallel_loop3A_293 = arith.index_cast %parallel_loop3A_292 : i32 to index
      %parallel_loop3A_294 = arith.index_cast %parallel_loop3A_291 : i32 to index
      %parallel_loop3A_295 = tpu.vector_load %arg4[%parallel_loop3A_293, %parallel_loop3A_294] {strides = array<i32>} : memref<8x4096xi32, #tpu.memory_space<vmem>>, vector<16xi32>,
      tpu.vector_store_idx %arg7[%parallel_loop3A_295], %broadcast_in_dim3A_49 {add = true} : memref<20480xi32, #tpu.memory_space<vmem>>[vector<16xi32>], vector<16xi32>,
    } {sc.loop_unroll_factor = 2 : i64, sc.parallel_access}
    %add3A_53 = arith.constant 32 : i32
    %add3A_54 = arith.addi %mul3A_3, %add3A_53 : i32
    %dma_start3A_55 = arith.constant 0 : i32
    %dma_start3A_56 = tpu.memref_slice %arg2[%add3A_54, %dma_start3A_55] : memref<4096x4096xi32, #tpu.memory_space<hbm>> -> memref<8x4096xi32, #tpu.memory_space<hbm>>
    %dma_start3A_57 = arith.constant 0 : i32
    %dma_start3A_58 = tpu.memref_slice %arg2[%add3A_54, %dma_start3A_57] : memref<4096x4096xi32, #tpu.memory_space<hbm>> -> memref<8x4096xi32, #tpu.memory_space<hbm>>
    tpu.enqueue_dma source(%dma_start3A_58 : memref<8x4096xi32, #tpu.memory_space<hbm>>) target(%arg4 : memref<8x4096xi32, #tpu.memory_space<vmem>>) target_semaphore(%arg8 : memref<!tpu.dma_semaphore, #tpu.memory_space<semaphore_mem>>)
    %dma_wait3A_59 = arith.constant 0 : i32
    %dma_wait3A_60 = tpu.memref_slice %arg2[%add3A_39, %dma_wait3A_59] : memref<4096x4096xi32, #tpu.memory_space<hbm>> -> memref<8x4096xi32, #tpu.memory_space<hbm>>
    %dma_wait3A_61 = arith.constant 0 : i32
    %dma_wait3A_62 = tpu.memref_slice %arg2[%add3A_39, %dma_wait3A_61] : memref<4096x4096xi32, #tpu.memory_space<hbm>> -> memref<8x4096xi32, #tpu.memory_space<hbm>>
    tpu.wait_dma2 semaphore(%arg9 : memref<!tpu.dma_semaphore, #tpu.memory_space<semaphore_mem>>) src(%dma_wait3A_62 : memref<8x4096xi32, #tpu.memory_space<hbm>>) dst(%arg5 : memref<8x4096xi32, #tpu.memory_space<vmem>>)
    %broadcast_in_dim3A_63 = arith.constant 1 : i32
    %broadcast_in_dim3A_64 = vector.broadcast %broadcast_in_dim3A_63 : i32 to vector<16xi32>
    %parallel_loop3A_65 = arith.constant 0 : i32
    %parallel_loop3A_66 = arith.constant 256 : i32
    %parallel_loop3A_67 = arith.constant 1 : i32
    scf.for %parallel_loop3A_247 = %parallel_loop3A_65 to %parallel_loop3A_66 step %parallel_loop3A_67  : i32 {
      %parallel_loop3A_248 = arith.constant 16 : i32
      %parallel_loop3A_249 = arith.muli %parallel_loop3A_247, %parallel_loop3A_248 : i32
      %parallel_loop3A_250 = arith.constant 0 : i32
      %parallel_loop3A_251 = arith.index_cast %parallel_loop3A_250 : i32 to index
      %parallel_loop3A_252 = arith.index_cast %parallel_loop3A_249 : i32 to index
      %parallel_loop3A_253 = tpu.vector_load %arg5[%parallel_loop3A_251, %parallel_loop3A_252] {strides = array<i32>} : memref<8x4096xi32, #tpu.memory_space<vmem>>, vector<16xi32>,
      tpu.vector_store_idx %arg6[%parallel_loop3A_253], %broadcast_in_dim3A_64 {add = true} : memref<20480xi32, #tpu.memory_space<vmem>>[vector<16xi32>], vector<16xi32>,
      %parallel_loop3A_254 = arith.constant 16 : i32
      %parallel_loop3A_255 = arith.muli %parallel_loop3A_247, %parallel_loop3A_254 : i32
      %parallel_loop3A_256 = arith.constant 1 : i32
      %parallel_loop3A_257 = arith.index_cast %parallel_loop3A_256 : i32 to index
      %parallel_loop3A_258 = arith.index_cast %parallel_loop3A_255 : i32 to index
      %parallel_loop3A_259 = tpu.vector_load %arg5[%parallel_loop3A_257, %parallel_loop3A_258] {strides = array<i32>} : memref<8x4096xi32, #tpu.memory_space<vmem>>, vector<16xi32>,
      tpu.vector_store_idx %arg7[%parallel_loop3A_259], %broadcast_in_dim3A_64 {add = true} : memref<20480xi32, #tpu.memory_space<vmem>>[vector<16xi32>], vector<16xi32>,
      %parallel_loop3A_260 = arith.constant 16 : i32
      %parallel_loop3A_261 = arith.muli %parallel_loop3A_247, %parallel_loop3A_260 : i32
      %parallel_loop3A_262 = arith.constant 2 : i32
      %parallel_loop3A_263 = arith.index_cast %parallel_loop3A_262 : i32 to index
      %parallel_loop3A_264 = arith.index_cast %parallel_loop3A_261 : i32 to index
      %parallel_loop3A_265 = tpu.vector_load %arg5[%parallel_loop3A_263, %parallel_loop3A_264] {strides = array<i32>} : memref<8x4096xi32, #tpu.memory_space<vmem>>, vector<16xi32>,
      tpu.vector_store_idx %arg6[%parallel_loop3A_265], %broadcast_in_dim3A_64 {add = true} : memref<20480xi32, #tpu.memory_space<vmem>>[vector<16xi32>], vector<16xi32>,
      %parallel_loop3A_266 = arith.constant 16 : i32
      %parallel_loop3A_267 = arith.muli %parallel_loop3A_247, %parallel_loop3A_266 : i32
      %parallel_loop3A_268 = arith.constant 3 : i32
      %parallel_loop3A_269 = arith.index_cast %parallel_loop3A_268 : i32 to index
      %parallel_loop3A_270 = arith.index_cast %parallel_loop3A_267 : i32 to index
      %parallel_loop3A_271 = tpu.vector_load %arg5[%parallel_loop3A_269, %parallel_loop3A_270] {strides = array<i32>} : memref<8x4096xi32, #tpu.memory_space<vmem>>, vector<16xi32>,
      tpu.vector_store_idx %arg7[%parallel_loop3A_271], %broadcast_in_dim3A_64 {add = true} : memref<20480xi32, #tpu.memory_space<vmem>>[vector<16xi32>], vector<16xi32>,
      %parallel_loop3A_272 = arith.constant 16 : i32
      %parallel_loop3A_273 = arith.muli %parallel_loop3A_247, %parallel_loop3A_272 : i32
      %parallel_loop3A_274 = arith.constant 4 : i32
      %parallel_loop3A_275 = arith.index_cast %parallel_loop3A_274 : i32 to index
      %parallel_loop3A_276 = arith.index_cast %parallel_loop3A_273 : i32 to index
      %parallel_loop3A_277 = tpu.vector_load %arg5[%parallel_loop3A_275, %parallel_loop3A_276] {strides = array<i32>} : memref<8x4096xi32, #tpu.memory_space<vmem>>, vector<16xi32>,
      tpu.vector_store_idx %arg6[%parallel_loop3A_277], %broadcast_in_dim3A_64 {add = true} : memref<20480xi32, #tpu.memory_space<vmem>>[vector<16xi32>], vector<16xi32>,
      %parallel_loop3A_278 = arith.constant 16 : i32
      %parallel_loop3A_279 = arith.muli %parallel_loop3A_247, %parallel_loop3A_278 : i32
      %parallel_loop3A_280 = arith.constant 5 : i32
      %parallel_loop3A_281 = arith.index_cast %parallel_loop3A_280 : i32 to index
      %parallel_loop3A_282 = arith.index_cast %parallel_loop3A_279 : i32 to index
      %parallel_loop3A_283 = tpu.vector_load %arg5[%parallel_loop3A_281, %parallel_loop3A_282] {strides = array<i32>} : memref<8x4096xi32, #tpu.memory_space<vmem>>, vector<16xi32>,
      tpu.vector_store_idx %arg7[%parallel_loop3A_283], %broadcast_in_dim3A_64 {add = true} : memref<20480xi32, #tpu.memory_space<vmem>>[vector<16xi32>], vector<16xi32>,
      %parallel_loop3A_284 = arith.constant 16 : i32
      %parallel_loop3A_285 = arith.muli %parallel_loop3A_247, %parallel_loop3A_284 : i32
      %parallel_loop3A_286 = arith.constant 6 : i32
      %parallel_loop3A_287 = arith.index_cast %parallel_loop3A_286 : i32 to index
      %parallel_loop3A_288 = arith.index_cast %parallel_loop3A_285 : i32 to index
      %parallel_loop3A_289 = tpu.vector_load %arg5[%parallel_loop3A_287, %parallel_loop3A_288] {strides = array<i32>} : memref<8x4096xi32, #tpu.memory_space<vmem>>, vector<16xi32>,
      tpu.vector_store_idx %arg6[%parallel_loop3A_289], %broadcast_in_dim3A_64 {add = true} : memref<20480xi32, #tpu.memory_space<vmem>>[vector<16xi32>], vector<16xi32>,
      %parallel_loop3A_290 = arith.constant 16 : i32
      %parallel_loop3A_291 = arith.muli %parallel_loop3A_247, %parallel_loop3A_290 : i32
      %parallel_loop3A_292 = arith.constant 7 : i32
      %parallel_loop3A_293 = arith.index_cast %parallel_loop3A_292 : i32 to index
      %parallel_loop3A_294 = arith.index_cast %parallel_loop3A_291 : i32 to index
      %parallel_loop3A_295 = tpu.vector_load %arg5[%parallel_loop3A_293, %parallel_loop3A_294] {strides = array<i32>} : memref<8x4096xi32, #tpu.memory_space<vmem>>, vector<16xi32>,
      tpu.vector_store_idx %arg7[%parallel_loop3A_295], %broadcast_in_dim3A_64 {add = true} : memref<20480xi32, #tpu.memory_space<vmem>>[vector<16xi32>], vector<16xi32>,
    } {sc.loop_unroll_factor = 2 : i64, sc.parallel_access}
    %add3A_68 = arith.constant 40 : i32
    %add3A_69 = arith.addi %mul3A_3, %add3A_68 : i32
    %dma_start3A_70 = arith.constant 0 : i32
    %dma_start3A_71 = tpu.memref_slice %arg2[%add3A_69, %dma_start3A_70] : memref<4096x4096xi32, #tpu.memory_space<hbm>> -> memref<8x4096xi32, #tpu.memory_space<hbm>>
    %dma_start3A_72 = arith.constant 0 : i32
    %dma_start3A_73 = tpu.memref_slice %arg2[%add3A_69, %dma_start3A_72] : memref<4096x4096xi32, #tpu.memory_space<hbm>> -> memref<8x4096xi32, #tpu.memory_space<hbm>>
    tpu.enqueue_dma source(%dma_start3A_73 : memref<8x4096xi32, #tpu.memory_space<hbm>>) target(%arg5 : memref<8x4096xi32, #tpu.memory_space<vmem>>) target_semaphore(%arg9 : memref<!tpu.dma_semaphore, #tpu.memory_space<semaphore_mem>>)
    %dma_wait3A_74 = arith.constant 0 : i32
    %dma_wait3A_75 = tpu.memref_slice %arg2[%add3A_54, %dma_wait3A_74] : memref<4096x4096xi32, #tpu.memory_space<hbm>> -> memref<8x4096xi32, #tpu.memory_space<hbm>>
    %dma_wait3A_76 = arith.constant 0 : i32
    %dma_wait3A_77 = tpu.memref_slice %arg2[%add3A_54, %dma_wait3A_76] : memref<4096x4096xi32, #tpu.memory_space<hbm>> -> memref<8x4096xi32, #tpu.memory_space<hbm>>
    tpu.wait_dma2 semaphore(%arg8 : memref<!tpu.dma_semaphore, #tpu.memory_space<semaphore_mem>>) src(%dma_wait3A_77 : memref<8x4096xi32, #tpu.memory_space<hbm>>) dst(%arg4 : memref<8x4096xi32, #tpu.memory_space<vmem>>)
    %broadcast_in_dim3A_78 = arith.constant 1 : i32
    %broadcast_in_dim3A_79 = vector.broadcast %broadcast_in_dim3A_78 : i32 to vector<16xi32>
    %parallel_loop3A_80 = arith.constant 0 : i32
    %parallel_loop3A_81 = arith.constant 256 : i32
    %parallel_loop3A_82 = arith.constant 1 : i32
    scf.for %parallel_loop3A_247 = %parallel_loop3A_80 to %parallel_loop3A_81 step %parallel_loop3A_82  : i32 {
      %parallel_loop3A_248 = arith.constant 16 : i32
      %parallel_loop3A_249 = arith.muli %parallel_loop3A_247, %parallel_loop3A_248 : i32
      %parallel_loop3A_250 = arith.constant 0 : i32
      %parallel_loop3A_251 = arith.index_cast %parallel_loop3A_250 : i32 to index
      %parallel_loop3A_252 = arith.index_cast %parallel_loop3A_249 : i32 to index
      %parallel_loop3A_253 = tpu.vector_load %arg4[%parallel_loop3A_251, %parallel_loop3A_252] {strides = array<i32>} : memref<8x4096xi32, #tpu.memory_space<vmem>>, vector<16xi32>,
      tpu.vector_store_idx %arg6[%parallel_loop3A_253], %broadcast_in_dim3A_79 {add = true} : memref<20480xi32, #tpu.memory_space<vmem>>[vector<16xi32>], vector<16xi32>,
      %parallel_loop3A_254 = arith.constant 16 : i32
      %parallel_loop3A_255 = arith.muli %parallel_loop3A_247, %parallel_loop3A_254 : i32
      %parallel_loop3A_256 = arith.constant 1 : i32
      %parallel_loop3A_257 = arith.index_cast %parallel_loop3A_256 : i32 to index
      %parallel_loop3A_258 = arith.index_cast %parallel_loop3A_255 : i32 to index
      %parallel_loop3A_259 = tpu.vector_load %arg4[%parallel_loop3A_257, %parallel_loop3A_258] {strides = array<i32>} : memref<8x4096xi32, #tpu.memory_space<vmem>>, vector<16xi32>,
      tpu.vector_store_idx %arg7[%parallel_loop3A_259], %broadcast_in_dim3A_79 {add = true} : memref<20480xi32, #tpu.memory_space<vmem>>[vector<16xi32>], vector<16xi32>,
      %parallel_loop3A_260 = arith.constant 16 : i32
      %parallel_loop3A_261 = arith.muli %parallel_loop3A_247, %parallel_loop3A_260 : i32
      %parallel_loop3A_262 = arith.constant 2 : i32
      %parallel_loop3A_263 = arith.index_cast %parallel_loop3A_262 : i32 to index
      %parallel_loop3A_264 = arith.index_cast %parallel_loop3A_261 : i32 to index
      %parallel_loop3A_265 = tpu.vector_load %arg4[%parallel_loop3A_263, %parallel_loop3A_264] {strides = array<i32>} : memref<8x4096xi32, #tpu.memory_space<vmem>>, vector<16xi32>,
      tpu.vector_store_idx %arg6[%parallel_loop3A_265], %broadcast_in_dim3A_79 {add = true} : memref<20480xi32, #tpu.memory_space<vmem>>[vector<16xi32>], vector<16xi32>,
      %parallel_loop3A_266 = arith.constant 16 : i32
      %parallel_loop3A_267 = arith.muli %parallel_loop3A_247, %parallel_loop3A_266 : i32
      %parallel_loop3A_268 = arith.constant 3 : i32
      %parallel_loop3A_269 = arith.index_cast %parallel_loop3A_268 : i32 to index
      %parallel_loop3A_270 = arith.index_cast %parallel_loop3A_267 : i32 to index
      %parallel_loop3A_271 = tpu.vector_load %arg4[%parallel_loop3A_269, %parallel_loop3A_270] {strides = array<i32>} : memref<8x4096xi32, #tpu.memory_space<vmem>>, vector<16xi32>,
      tpu.vector_store_idx %arg7[%parallel_loop3A_271], %broadcast_in_dim3A_79 {add = true} : memref<20480xi32, #tpu.memory_space<vmem>>[vector<16xi32>], vector<16xi32>,
      %parallel_loop3A_272 = arith.constant 16 : i32
      %parallel_loop3A_273 = arith.muli %parallel_loop3A_247, %parallel_loop3A_272 : i32
      %parallel_loop3A_274 = arith.constant 4 : i32
      %parallel_loop3A_275 = arith.index_cast %parallel_loop3A_274 : i32 to index
      %parallel_loop3A_276 = arith.index_cast %parallel_loop3A_273 : i32 to index
      %parallel_loop3A_277 = tpu.vector_load %arg4[%parallel_loop3A_275, %parallel_loop3A_276] {strides = array<i32>} : memref<8x4096xi32, #tpu.memory_space<vmem>>, vector<16xi32>,
      tpu.vector_store_idx %arg6[%parallel_loop3A_277], %broadcast_in_dim3A_79 {add = true} : memref<20480xi32, #tpu.memory_space<vmem>>[vector<16xi32>], vector<16xi32>,
      %parallel_loop3A_278 = arith.constant 16 : i32
      %parallel_loop3A_279 = arith.muli %parallel_loop3A_247, %parallel_loop3A_278 : i32
      %parallel_loop3A_280 = arith.constant 5 : i32
      %parallel_loop3A_281 = arith.index_cast %parallel_loop3A_280 : i32 to index
      %parallel_loop3A_282 = arith.index_cast %parallel_loop3A_279 : i32 to index
      %parallel_loop3A_283 = tpu.vector_load %arg4[%parallel_loop3A_281, %parallel_loop3A_282] {strides = array<i32>} : memref<8x4096xi32, #tpu.memory_space<vmem>>, vector<16xi32>,
      tpu.vector_store_idx %arg7[%parallel_loop3A_283], %broadcast_in_dim3A_79 {add = true} : memref<20480xi32, #tpu.memory_space<vmem>>[vector<16xi32>], vector<16xi32>,
      %parallel_loop3A_284 = arith.constant 16 : i32
      %parallel_loop3A_285 = arith.muli %parallel_loop3A_247, %parallel_loop3A_284 : i32
      %parallel_loop3A_286 = arith.constant 6 : i32
      %parallel_loop3A_287 = arith.index_cast %parallel_loop3A_286 : i32 to index
      %parallel_loop3A_288 = arith.index_cast %parallel_loop3A_285 : i32 to index
      %parallel_loop3A_289 = tpu.vector_load %arg4[%parallel_loop3A_287, %parallel_loop3A_288] {strides = array<i32>} : memref<8x4096xi32, #tpu.memory_space<vmem>>, vector<16xi32>,
      tpu.vector_store_idx %arg6[%parallel_loop3A_289], %broadcast_in_dim3A_79 {add = true} : memref<20480xi32, #tpu.memory_space<vmem>>[vector<16xi32>], vector<16xi32>,
      %parallel_loop3A_290 = arith.constant 16 : i32
      %parallel_loop3A_291 = arith.muli %parallel_loop3A_247, %parallel_loop3A_290 : i32
      %parallel_loop3A_292 = arith.constant 7 : i32
      %parallel_loop3A_293 = arith.index_cast %parallel_loop3A_292 : i32 to index
      %parallel_loop3A_294 = arith.index_cast %parallel_loop3A_291 : i32 to index
      %parallel_loop3A_295 = tpu.vector_load %arg4[%parallel_loop3A_293, %parallel_loop3A_294] {strides = array<i32>} : memref<8x4096xi32, #tpu.memory_space<vmem>>, vector<16xi32>,
      tpu.vector_store_idx %arg7[%parallel_loop3A_295], %broadcast_in_dim3A_79 {add = true} : memref<20480xi32, #tpu.memory_space<vmem>>[vector<16xi32>], vector<16xi32>,
    } {sc.loop_unroll_factor = 2 : i64, sc.parallel_access}
    %add3A_83 = arith.constant 48 : i32
    %add3A_84 = arith.addi %mul3A_3, %add3A_83 : i32
    %dma_start3A_85 = arith.constant 0 : i32
    %dma_start3A_86 = tpu.memref_slice %arg2[%add3A_84, %dma_start3A_85] : memref<4096x4096xi32, #tpu.memory_space<hbm>> -> memref<8x4096xi32, #tpu.memory_space<hbm>>
    %dma_start3A_87 = arith.constant 0 : i32
    %dma_start3A_88 = tpu.memref_slice %arg2[%add3A_84, %dma_start3A_87] : memref<4096x4096xi32, #tpu.memory_space<hbm>> -> memref<8x4096xi32, #tpu.memory_space<hbm>>
    tpu.enqueue_dma source(%dma_start3A_88 : memref<8x4096xi32, #tpu.memory_space<hbm>>) target(%arg4 : memref<8x4096xi32, #tpu.memory_space<vmem>>) target_semaphore(%arg8 : memref<!tpu.dma_semaphore, #tpu.memory_space<semaphore_mem>>)
    %dma_wait3A_89 = arith.constant 0 : i32
    %dma_wait3A_90 = tpu.memref_slice %arg2[%add3A_69, %dma_wait3A_89] : memref<4096x4096xi32, #tpu.memory_space<hbm>> -> memref<8x4096xi32, #tpu.memory_space<hbm>>
    %dma_wait3A_91 = arith.constant 0 : i32
    %dma_wait3A_92 = tpu.memref_slice %arg2[%add3A_69, %dma_wait3A_91] : memref<4096x4096xi32, #tpu.memory_space<hbm>> -> memref<8x4096xi32, #tpu.memory_space<hbm>>
    tpu.wait_dma2 semaphore(%arg9 : memref<!tpu.dma_semaphore, #tpu.memory_space<semaphore_mem>>) src(%dma_wait3A_92 : memref<8x4096xi32, #tpu.memory_space<hbm>>) dst(%arg5 : memref<8x4096xi32, #tpu.memory_space<vmem>>)
    %broadcast_in_dim3A_93 = arith.constant 1 : i32
    %broadcast_in_dim3A_94 = vector.broadcast %broadcast_in_dim3A_93 : i32 to vector<16xi32>
    %parallel_loop3A_95 = arith.constant 0 : i32
    %parallel_loop3A_96 = arith.constant 256 : i32
    %parallel_loop3A_97 = arith.constant 1 : i32
    scf.for %parallel_loop3A_247 = %parallel_loop3A_95 to %parallel_loop3A_96 step %parallel_loop3A_97  : i32 {
      %parallel_loop3A_248 = arith.constant 16 : i32
      %parallel_loop3A_249 = arith.muli %parallel_loop3A_247, %parallel_loop3A_248 : i32
      %parallel_loop3A_250 = arith.constant 0 : i32
      %parallel_loop3A_251 = arith.index_cast %parallel_loop3A_250 : i32 to index
      %parallel_loop3A_252 = arith.index_cast %parallel_loop3A_249 : i32 to index
      %parallel_loop3A_253 = tpu.vector_load %arg5[%parallel_loop3A_251, %parallel_loop3A_252] {strides = array<i32>} : memref<8x4096xi32, #tpu.memory_space<vmem>>, vector<16xi32>,
      tpu.vector_store_idx %arg6[%parallel_loop3A_253], %broadcast_in_dim3A_94 {add = true} : memref<20480xi32, #tpu.memory_space<vmem>>[vector<16xi32>], vector<16xi32>,
      %parallel_loop3A_254 = arith.constant 16 : i32
      %parallel_loop3A_255 = arith.muli %parallel_loop3A_247, %parallel_loop3A_254 : i32
      %parallel_loop3A_256 = arith.constant 1 : i32
      %parallel_loop3A_257 = arith.index_cast %parallel_loop3A_256 : i32 to index
      %parallel_loop3A_258 = arith.index_cast %parallel_loop3A_255 : i32 to index
      %parallel_loop3A_259 = tpu.vector_load %arg5[%parallel_loop3A_257, %parallel_loop3A_258] {strides = array<i32>} : memref<8x4096xi32, #tpu.memory_space<vmem>>, vector<16xi32>,
      tpu.vector_store_idx %arg7[%parallel_loop3A_259], %broadcast_in_dim3A_94 {add = true} : memref<20480xi32, #tpu.memory_space<vmem>>[vector<16xi32>], vector<16xi32>,
      %parallel_loop3A_260 = arith.constant 16 : i32
      %parallel_loop3A_261 = arith.muli %parallel_loop3A_247, %parallel_loop3A_260 : i32
      %parallel_loop3A_262 = arith.constant 2 : i32
      %parallel_loop3A_263 = arith.index_cast %parallel_loop3A_262 : i32 to index
      %parallel_loop3A_264 = arith.index_cast %parallel_loop3A_261 : i32 to index
      %parallel_loop3A_265 = tpu.vector_load %arg5[%parallel_loop3A_263, %parallel_loop3A_264] {strides = array<i32>} : memref<8x4096xi32, #tpu.memory_space<vmem>>, vector<16xi32>,
      tpu.vector_store_idx %arg6[%parallel_loop3A_265], %broadcast_in_dim3A_94 {add = true} : memref<20480xi32, #tpu.memory_space<vmem>>[vector<16xi32>], vector<16xi32>,
      %parallel_loop3A_266 = arith.constant 16 : i32
      %parallel_loop3A_267 = arith.muli %parallel_loop3A_247, %parallel_loop3A_266 : i32
      %parallel_loop3A_268 = arith.constant 3 : i32
      %parallel_loop3A_269 = arith.index_cast %parallel_loop3A_268 : i32 to index
      %parallel_loop3A_270 = arith.index_cast %parallel_loop3A_267 : i32 to index
      %parallel_loop3A_271 = tpu.vector_load %arg5[%parallel_loop3A_269, %parallel_loop3A_270] {strides = array<i32>} : memref<8x4096xi32, #tpu.memory_space<vmem>>, vector<16xi32>,
      tpu.vector_store_idx %arg7[%parallel_loop3A_271], %broadcast_in_dim3A_94 {add = true} : memref<20480xi32, #tpu.memory_space<vmem>>[vector<16xi32>], vector<16xi32>,
      %parallel_loop3A_272 = arith.constant 16 : i32
      %parallel_loop3A_273 = arith.muli %parallel_loop3A_247, %parallel_loop3A_272 : i32
      %parallel_loop3A_274 = arith.constant 4 : i32
      %parallel_loop3A_275 = arith.index_cast %parallel_loop3A_274 : i32 to index
      %parallel_loop3A_276 = arith.index_cast %parallel_loop3A_273 : i32 to index
      %parallel_loop3A_277 = tpu.vector_load %arg5[%parallel_loop3A_275, %parallel_loop3A_276] {strides = array<i32>} : memref<8x4096xi32, #tpu.memory_space<vmem>>, vector<16xi32>,
      tpu.vector_store_idx %arg6[%parallel_loop3A_277], %broadcast_in_dim3A_94 {add = true} : memref<20480xi32, #tpu.memory_space<vmem>>[vector<16xi32>], vector<16xi32>,
      %parallel_loop3A_278 = arith.constant 16 : i32
      %parallel_loop3A_279 = arith.muli %parallel_loop3A_247, %parallel_loop3A_278 : i32
      %parallel_loop3A_280 = arith.constant 5 : i32
      %parallel_loop3A_281 = arith.index_cast %parallel_loop3A_280 : i32 to index
      %parallel_loop3A_282 = arith.index_cast %parallel_loop3A_279 : i32 to index
      %parallel_loop3A_283 = tpu.vector_load %arg5[%parallel_loop3A_281, %parallel_loop3A_282] {strides = array<i32>} : memref<8x4096xi32, #tpu.memory_space<vmem>>, vector<16xi32>,
      tpu.vector_store_idx %arg7[%parallel_loop3A_283], %broadcast_in_dim3A_94 {add = true} : memref<20480xi32, #tpu.memory_space<vmem>>[vector<16xi32>], vector<16xi32>,
      %parallel_loop3A_284 = arith.constant 16 : i32
      %parallel_loop3A_285 = arith.muli %parallel_loop3A_247, %parallel_loop3A_284 : i32
      %parallel_loop3A_286 = arith.constant 6 : i32
      %parallel_loop3A_287 = arith.index_cast %parallel_loop3A_286 : i32 to index
      %parallel_loop3A_288 = arith.index_cast %parallel_loop3A_285 : i32 to index
      %parallel_loop3A_289 = tpu.vector_load %arg5[%parallel_loop3A_287, %parallel_loop3A_288] {strides = array<i32>} : memref<8x4096xi32, #tpu.memory_space<vmem>>, vector<16xi32>,
      tpu.vector_store_idx %arg6[%parallel_loop3A_289], %broadcast_in_dim3A_94 {add = true} : memref<20480xi32, #tpu.memory_space<vmem>>[vector<16xi32>], vector<16xi32>,
      %parallel_loop3A_290 = arith.constant 16 : i32
      %parallel_loop3A_291 = arith.muli %parallel_loop3A_247, %parallel_loop3A_290 : i32
      %parallel_loop3A_292 = arith.constant 7 : i32
      %parallel_loop3A_293 = arith.index_cast %parallel_loop3A_292 : i32 to index
      %parallel_loop3A_294 = arith.index_cast %parallel_loop3A_291 : i32 to index
      %parallel_loop3A_295 = tpu.vector_load %arg5[%parallel_loop3A_293, %parallel_loop3A_294] {strides = array<i32>} : memref<8x4096xi32, #tpu.memory_space<vmem>>, vector<16xi32>,
      tpu.vector_store_idx %arg7[%parallel_loop3A_295], %broadcast_in_dim3A_94 {add = true} : memref<20480xi32, #tpu.memory_space<vmem>>[vector<16xi32>], vector<16xi32>,
    } {sc.loop_unroll_factor = 2 : i64, sc.parallel_access}
    %add3A_98 = arith.constant 56 : i32
    %add3A_99 = arith.addi %mul3A_3, %add3A_98 : i32
    %dma_start3A_100 = arith.constant 0 : i32
    %dma_start3A_101 = tpu.memref_slice %arg2[%add3A_99, %dma_start3A_100] : memref<4096x4096xi32, #tpu.memory_space<hbm>> -> memref<8x4096xi32, #tpu.memory_space<hbm>>
    %dma_start3A_102 = arith.constant 0 : i32
    %dma_start3A_103 = tpu.memref_slice %arg2[%add3A_99, %dma_start3A_102] : memref<4096x4096xi32, #tpu.memory_space<hbm>> -> memref<8x4096xi32, #tpu.memory_space<hbm>>
    tpu.enqueue_dma source(%dma_start3A_103 : memref<8x4096xi32, #tpu.memory_space<hbm>>) target(%arg5 : memref<8x4096xi32, #tpu.memory_space<vmem>>) target_semaphore(%arg9 : memref<!tpu.dma_semaphore, #tpu.memory_space<semaphore_mem>>)
    %dma_wait3A_104 = arith.constant 0 : i32
    %dma_wait3A_105 = tpu.memref_slice %arg2[%add3A_84, %dma_wait3A_104] : memref<4096x4096xi32, #tpu.memory_space<hbm>> -> memref<8x4096xi32, #tpu.memory_space<hbm>>
    %dma_wait3A_106 = arith.constant 0 : i32
    %dma_wait3A_107 = tpu.memref_slice %arg2[%add3A_84, %dma_wait3A_106] : memref<4096x4096xi32, #tpu.memory_space<hbm>> -> memref<8x4096xi32, #tpu.memory_space<hbm>>
    tpu.wait_dma2 semaphore(%arg8 : memref<!tpu.dma_semaphore, #tpu.memory_space<semaphore_mem>>) src(%dma_wait3A_107 : memref<8x4096xi32, #tpu.memory_space<hbm>>) dst(%arg4 : memref<8x4096xi32, #tpu.memory_space<vmem>>)
    %broadcast_in_dim3A_108 = arith.constant 1 : i32
    %broadcast_in_dim3A_109 = vector.broadcast %broadcast_in_dim3A_108 : i32 to vector<16xi32>
    %parallel_loop3A_110 = arith.constant 0 : i32
    %parallel_loop3A_111 = arith.constant 256 : i32
    %parallel_loop3A_112 = arith.constant 1 : i32
    scf.for %parallel_loop3A_247 = %parallel_loop3A_110 to %parallel_loop3A_111 step %parallel_loop3A_112  : i32 {
      %parallel_loop3A_248 = arith.constant 16 : i32
      %parallel_loop3A_249 = arith.muli %parallel_loop3A_247, %parallel_loop3A_248 : i32
      %parallel_loop3A_250 = arith.constant 0 : i32
      %parallel_loop3A_251 = arith.index_cast %parallel_loop3A_250 : i32 to index
      %parallel_loop3A_252 = arith.index_cast %parallel_loop3A_249 : i32 to index
      %parallel_loop3A_253 = tpu.vector_load %arg4[%parallel_loop3A_251, %parallel_loop3A_252] {strides = array<i32>} : memref<8x4096xi32, #tpu.memory_space<vmem>>, vector<16xi32>,
      tpu.vector_store_idx %arg6[%parallel_loop3A_253], %broadcast_in_dim3A_109 {add = true} : memref<20480xi32, #tpu.memory_space<vmem>>[vector<16xi32>], vector<16xi32>,
      %parallel_loop3A_254 = arith.constant 16 : i32
      %parallel_loop3A_255 = arith.muli %parallel_loop3A_247, %parallel_loop3A_254 : i32
      %parallel_loop3A_256 = arith.constant 1 : i32
      %parallel_loop3A_257 = arith.index_cast %parallel_loop3A_256 : i32 to index
      %parallel_loop3A_258 = arith.index_cast %parallel_loop3A_255 : i32 to index
      %parallel_loop3A_259 = tpu.vector_load %arg4[%parallel_loop3A_257, %parallel_loop3A_258] {strides = array<i32>} : memref<8x4096xi32, #tpu.memory_space<vmem>>, vector<16xi32>,
      tpu.vector_store_idx %arg7[%parallel_loop3A_259], %broadcast_in_dim3A_109 {add = true} : memref<20480xi32, #tpu.memory_space<vmem>>[vector<16xi32>], vector<16xi32>,
      %parallel_loop3A_260 = arith.constant 16 : i32
      %parallel_loop3A_261 = arith.muli %parallel_loop3A_247, %parallel_loop3A_260 : i32
      %parallel_loop3A_262 = arith.constant 2 : i32
      %parallel_loop3A_263 = arith.index_cast %parallel_loop3A_262 : i32 to index
      %parallel_loop3A_264 = arith.index_cast %parallel_loop3A_261 : i32 to index
      %parallel_loop3A_265 = tpu.vector_load %arg4[%parallel_loop3A_263, %parallel_loop3A_264] {strides = array<i32>} : memref<8x4096xi32, #tpu.memory_space<vmem>>, vector<16xi32>,
      tpu.vector_store_idx %arg6[%parallel_loop3A_265], %broadcast_in_dim3A_109 {add = true} : memref<20480xi32, #tpu.memory_space<vmem>>[vector<16xi32>], vector<16xi32>,
      %parallel_loop3A_266 = arith.constant 16 : i32
      %parallel_loop3A_267 = arith.muli %parallel_loop3A_247, %parallel_loop3A_266 : i32
      %parallel_loop3A_268 = arith.constant 3 : i32
      %parallel_loop3A_269 = arith.index_cast %parallel_loop3A_268 : i32 to index
      %parallel_loop3A_270 = arith.index_cast %parallel_loop3A_267 : i32 to index
      %parallel_loop3A_271 = tpu.vector_load %arg4[%parallel_loop3A_269, %parallel_loop3A_270] {strides = array<i32>} : memref<8x4096xi32, #tpu.memory_space<vmem>>, vector<16xi32>,
      tpu.vector_store_idx %arg7[%parallel_loop3A_271], %broadcast_in_dim3A_109 {add = true} : memref<20480xi32, #tpu.memory_space<vmem>>[vector<16xi32>], vector<16xi32>,
      %parallel_loop3A_272 = arith.constant 16 : i32
      %parallel_loop3A_273 = arith.muli %parallel_loop3A_247, %parallel_loop3A_272 : i32
      %parallel_loop3A_274 = arith.constant 4 : i32
      %parallel_loop3A_275 = arith.index_cast %parallel_loop3A_274 : i32 to index
      %parallel_loop3A_276 = arith.index_cast %parallel_loop3A_273 : i32 to index
      %parallel_loop3A_277 = tpu.vector_load %arg4[%parallel_loop3A_275, %parallel_loop3A_276] {strides = array<i32>} : memref<8x4096xi32, #tpu.memory_space<vmem>>, vector<16xi32>,
      tpu.vector_store_idx %arg6[%parallel_loop3A_277], %broadcast_in_dim3A_109 {add = true} : memref<20480xi32, #tpu.memory_space<vmem>>[vector<16xi32>], vector<16xi32>,
      %parallel_loop3A_278 = arith.constant 16 : i32
      %parallel_loop3A_279 = arith.muli %parallel_loop3A_247, %parallel_loop3A_278 : i32
      %parallel_loop3A_280 = arith.constant 5 : i32
      %parallel_loop3A_281 = arith.index_cast %parallel_loop3A_280 : i32 to index
      %parallel_loop3A_282 = arith.index_cast %parallel_loop3A_279 : i32 to index
      %parallel_loop3A_283 = tpu.vector_load %arg4[%parallel_loop3A_281, %parallel_loop3A_282] {strides = array<i32>} : memref<8x4096xi32, #tpu.memory_space<vmem>>, vector<16xi32>,
      tpu.vector_store_idx %arg7[%parallel_loop3A_283], %broadcast_in_dim3A_109 {add = true} : memref<20480xi32, #tpu.memory_space<vmem>>[vector<16xi32>], vector<16xi32>,
      %parallel_loop3A_284 = arith.constant 16 : i32
      %parallel_loop3A_285 = arith.muli %parallel_loop3A_247, %parallel_loop3A_284 : i32
      %parallel_loop3A_286 = arith.constant 6 : i32
      %parallel_loop3A_287 = arith.index_cast %parallel_loop3A_286 : i32 to index
      %parallel_loop3A_288 = arith.index_cast %parallel_loop3A_285 : i32 to index
      %parallel_loop3A_289 = tpu.vector_load %arg4[%parallel_loop3A_287, %parallel_loop3A_288] {strides = array<i32>} : memref<8x4096xi32, #tpu.memory_space<vmem>>, vector<16xi32>,
      tpu.vector_store_idx %arg6[%parallel_loop3A_289], %broadcast_in_dim3A_109 {add = true} : memref<20480xi32, #tpu.memory_space<vmem>>[vector<16xi32>], vector<16xi32>,
      %parallel_loop3A_290 = arith.constant 16 : i32
      %parallel_loop3A_291 = arith.muli %parallel_loop3A_247, %parallel_loop3A_290 : i32
      %parallel_loop3A_292 = arith.constant 7 : i32
      %parallel_loop3A_293 = arith.index_cast %parallel_loop3A_292 : i32 to index
      %parallel_loop3A_294 = arith.index_cast %parallel_loop3A_291 : i32 to index
      %parallel_loop3A_295 = tpu.vector_load %arg4[%parallel_loop3A_293, %parallel_loop3A_294] {strides = array<i32>} : memref<8x4096xi32, #tpu.memory_space<vmem>>, vector<16xi32>,
      tpu.vector_store_idx %arg7[%parallel_loop3A_295], %broadcast_in_dim3A_109 {add = true} : memref<20480xi32, #tpu.memory_space<vmem>>[vector<16xi32>], vector<16xi32>,
    } {sc.loop_unroll_factor = 2 : i64, sc.parallel_access}
    %add3A_113 = arith.constant 64 : i32
    %add3A_114 = arith.addi %mul3A_3, %add3A_113 : i32
    %dma_start3A_115 = arith.constant 0 : i32
    %dma_start3A_116 = tpu.memref_slice %arg2[%add3A_114, %dma_start3A_115] : memref<4096x4096xi32, #tpu.memory_space<hbm>> -> memref<8x4096xi32, #tpu.memory_space<hbm>>
    %dma_start3A_117 = arith.constant 0 : i32
    %dma_start3A_118 = tpu.memref_slice %arg2[%add3A_114, %dma_start3A_117] : memref<4096x4096xi32, #tpu.memory_space<hbm>> -> memref<8x4096xi32, #tpu.memory_space<hbm>>
    tpu.enqueue_dma source(%dma_start3A_118 : memref<8x4096xi32, #tpu.memory_space<hbm>>) target(%arg4 : memref<8x4096xi32, #tpu.memory_space<vmem>>) target_semaphore(%arg8 : memref<!tpu.dma_semaphore, #tpu.memory_space<semaphore_mem>>)
    %dma_wait3A_119 = arith.constant 0 : i32
    %dma_wait3A_120 = tpu.memref_slice %arg2[%add3A_99, %dma_wait3A_119] : memref<4096x4096xi32, #tpu.memory_space<hbm>> -> memref<8x4096xi32, #tpu.memory_space<hbm>>
    %dma_wait3A_121 = arith.constant 0 : i32
    %dma_wait3A_122 = tpu.memref_slice %arg2[%add3A_99, %dma_wait3A_121] : memref<4096x4096xi32, #tpu.memory_space<hbm>> -> memref<8x4096xi32, #tpu.memory_space<hbm>>
    tpu.wait_dma2 semaphore(%arg9 : memref<!tpu.dma_semaphore, #tpu.memory_space<semaphore_mem>>) src(%dma_wait3A_122 : memref<8x4096xi32, #tpu.memory_space<hbm>>) dst(%arg5 : memref<8x4096xi32, #tpu.memory_space<vmem>>)
    %broadcast_in_dim3A_123 = arith.constant 1 : i32
    %broadcast_in_dim3A_124 = vector.broadcast %broadcast_in_dim3A_123 : i32 to vector<16xi32>
    %parallel_loop3A_125 = arith.constant 0 : i32
    %parallel_loop3A_126 = arith.constant 256 : i32
    %parallel_loop3A_127 = arith.constant 1 : i32
    scf.for %parallel_loop3A_247 = %parallel_loop3A_125 to %parallel_loop3A_126 step %parallel_loop3A_127  : i32 {
      %parallel_loop3A_248 = arith.constant 16 : i32
      %parallel_loop3A_249 = arith.muli %parallel_loop3A_247, %parallel_loop3A_248 : i32
      %parallel_loop3A_250 = arith.constant 0 : i32
      %parallel_loop3A_251 = arith.index_cast %parallel_loop3A_250 : i32 to index
      %parallel_loop3A_252 = arith.index_cast %parallel_loop3A_249 : i32 to index
      %parallel_loop3A_253 = tpu.vector_load %arg5[%parallel_loop3A_251, %parallel_loop3A_252] {strides = array<i32>} : memref<8x4096xi32, #tpu.memory_space<vmem>>, vector<16xi32>,
      tpu.vector_store_idx %arg6[%parallel_loop3A_253], %broadcast_in_dim3A_124 {add = true} : memref<20480xi32, #tpu.memory_space<vmem>>[vector<16xi32>], vector<16xi32>,
      %parallel_loop3A_254 = arith.constant 16 : i32
      %parallel_loop3A_255 = arith.muli %parallel_loop3A_247, %parallel_loop3A_254 : i32
      %parallel_loop3A_256 = arith.constant 1 : i32
      %parallel_loop3A_257 = arith.index_cast %parallel_loop3A_256 : i32 to index
      %parallel_loop3A_258 = arith.index_cast %parallel_loop3A_255 : i32 to index
      %parallel_loop3A_259 = tpu.vector_load %arg5[%parallel_loop3A_257, %parallel_loop3A_258] {strides = array<i32>} : memref<8x4096xi32, #tpu.memory_space<vmem>>, vector<16xi32>,
      tpu.vector_store_idx %arg7[%parallel_loop3A_259], %broadcast_in_dim3A_124 {add = true} : memref<20480xi32, #tpu.memory_space<vmem>>[vector<16xi32>], vector<16xi32>,
      %parallel_loop3A_260 = arith.constant 16 : i32
      %parallel_loop3A_261 = arith.muli %parallel_loop3A_247, %parallel_loop3A_260 : i32
      %parallel_loop3A_262 = arith.constant 2 : i32
      %parallel_loop3A_263 = arith.index_cast %parallel_loop3A_262 : i32 to index
      %parallel_loop3A_264 = arith.index_cast %parallel_loop3A_261 : i32 to index
      %parallel_loop3A_265 = tpu.vector_load %arg5[%parallel_loop3A_263, %parallel_loop3A_264] {strides = array<i32>} : memref<8x4096xi32, #tpu.memory_space<vmem>>, vector<16xi32>,
      tpu.vector_store_idx %arg6[%parallel_loop3A_265], %broadcast_in_dim3A_124 {add = true} : memref<20480xi32, #tpu.memory_space<vmem>>[vector<16xi32>], vector<16xi32>,
      %parallel_loop3A_266 = arith.constant 16 : i32
      %parallel_loop3A_267 = arith.muli %parallel_loop3A_247, %parallel_loop3A_266 : i32
      %parallel_loop3A_268 = arith.constant 3 : i32
      %parallel_loop3A_269 = arith.index_cast %parallel_loop3A_268 : i32 to index
      %parallel_loop3A_270 = arith.index_cast %parallel_loop3A_267 : i32 to index
      %parallel_loop3A_271 = tpu.vector_load %arg5[%parallel_loop3A_269, %parallel_loop3A_270] {strides = array<i32>} : memref<8x4096xi32, #tpu.memory_space<vmem>>, vector<16xi32>,
      tpu.vector_store_idx %arg7[%parallel_loop3A_271], %broadcast_in_dim3A_124 {add = true} : memref<20480xi32, #tpu.memory_space<vmem>>[vector<16xi32>], vector<16xi32>,
      %parallel_loop3A_272 = arith.constant 16 : i32
      %parallel_loop3A_273 = arith.muli %parallel_loop3A_247, %parallel_loop3A_272 : i32
      %parallel_loop3A_274 = arith.constant 4 : i32
      %parallel_loop3A_275 = arith.index_cast %parallel_loop3A_274 : i32 to index
      %parallel_loop3A_276 = arith.index_cast %parallel_loop3A_273 : i32 to index
      %parallel_loop3A_277 = tpu.vector_load %arg5[%parallel_loop3A_275, %parallel_loop3A_276] {strides = array<i32>} : memref<8x4096xi32, #tpu.memory_space<vmem>>, vector<16xi32>,
      tpu.vector_store_idx %arg6[%parallel_loop3A_277], %broadcast_in_dim3A_124 {add = true} : memref<20480xi32, #tpu.memory_space<vmem>>[vector<16xi32>], vector<16xi32>,
      %parallel_loop3A_278 = arith.constant 16 : i32
      %parallel_loop3A_279 = arith.muli %parallel_loop3A_247, %parallel_loop3A_278 : i32
      %parallel_loop3A_280 = arith.constant 5 : i32
      %parallel_loop3A_281 = arith.index_cast %parallel_loop3A_280 : i32 to index
      %parallel_loop3A_282 = arith.index_cast %parallel_loop3A_279 : i32 to index
      %parallel_loop3A_283 = tpu.vector_load %arg5[%parallel_loop3A_281, %parallel_loop3A_282] {strides = array<i32>} : memref<8x4096xi32, #tpu.memory_space<vmem>>, vector<16xi32>,
      tpu.vector_store_idx %arg7[%parallel_loop3A_283], %broadcast_in_dim3A_124 {add = true} : memref<20480xi32, #tpu.memory_space<vmem>>[vector<16xi32>], vector<16xi32>,
      %parallel_loop3A_284 = arith.constant 16 : i32
      %parallel_loop3A_285 = arith.muli %parallel_loop3A_247, %parallel_loop3A_284 : i32
      %parallel_loop3A_286 = arith.constant 6 : i32
      %parallel_loop3A_287 = arith.index_cast %parallel_loop3A_286 : i32 to index
      %parallel_loop3A_288 = arith.index_cast %parallel_loop3A_285 : i32 to index
      %parallel_loop3A_289 = tpu.vector_load %arg5[%parallel_loop3A_287, %parallel_loop3A_288] {strides = array<i32>} : memref<8x4096xi32, #tpu.memory_space<vmem>>, vector<16xi32>,
      tpu.vector_store_idx %arg6[%parallel_loop3A_289], %broadcast_in_dim3A_124 {add = true} : memref<20480xi32, #tpu.memory_space<vmem>>[vector<16xi32>], vector<16xi32>,
      %parallel_loop3A_290 = arith.constant 16 : i32
      %parallel_loop3A_291 = arith.muli %parallel_loop3A_247, %parallel_loop3A_290 : i32
      %parallel_loop3A_292 = arith.constant 7 : i32
      %parallel_loop3A_293 = arith.index_cast %parallel_loop3A_292 : i32 to index
      %parallel_loop3A_294 = arith.index_cast %parallel_loop3A_291 : i32 to index
      %parallel_loop3A_295 = tpu.vector_load %arg5[%parallel_loop3A_293, %parallel_loop3A_294] {strides = array<i32>} : memref<8x4096xi32, #tpu.memory_space<vmem>>, vector<16xi32>,
      tpu.vector_store_idx %arg7[%parallel_loop3A_295], %broadcast_in_dim3A_124 {add = true} : memref<20480xi32, #tpu.memory_space<vmem>>[vector<16xi32>], vector<16xi32>,
    } {sc.loop_unroll_factor = 2 : i64, sc.parallel_access}
    %add3A_128 = arith.constant 72 : i32
    %add3A_129 = arith.addi %mul3A_3, %add3A_128 : i32
    %dma_start3A_130 = arith.constant 0 : i32
    %dma_start3A_131 = tpu.memref_slice %arg2[%add3A_129, %dma_start3A_130] : memref<4096x4096xi32, #tpu.memory_space<hbm>> -> memref<8x4096xi32, #tpu.memory_space<hbm>>
    %dma_start3A_132 = arith.constant 0 : i32
    %dma_start3A_133 = tpu.memref_slice %arg2[%add3A_129, %dma_start3A_132] : memref<4096x4096xi32, #tpu.memory_space<hbm>> -> memref<8x4096xi32, #tpu.memory_space<hbm>>
    tpu.enqueue_dma source(%dma_start3A_133 : memref<8x4096xi32, #tpu.memory_space<hbm>>) target(%arg5 : memref<8x4096xi32, #tpu.memory_space<vmem>>) target_semaphore(%arg9 : memref<!tpu.dma_semaphore, #tpu.memory_space<semaphore_mem>>)
    %dma_wait3A_134 = arith.constant 0 : i32
    %dma_wait3A_135 = tpu.memref_slice %arg2[%add3A_114, %dma_wait3A_134] : memref<4096x4096xi32, #tpu.memory_space<hbm>> -> memref<8x4096xi32, #tpu.memory_space<hbm>>
    %dma_wait3A_136 = arith.constant 0 : i32
    %dma_wait3A_137 = tpu.memref_slice %arg2[%add3A_114, %dma_wait3A_136] : memref<4096x4096xi32, #tpu.memory_space<hbm>> -> memref<8x4096xi32, #tpu.memory_space<hbm>>
    tpu.wait_dma2 semaphore(%arg8 : memref<!tpu.dma_semaphore, #tpu.memory_space<semaphore_mem>>) src(%dma_wait3A_137 : memref<8x4096xi32, #tpu.memory_space<hbm>>) dst(%arg4 : memref<8x4096xi32, #tpu.memory_space<vmem>>)
    %broadcast_in_dim3A_138 = arith.constant 1 : i32
    %broadcast_in_dim3A_139 = vector.broadcast %broadcast_in_dim3A_138 : i32 to vector<16xi32>
    %parallel_loop3A_140 = arith.constant 0 : i32
    %parallel_loop3A_141 = arith.constant 256 : i32
    %parallel_loop3A_142 = arith.constant 1 : i32
    scf.for %parallel_loop3A_247 = %parallel_loop3A_140 to %parallel_loop3A_141 step %parallel_loop3A_142  : i32 {
      %parallel_loop3A_248 = arith.constant 16 : i32
      %parallel_loop3A_249 = arith.muli %parallel_loop3A_247, %parallel_loop3A_248 : i32
      %parallel_loop3A_250 = arith.constant 0 : i32
      %parallel_loop3A_251 = arith.index_cast %parallel_loop3A_250 : i32 to index
      %parallel_loop3A_252 = arith.index_cast %parallel_loop3A_249 : i32 to index
      %parallel_loop3A_253 = tpu.vector_load %arg4[%parallel_loop3A_251, %parallel_loop3A_252] {strides = array<i32>} : memref<8x4096xi32, #tpu.memory_space<vmem>>, vector<16xi32>,
      tpu.vector_store_idx %arg6[%parallel_loop3A_253], %broadcast_in_dim3A_139 {add = true} : memref<20480xi32, #tpu.memory_space<vmem>>[vector<16xi32>], vector<16xi32>,
      %parallel_loop3A_254 = arith.constant 16 : i32
      %parallel_loop3A_255 = arith.muli %parallel_loop3A_247, %parallel_loop3A_254 : i32
      %parallel_loop3A_256 = arith.constant 1 : i32
      %parallel_loop3A_257 = arith.index_cast %parallel_loop3A_256 : i32 to index
      %parallel_loop3A_258 = arith.index_cast %parallel_loop3A_255 : i32 to index
      %parallel_loop3A_259 = tpu.vector_load %arg4[%parallel_loop3A_257, %parallel_loop3A_258] {strides = array<i32>} : memref<8x4096xi32, #tpu.memory_space<vmem>>, vector<16xi32>,
      tpu.vector_store_idx %arg7[%parallel_loop3A_259], %broadcast_in_dim3A_139 {add = true} : memref<20480xi32, #tpu.memory_space<vmem>>[vector<16xi32>], vector<16xi32>,
      %parallel_loop3A_260 = arith.constant 16 : i32
      %parallel_loop3A_261 = arith.muli %parallel_loop3A_247, %parallel_loop3A_260 : i32
      %parallel_loop3A_262 = arith.constant 2 : i32
      %parallel_loop3A_263 = arith.index_cast %parallel_loop3A_262 : i32 to index
      %parallel_loop3A_264 = arith.index_cast %parallel_loop3A_261 : i32 to index
      %parallel_loop3A_265 = tpu.vector_load %arg4[%parallel_loop3A_263, %parallel_loop3A_264] {strides = array<i32>} : memref<8x4096xi32, #tpu.memory_space<vmem>>, vector<16xi32>,
      tpu.vector_store_idx %arg6[%parallel_loop3A_265], %broadcast_in_dim3A_139 {add = true} : memref<20480xi32, #tpu.memory_space<vmem>>[vector<16xi32>], vector<16xi32>,
      %parallel_loop3A_266 = arith.constant 16 : i32
      %parallel_loop3A_267 = arith.muli %parallel_loop3A_247, %parallel_loop3A_266 : i32
      %parallel_loop3A_268 = arith.constant 3 : i32
      %parallel_loop3A_269 = arith.index_cast %parallel_loop3A_268 : i32 to index
      %parallel_loop3A_270 = arith.index_cast %parallel_loop3A_267 : i32 to index
      %parallel_loop3A_271 = tpu.vector_load %arg4[%parallel_loop3A_269, %parallel_loop3A_270] {strides = array<i32>} : memref<8x4096xi32, #tpu.memory_space<vmem>>, vector<16xi32>,
      tpu.vector_store_idx %arg7[%parallel_loop3A_271], %broadcast_in_dim3A_139 {add = true} : memref<20480xi32, #tpu.memory_space<vmem>>[vector<16xi32>], vector<16xi32>,
      %parallel_loop3A_272 = arith.constant 16 : i32
      %parallel_loop3A_273 = arith.muli %parallel_loop3A_247, %parallel_loop3A_272 : i32
      %parallel_loop3A_274 = arith.constant 4 : i32
      %parallel_loop3A_275 = arith.index_cast %parallel_loop3A_274 : i32 to index
      %parallel_loop3A_276 = arith.index_cast %parallel_loop3A_273 : i32 to index
      %parallel_loop3A_277 = tpu.vector_load %arg4[%parallel_loop3A_275, %parallel_loop3A_276] {strides = array<i32>} : memref<8x4096xi32, #tpu.memory_space<vmem>>, vector<16xi32>,
      tpu.vector_store_idx %arg6[%parallel_loop3A_277], %broadcast_in_dim3A_139 {add = true} : memref<20480xi32, #tpu.memory_space<vmem>>[vector<16xi32>], vector<16xi32>,
      %parallel_loop3A_278 = arith.constant 16 : i32
      %parallel_loop3A_279 = arith.muli %parallel_loop3A_247, %parallel_loop3A_278 : i32
      %parallel_loop3A_280 = arith.constant 5 : i32
      %parallel_loop3A_281 = arith.index_cast %parallel_loop3A_280 : i32 to index
      %parallel_loop3A_282 = arith.index_cast %parallel_loop3A_279 : i32 to index
      %parallel_loop3A_283 = tpu.vector_load %arg4[%parallel_loop3A_281, %parallel_loop3A_282] {strides = array<i32>} : memref<8x4096xi32, #tpu.memory_space<vmem>>, vector<16xi32>,
      tpu.vector_store_idx %arg7[%parallel_loop3A_283], %broadcast_in_dim3A_139 {add = true} : memref<20480xi32, #tpu.memory_space<vmem>>[vector<16xi32>], vector<16xi32>,
      %parallel_loop3A_284 = arith.constant 16 : i32
      %parallel_loop3A_285 = arith.muli %parallel_loop3A_247, %parallel_loop3A_284 : i32
      %parallel_loop3A_286 = arith.constant 6 : i32
      %parallel_loop3A_287 = arith.index_cast %parallel_loop3A_286 : i32 to index
      %parallel_loop3A_288 = arith.index_cast %parallel_loop3A_285 : i32 to index
      %parallel_loop3A_289 = tpu.vector_load %arg4[%parallel_loop3A_287, %parallel_loop3A_288] {strides = array<i32>} : memref<8x4096xi32, #tpu.memory_space<vmem>>, vector<16xi32>,
      tpu.vector_store_idx %arg6[%parallel_loop3A_289], %broadcast_in_dim3A_139 {add = true} : memref<20480xi32, #tpu.memory_space<vmem>>[vector<16xi32>], vector<16xi32>,
      %parallel_loop3A_290 = arith.constant 16 : i32
      %parallel_loop3A_291 = arith.muli %parallel_loop3A_247, %parallel_loop3A_290 : i32
      %parallel_loop3A_292 = arith.constant 7 : i32
      %parallel_loop3A_293 = arith.index_cast %parallel_loop3A_292 : i32 to index
      %parallel_loop3A_294 = arith.index_cast %parallel_loop3A_291 : i32 to index
      %parallel_loop3A_295 = tpu.vector_load %arg4[%parallel_loop3A_293, %parallel_loop3A_294] {strides = array<i32>} : memref<8x4096xi32, #tpu.memory_space<vmem>>, vector<16xi32>,
      tpu.vector_store_idx %arg7[%parallel_loop3A_295], %broadcast_in_dim3A_139 {add = true} : memref<20480xi32, #tpu.memory_space<vmem>>[vector<16xi32>], vector<16xi32>,
    } {sc.loop_unroll_factor = 2 : i64, sc.parallel_access}
    %add3A_143 = arith.constant 80 : i32
    %add3A_144 = arith.addi %mul3A_3, %add3A_143 : i32
    %dma_start3A_145 = arith.constant 0 : i32
    %dma_start3A_146 = tpu.memref_slice %arg2[%add3A_144, %dma_start3A_145] : memref<4096x4096xi32, #tpu.memory_space<hbm>> -> memref<8x4096xi32, #tpu.memory_space<hbm>>
    %dma_start3A_147 = arith.constant 0 : i32
    %dma_start3A_148 = tpu.memref_slice %arg2[%add3A_144, %dma_start3A_147] : memref<4096x4096xi32, #tpu.memory_space<hbm>> -> memref<8x4096xi32, #tpu.memory_space<hbm>>
    tpu.enqueue_dma source(%dma_start3A_148 : memref<8x4096xi32, #tpu.memory_space<hbm>>) target(%arg4 : memref<8x4096xi32, #tpu.memory_space<vmem>>) target_semaphore(%arg8 : memref<!tpu.dma_semaphore, #tpu.memory_space<semaphore_mem>>)
    %dma_wait3A_149 = arith.constant 0 : i32
    %dma_wait3A_150 = tpu.memref_slice %arg2[%add3A_129, %dma_wait3A_149] : memref<4096x4096xi32, #tpu.memory_space<hbm>> -> memref<8x4096xi32, #tpu.memory_space<hbm>>
    %dma_wait3A_151 = arith.constant 0 : i32
    %dma_wait3A_152 = tpu.memref_slice %arg2[%add3A_129, %dma_wait3A_151] : memref<4096x4096xi32, #tpu.memory_space<hbm>> -> memref<8x4096xi32, #tpu.memory_space<hbm>>
    tpu.wait_dma2 semaphore(%arg9 : memref<!tpu.dma_semaphore, #tpu.memory_space<semaphore_mem>>) src(%dma_wait3A_152 : memref<8x4096xi32, #tpu.memory_space<hbm>>) dst(%arg5 : memref<8x4096xi32, #tpu.memory_space<vmem>>)
    %broadcast_in_dim3A_153 = arith.constant 1 : i32
    %broadcast_in_dim3A_154 = vector.broadcast %broadcast_in_dim3A_153 : i32 to vector<16xi32>
    %parallel_loop3A_155 = arith.constant 0 : i32
    %parallel_loop3A_156 = arith.constant 256 : i32
    %parallel_loop3A_157 = arith.constant 1 : i32
    scf.for %parallel_loop3A_247 = %parallel_loop3A_155 to %parallel_loop3A_156 step %parallel_loop3A_157  : i32 {
      %parallel_loop3A_248 = arith.constant 16 : i32
      %parallel_loop3A_249 = arith.muli %parallel_loop3A_247, %parallel_loop3A_248 : i32
      %parallel_loop3A_250 = arith.constant 0 : i32
      %parallel_loop3A_251 = arith.index_cast %parallel_loop3A_250 : i32 to index
      %parallel_loop3A_252 = arith.index_cast %parallel_loop3A_249 : i32 to index
      %parallel_loop3A_253 = tpu.vector_load %arg5[%parallel_loop3A_251, %parallel_loop3A_252] {strides = array<i32>} : memref<8x4096xi32, #tpu.memory_space<vmem>>, vector<16xi32>,
      tpu.vector_store_idx %arg6[%parallel_loop3A_253], %broadcast_in_dim3A_154 {add = true} : memref<20480xi32, #tpu.memory_space<vmem>>[vector<16xi32>], vector<16xi32>,
      %parallel_loop3A_254 = arith.constant 16 : i32
      %parallel_loop3A_255 = arith.muli %parallel_loop3A_247, %parallel_loop3A_254 : i32
      %parallel_loop3A_256 = arith.constant 1 : i32
      %parallel_loop3A_257 = arith.index_cast %parallel_loop3A_256 : i32 to index
      %parallel_loop3A_258 = arith.index_cast %parallel_loop3A_255 : i32 to index
      %parallel_loop3A_259 = tpu.vector_load %arg5[%parallel_loop3A_257, %parallel_loop3A_258] {strides = array<i32>} : memref<8x4096xi32, #tpu.memory_space<vmem>>, vector<16xi32>,
      tpu.vector_store_idx %arg7[%parallel_loop3A_259], %broadcast_in_dim3A_154 {add = true} : memref<20480xi32, #tpu.memory_space<vmem>>[vector<16xi32>], vector<16xi32>,
      %parallel_loop3A_260 = arith.constant 16 : i32
      %parallel_loop3A_261 = arith.muli %parallel_loop3A_247, %parallel_loop3A_260 : i32
      %parallel_loop3A_262 = arith.constant 2 : i32
      %parallel_loop3A_263 = arith.index_cast %parallel_loop3A_262 : i32 to index
      %parallel_loop3A_264 = arith.index_cast %parallel_loop3A_261 : i32 to index
      %parallel_loop3A_265 = tpu.vector_load %arg5[%parallel_loop3A_263, %parallel_loop3A_264] {strides = array<i32>} : memref<8x4096xi32, #tpu.memory_space<vmem>>, vector<16xi32>,
      tpu.vector_store_idx %arg6[%parallel_loop3A_265], %broadcast_in_dim3A_154 {add = true} : memref<20480xi32, #tpu.memory_space<vmem>>[vector<16xi32>], vector<16xi32>,
      %parallel_loop3A_266 = arith.constant 16 : i32
      %parallel_loop3A_267 = arith.muli %parallel_loop3A_247, %parallel_loop3A_266 : i32
      %parallel_loop3A_268 = arith.constant 3 : i32
      %parallel_loop3A_269 = arith.index_cast %parallel_loop3A_268 : i32 to index
      %parallel_loop3A_270 = arith.index_cast %parallel_loop3A_267 : i32 to index
      %parallel_loop3A_271 = tpu.vector_load %arg5[%parallel_loop3A_269, %parallel_loop3A_270] {strides = array<i32>} : memref<8x4096xi32, #tpu.memory_space<vmem>>, vector<16xi32>,
      tpu.vector_store_idx %arg7[%parallel_loop3A_271], %broadcast_in_dim3A_154 {add = true} : memref<20480xi32, #tpu.memory_space<vmem>>[vector<16xi32>], vector<16xi32>,
      %parallel_loop3A_272 = arith.constant 16 : i32
      %parallel_loop3A_273 = arith.muli %parallel_loop3A_247, %parallel_loop3A_272 : i32
      %parallel_loop3A_274 = arith.constant 4 : i32
      %parallel_loop3A_275 = arith.index_cast %parallel_loop3A_274 : i32 to index
      %parallel_loop3A_276 = arith.index_cast %parallel_loop3A_273 : i32 to index
      %parallel_loop3A_277 = tpu.vector_load %arg5[%parallel_loop3A_275, %parallel_loop3A_276] {strides = array<i32>} : memref<8x4096xi32, #tpu.memory_space<vmem>>, vector<16xi32>,
      tpu.vector_store_idx %arg6[%parallel_loop3A_277], %broadcast_in_dim3A_154 {add = true} : memref<20480xi32, #tpu.memory_space<vmem>>[vector<16xi32>], vector<16xi32>,
      %parallel_loop3A_278 = arith.constant 16 : i32
      %parallel_loop3A_279 = arith.muli %parallel_loop3A_247, %parallel_loop3A_278 : i32
      %parallel_loop3A_280 = arith.constant 5 : i32
      %parallel_loop3A_281 = arith.index_cast %parallel_loop3A_280 : i32 to index
      %parallel_loop3A_282 = arith.index_cast %parallel_loop3A_279 : i32 to index
      %parallel_loop3A_283 = tpu.vector_load %arg5[%parallel_loop3A_281, %parallel_loop3A_282] {strides = array<i32>} : memref<8x4096xi32, #tpu.memory_space<vmem>>, vector<16xi32>,
      tpu.vector_store_idx %arg7[%parallel_loop3A_283], %broadcast_in_dim3A_154 {add = true} : memref<20480xi32, #tpu.memory_space<vmem>>[vector<16xi32>], vector<16xi32>,
      %parallel_loop3A_284 = arith.constant 16 : i32
      %parallel_loop3A_285 = arith.muli %parallel_loop3A_247, %parallel_loop3A_284 : i32
      %parallel_loop3A_286 = arith.constant 6 : i32
      %parallel_loop3A_287 = arith.index_cast %parallel_loop3A_286 : i32 to index
      %parallel_loop3A_288 = arith.index_cast %parallel_loop3A_285 : i32 to index
      %parallel_loop3A_289 = tpu.vector_load %arg5[%parallel_loop3A_287, %parallel_loop3A_288] {strides = array<i32>} : memref<8x4096xi32, #tpu.memory_space<vmem>>, vector<16xi32>,
      tpu.vector_store_idx %arg6[%parallel_loop3A_289], %broadcast_in_dim3A_154 {add = true} : memref<20480xi32, #tpu.memory_space<vmem>>[vector<16xi32>], vector<16xi32>,
      %parallel_loop3A_290 = arith.constant 16 : i32
      %parallel_loop3A_291 = arith.muli %parallel_loop3A_247, %parallel_loop3A_290 : i32
      %parallel_loop3A_292 = arith.constant 7 : i32
      %parallel_loop3A_293 = arith.index_cast %parallel_loop3A_292 : i32 to index
      %parallel_loop3A_294 = arith.index_cast %parallel_loop3A_291 : i32 to index
      %parallel_loop3A_295 = tpu.vector_load %arg5[%parallel_loop3A_293, %parallel_loop3A_294] {strides = array<i32>} : memref<8x4096xi32, #tpu.memory_space<vmem>>, vector<16xi32>,
      tpu.vector_store_idx %arg7[%parallel_loop3A_295], %broadcast_in_dim3A_154 {add = true} : memref<20480xi32, #tpu.memory_space<vmem>>[vector<16xi32>], vector<16xi32>,
    } {sc.loop_unroll_factor = 2 : i64, sc.parallel_access}
    %add3A_158 = arith.constant 88 : i32
    %add3A_159 = arith.addi %mul3A_3, %add3A_158 : i32
    %dma_start3A_160 = arith.constant 0 : i32
    %dma_start3A_161 = tpu.memref_slice %arg2[%add3A_159, %dma_start3A_160] : memref<4096x4096xi32, #tpu.memory_space<hbm>> -> memref<8x4096xi32, #tpu.memory_space<hbm>>
    %dma_start3A_162 = arith.constant 0 : i32
    %dma_start3A_163 = tpu.memref_slice %arg2[%add3A_159, %dma_start3A_162] : memref<4096x4096xi32, #tpu.memory_space<hbm>> -> memref<8x4096xi32, #tpu.memory_space<hbm>>
    tpu.enqueue_dma source(%dma_start3A_163 : memref<8x4096xi32, #tpu.memory_space<hbm>>) target(%arg5 : memref<8x4096xi32, #tpu.memory_space<vmem>>) target_semaphore(%arg9 : memref<!tpu.dma_semaphore, #tpu.memory_space<semaphore_mem>>)
    %dma_wait3A_164 = arith.constant 0 : i32
    %dma_wait3A_165 = tpu.memref_slice %arg2[%add3A_144, %dma_wait3A_164] : memref<4096x4096xi32, #tpu.memory_space<hbm>> -> memref<8x4096xi32, #tpu.memory_space<hbm>>
    %dma_wait3A_166 = arith.constant 0 : i32
    %dma_wait3A_167 = tpu.memref_slice %arg2[%add3A_144, %dma_wait3A_166] : memref<4096x4096xi32, #tpu.memory_space<hbm>> -> memref<8x4096xi32, #tpu.memory_space<hbm>>
    tpu.wait_dma2 semaphore(%arg8 : memref<!tpu.dma_semaphore, #tpu.memory_space<semaphore_mem>>) src(%dma_wait3A_167 : memref<8x4096xi32, #tpu.memory_space<hbm>>) dst(%arg4 : memref<8x4096xi32, #tpu.memory_space<vmem>>)
    %broadcast_in_dim3A_168 = arith.constant 1 : i32
    %broadcast_in_dim3A_169 = vector.broadcast %broadcast_in_dim3A_168 : i32 to vector<16xi32>
    %parallel_loop3A_170 = arith.constant 0 : i32
    %parallel_loop3A_171 = arith.constant 256 : i32
    %parallel_loop3A_172 = arith.constant 1 : i32
    scf.for %parallel_loop3A_247 = %parallel_loop3A_170 to %parallel_loop3A_171 step %parallel_loop3A_172  : i32 {
      %parallel_loop3A_248 = arith.constant 16 : i32
      %parallel_loop3A_249 = arith.muli %parallel_loop3A_247, %parallel_loop3A_248 : i32
      %parallel_loop3A_250 = arith.constant 0 : i32
      %parallel_loop3A_251 = arith.index_cast %parallel_loop3A_250 : i32 to index
      %parallel_loop3A_252 = arith.index_cast %parallel_loop3A_249 : i32 to index
      %parallel_loop3A_253 = tpu.vector_load %arg4[%parallel_loop3A_251, %parallel_loop3A_252] {strides = array<i32>} : memref<8x4096xi32, #tpu.memory_space<vmem>>, vector<16xi32>,
      tpu.vector_store_idx %arg6[%parallel_loop3A_253], %broadcast_in_dim3A_169 {add = true} : memref<20480xi32, #tpu.memory_space<vmem>>[vector<16xi32>], vector<16xi32>,
      %parallel_loop3A_254 = arith.constant 16 : i32
      %parallel_loop3A_255 = arith.muli %parallel_loop3A_247, %parallel_loop3A_254 : i32
      %parallel_loop3A_256 = arith.constant 1 : i32
      %parallel_loop3A_257 = arith.index_cast %parallel_loop3A_256 : i32 to index
      %parallel_loop3A_258 = arith.index_cast %parallel_loop3A_255 : i32 to index
      %parallel_loop3A_259 = tpu.vector_load %arg4[%parallel_loop3A_257, %parallel_loop3A_258] {strides = array<i32>} : memref<8x4096xi32, #tpu.memory_space<vmem>>, vector<16xi32>,
      tpu.vector_store_idx %arg7[%parallel_loop3A_259], %broadcast_in_dim3A_169 {add = true} : memref<20480xi32, #tpu.memory_space<vmem>>[vector<16xi32>], vector<16xi32>,
      %parallel_loop3A_260 = arith.constant 16 : i32
      %parallel_loop3A_261 = arith.muli %parallel_loop3A_247, %parallel_loop3A_260 : i32
      %parallel_loop3A_262 = arith.constant 2 : i32
      %parallel_loop3A_263 = arith.index_cast %parallel_loop3A_262 : i32 to index
      %parallel_loop3A_264 = arith.index_cast %parallel_loop3A_261 : i32 to index
      %parallel_loop3A_265 = tpu.vector_load %arg4[%parallel_loop3A_263, %parallel_loop3A_264] {strides = array<i32>} : memref<8x4096xi32, #tpu.memory_space<vmem>>, vector<16xi32>,
      tpu.vector_store_idx %arg6[%parallel_loop3A_265], %broadcast_in_dim3A_169 {add = true} : memref<20480xi32, #tpu.memory_space<vmem>>[vector<16xi32>], vector<16xi32>,
      %parallel_loop3A_266 = arith.constant 16 : i32
      %parallel_loop3A_267 = arith.muli %parallel_loop3A_247, %parallel_loop3A_266 : i32
      %parallel_loop3A_268 = arith.constant 3 : i32
      %parallel_loop3A_269 = arith.index_cast %parallel_loop3A_268 : i32 to index
      %parallel_loop3A_270 = arith.index_cast %parallel_loop3A_267 : i32 to index
      %parallel_loop3A_271 = tpu.vector_load %arg4[%parallel_loop3A_269, %parallel_loop3A_270] {strides = array<i32>} : memref<8x4096xi32, #tpu.memory_space<vmem>>, vector<16xi32>,
      tpu.vector_store_idx %arg7[%parallel_loop3A_271], %broadcast_in_dim3A_169 {add = true} : memref<20480xi32, #tpu.memory_space<vmem>>[vector<16xi32>], vector<16xi32>,
      %parallel_loop3A_272 = arith.constant 16 : i32
      %parallel_loop3A_273 = arith.muli %parallel_loop3A_247, %parallel_loop3A_272 : i32
      %parallel_loop3A_274 = arith.constant 4 : i32
      %parallel_loop3A_275 = arith.index_cast %parallel_loop3A_274 : i32 to index
      %parallel_loop3A_276 = arith.index_cast %parallel_loop3A_273 : i32 to index
      %parallel_loop3A_277 = tpu.vector_load %arg4[%parallel_loop3A_275, %parallel_loop3A_276] {strides = array<i32>} : memref<8x4096xi32, #tpu.memory_space<vmem>>, vector<16xi32>,
      tpu.vector_store_idx %arg6[%parallel_loop3A_277], %broadcast_in_dim3A_169 {add = true} : memref<20480xi32, #tpu.memory_space<vmem>>[vector<16xi32>], vector<16xi32>,
      %parallel_loop3A_278 = arith.constant 16 : i32
      %parallel_loop3A_279 = arith.muli %parallel_loop3A_247, %parallel_loop3A_278 : i32
      %parallel_loop3A_280 = arith.constant 5 : i32
      %parallel_loop3A_281 = arith.index_cast %parallel_loop3A_280 : i32 to index
      %parallel_loop3A_282 = arith.index_cast %parallel_loop3A_279 : i32 to index
      %parallel_loop3A_283 = tpu.vector_load %arg4[%parallel_loop3A_281, %parallel_loop3A_282] {strides = array<i32>} : memref<8x4096xi32, #tpu.memory_space<vmem>>, vector<16xi32>,
      tpu.vector_store_idx %arg7[%parallel_loop3A_283], %broadcast_in_dim3A_169 {add = true} : memref<20480xi32, #tpu.memory_space<vmem>>[vector<16xi32>], vector<16xi32>,
      %parallel_loop3A_284 = arith.constant 16 : i32
      %parallel_loop3A_285 = arith.muli %parallel_loop3A_247, %parallel_loop3A_284 : i32
      %parallel_loop3A_286 = arith.constant 6 : i32
      %parallel_loop3A_287 = arith.index_cast %parallel_loop3A_286 : i32 to index
      %parallel_loop3A_288 = arith.index_cast %parallel_loop3A_285 : i32 to index
      %parallel_loop3A_289 = tpu.vector_load %arg4[%parallel_loop3A_287, %parallel_loop3A_288] {strides = array<i32>} : memref<8x4096xi32, #tpu.memory_space<vmem>>, vector<16xi32>,
      tpu.vector_store_idx %arg6[%parallel_loop3A_289], %broadcast_in_dim3A_169 {add = true} : memref<20480xi32, #tpu.memory_space<vmem>>[vector<16xi32>], vector<16xi32>,
      %parallel_loop3A_290 = arith.constant 16 : i32
      %parallel_loop3A_291 = arith.muli %parallel_loop3A_247, %parallel_loop3A_290 : i32
      %parallel_loop3A_292 = arith.constant 7 : i32
      %parallel_loop3A_293 = arith.index_cast %parallel_loop3A_292 : i32 to index
      %parallel_loop3A_294 = arith.index_cast %parallel_loop3A_291 : i32 to index
      %parallel_loop3A_295 = tpu.vector_load %arg4[%parallel_loop3A_293, %parallel_loop3A_294] {strides = array<i32>} : memref<8x4096xi32, #tpu.memory_space<vmem>>, vector<16xi32>,
      tpu.vector_store_idx %arg7[%parallel_loop3A_295], %broadcast_in_dim3A_169 {add = true} : memref<20480xi32, #tpu.memory_space<vmem>>[vector<16xi32>], vector<16xi32>,
    } {sc.loop_unroll_factor = 2 : i64, sc.parallel_access}
    %add3A_173 = arith.constant 96 : i32
    %add3A_174 = arith.addi %mul3A_3, %add3A_173 : i32
    %dma_start3A_175 = arith.constant 0 : i32
    %dma_start3A_176 = tpu.memref_slice %arg2[%add3A_174, %dma_start3A_175] : memref<4096x4096xi32, #tpu.memory_space<hbm>> -> memref<8x4096xi32, #tpu.memory_space<hbm>>
    %dma_start3A_177 = arith.constant 0 : i32
    %dma_start3A_178 = tpu.memref_slice %arg2[%add3A_174, %dma_start3A_177] : memref<4096x4096xi32, #tpu.memory_space<hbm>> -> memref<8x4096xi32, #tpu.memory_space<hbm>>
    tpu.enqueue_dma source(%dma_start3A_178 : memref<8x4096xi32, #tpu.memory_space<hbm>>) target(%arg4 : memref<8x4096xi32, #tpu.memory_space<vmem>>) target_semaphore(%arg8 : memref<!tpu.dma_semaphore, #tpu.memory_space<semaphore_mem>>)
    %dma_wait3A_179 = arith.constant 0 : i32
    %dma_wait3A_180 = tpu.memref_slice %arg2[%add3A_159, %dma_wait3A_179] : memref<4096x4096xi32, #tpu.memory_space<hbm>> -> memref<8x4096xi32, #tpu.memory_space<hbm>>
    %dma_wait3A_181 = arith.constant 0 : i32
    %dma_wait3A_182 = tpu.memref_slice %arg2[%add3A_159, %dma_wait3A_181] : memref<4096x4096xi32, #tpu.memory_space<hbm>> -> memref<8x4096xi32, #tpu.memory_space<hbm>>
    tpu.wait_dma2 semaphore(%arg9 : memref<!tpu.dma_semaphore, #tpu.memory_space<semaphore_mem>>) src(%dma_wait3A_182 : memref<8x4096xi32, #tpu.memory_space<hbm>>) dst(%arg5 : memref<8x4096xi32, #tpu.memory_space<vmem>>)
    %broadcast_in_dim3A_183 = arith.constant 1 : i32
    %broadcast_in_dim3A_184 = vector.broadcast %broadcast_in_dim3A_183 : i32 to vector<16xi32>
    %parallel_loop3A_185 = arith.constant 0 : i32
    %parallel_loop3A_186 = arith.constant 256 : i32
    %parallel_loop3A_187 = arith.constant 1 : i32
    scf.for %parallel_loop3A_247 = %parallel_loop3A_185 to %parallel_loop3A_186 step %parallel_loop3A_187  : i32 {
      %parallel_loop3A_248 = arith.constant 16 : i32
      %parallel_loop3A_249 = arith.muli %parallel_loop3A_247, %parallel_loop3A_248 : i32
      %parallel_loop3A_250 = arith.constant 0 : i32
      %parallel_loop3A_251 = arith.index_cast %parallel_loop3A_250 : i32 to index
      %parallel_loop3A_252 = arith.index_cast %parallel_loop3A_249 : i32 to index
      %parallel_loop3A_253 = tpu.vector_load %arg5[%parallel_loop3A_251, %parallel_loop3A_252] {strides = array<i32>} : memref<8x4096xi32, #tpu.memory_space<vmem>>, vector<16xi32>,
      tpu.vector_store_idx %arg6[%parallel_loop3A_253], %broadcast_in_dim3A_184 {add = true} : memref<20480xi32, #tpu.memory_space<vmem>>[vector<16xi32>], vector<16xi32>,
      %parallel_loop3A_254 = arith.constant 16 : i32
      %parallel_loop3A_255 = arith.muli %parallel_loop3A_247, %parallel_loop3A_254 : i32
      %parallel_loop3A_256 = arith.constant 1 : i32
      %parallel_loop3A_257 = arith.index_cast %parallel_loop3A_256 : i32 to index
      %parallel_loop3A_258 = arith.index_cast %parallel_loop3A_255 : i32 to index
      %parallel_loop3A_259 = tpu.vector_load %arg5[%parallel_loop3A_257, %parallel_loop3A_258] {strides = array<i32>} : memref<8x4096xi32, #tpu.memory_space<vmem>>, vector<16xi32>,
      tpu.vector_store_idx %arg7[%parallel_loop3A_259], %broadcast_in_dim3A_184 {add = true} : memref<20480xi32, #tpu.memory_space<vmem>>[vector<16xi32>], vector<16xi32>,
      %parallel_loop3A_260 = arith.constant 16 : i32
      %parallel_loop3A_261 = arith.muli %parallel_loop3A_247, %parallel_loop3A_260 : i32
      %parallel_loop3A_262 = arith.constant 2 : i32
      %parallel_loop3A_263 = arith.index_cast %parallel_loop3A_262 : i32 to index
      %parallel_loop3A_264 = arith.index_cast %parallel_loop3A_261 : i32 to index
      %parallel_loop3A_265 = tpu.vector_load %arg5[%parallel_loop3A_263, %parallel_loop3A_264] {strides = array<i32>} : memref<8x4096xi32, #tpu.memory_space<vmem>>, vector<16xi32>,
      tpu.vector_store_idx %arg6[%parallel_loop3A_265], %broadcast_in_dim3A_184 {add = true} : memref<20480xi32, #tpu.memory_space<vmem>>[vector<16xi32>], vector<16xi32>,
      %parallel_loop3A_266 = arith.constant 16 : i32
      %parallel_loop3A_267 = arith.muli %parallel_loop3A_247, %parallel_loop3A_266 : i32
      %parallel_loop3A_268 = arith.constant 3 : i32
      %parallel_loop3A_269 = arith.index_cast %parallel_loop3A_268 : i32 to index
      %parallel_loop3A_270 = arith.index_cast %parallel_loop3A_267 : i32 to index
      %parallel_loop3A_271 = tpu.vector_load %arg5[%parallel_loop3A_269, %parallel_loop3A_270] {strides = array<i32>} : memref<8x4096xi32, #tpu.memory_space<vmem>>, vector<16xi32>,
      tpu.vector_store_idx %arg7[%parallel_loop3A_271], %broadcast_in_dim3A_184 {add = true} : memref<20480xi32, #tpu.memory_space<vmem>>[vector<16xi32>], vector<16xi32>,
      %parallel_loop3A_272 = arith.constant 16 : i32
      %parallel_loop3A_273 = arith.muli %parallel_loop3A_247, %parallel_loop3A_272 : i32
      %parallel_loop3A_274 = arith.constant 4 : i32
      %parallel_loop3A_275 = arith.index_cast %parallel_loop3A_274 : i32 to index
      %parallel_loop3A_276 = arith.index_cast %parallel_loop3A_273 : i32 to index
      %parallel_loop3A_277 = tpu.vector_load %arg5[%parallel_loop3A_275, %parallel_loop3A_276] {strides = array<i32>} : memref<8x4096xi32, #tpu.memory_space<vmem>>, vector<16xi32>,
      tpu.vector_store_idx %arg6[%parallel_loop3A_277], %broadcast_in_dim3A_184 {add = true} : memref<20480xi32, #tpu.memory_space<vmem>>[vector<16xi32>], vector<16xi32>,
      %parallel_loop3A_278 = arith.constant 16 : i32
      %parallel_loop3A_279 = arith.muli %parallel_loop3A_247, %parallel_loop3A_278 : i32
      %parallel_loop3A_280 = arith.constant 5 : i32
      %parallel_loop3A_281 = arith.index_cast %parallel_loop3A_280 : i32 to index
      %parallel_loop3A_282 = arith.index_cast %parallel_loop3A_279 : i32 to index
      %parallel_loop3A_283 = tpu.vector_load %arg5[%parallel_loop3A_281, %parallel_loop3A_282] {strides = array<i32>} : memref<8x4096xi32, #tpu.memory_space<vmem>>, vector<16xi32>,
      tpu.vector_store_idx %arg7[%parallel_loop3A_283], %broadcast_in_dim3A_184 {add = true} : memref<20480xi32, #tpu.memory_space<vmem>>[vector<16xi32>], vector<16xi32>,
      %parallel_loop3A_284 = arith.constant 16 : i32
      %parallel_loop3A_285 = arith.muli %parallel_loop3A_247, %parallel_loop3A_284 : i32
      %parallel_loop3A_286 = arith.constant 6 : i32
      %parallel_loop3A_287 = arith.index_cast %parallel_loop3A_286 : i32 to index
      %parallel_loop3A_288 = arith.index_cast %parallel_loop3A_285 : i32 to index
      %parallel_loop3A_289 = tpu.vector_load %arg5[%parallel_loop3A_287, %parallel_loop3A_288] {strides = array<i32>} : memref<8x4096xi32, #tpu.memory_space<vmem>>, vector<16xi32>,
      tpu.vector_store_idx %arg6[%parallel_loop3A_289], %broadcast_in_dim3A_184 {add = true} : memref<20480xi32, #tpu.memory_space<vmem>>[vector<16xi32>], vector<16xi32>,
      %parallel_loop3A_290 = arith.constant 16 : i32
      %parallel_loop3A_291 = arith.muli %parallel_loop3A_247, %parallel_loop3A_290 : i32
      %parallel_loop3A_292 = arith.constant 7 : i32
      %parallel_loop3A_293 = arith.index_cast %parallel_loop3A_292 : i32 to index
      %parallel_loop3A_294 = arith.index_cast %parallel_loop3A_291 : i32 to index
      %parallel_loop3A_295 = tpu.vector_load %arg5[%parallel_loop3A_293, %parallel_loop3A_294] {strides = array<i32>} : memref<8x4096xi32, #tpu.memory_space<vmem>>, vector<16xi32>,
      tpu.vector_store_idx %arg7[%parallel_loop3A_295], %broadcast_in_dim3A_184 {add = true} : memref<20480xi32, #tpu.memory_space<vmem>>[vector<16xi32>], vector<16xi32>,
    } {sc.loop_unroll_factor = 2 : i64, sc.parallel_access}
    %add3A_188 = arith.constant 104 : i32
    %add3A_189 = arith.addi %mul3A_3, %add3A_188 : i32
    %dma_start3A_190 = arith.constant 0 : i32
    %dma_start3A_191 = tpu.memref_slice %arg2[%add3A_189, %dma_start3A_190] : memref<4096x4096xi32, #tpu.memory_space<hbm>> -> memref<8x4096xi32, #tpu.memory_space<hbm>>
    %dma_start3A_192 = arith.constant 0 : i32
    %dma_start3A_193 = tpu.memref_slice %arg2[%add3A_189, %dma_start3A_192] : memref<4096x4096xi32, #tpu.memory_space<hbm>> -> memref<8x4096xi32, #tpu.memory_space<hbm>>
    tpu.enqueue_dma source(%dma_start3A_193 : memref<8x4096xi32, #tpu.memory_space<hbm>>) target(%arg5 : memref<8x4096xi32, #tpu.memory_space<vmem>>) target_semaphore(%arg9 : memref<!tpu.dma_semaphore, #tpu.memory_space<semaphore_mem>>)
    %dma_wait3A_194 = arith.constant 0 : i32
    %dma_wait3A_195 = tpu.memref_slice %arg2[%add3A_174, %dma_wait3A_194] : memref<4096x4096xi32, #tpu.memory_space<hbm>> -> memref<8x4096xi32, #tpu.memory_space<hbm>>
    %dma_wait3A_196 = arith.constant 0 : i32
    %dma_wait3A_197 = tpu.memref_slice %arg2[%add3A_174, %dma_wait3A_196] : memref<4096x4096xi32, #tpu.memory_space<hbm>> -> memref<8x4096xi32, #tpu.memory_space<hbm>>
    tpu.wait_dma2 semaphore(%arg8 : memref<!tpu.dma_semaphore, #tpu.memory_space<semaphore_mem>>) src(%dma_wait3A_197 : memref<8x4096xi32, #tpu.memory_space<hbm>>) dst(%arg4 : memref<8x4096xi32, #tpu.memory_space<vmem>>)
    %broadcast_in_dim3A_198 = arith.constant 1 : i32
    %broadcast_in_dim3A_199 = vector.broadcast %broadcast_in_dim3A_198 : i32 to vector<16xi32>
    %parallel_loop3A_200 = arith.constant 0 : i32
    %parallel_loop3A_201 = arith.constant 256 : i32
    %parallel_loop3A_202 = arith.constant 1 : i32
    scf.for %parallel_loop3A_247 = %parallel_loop3A_200 to %parallel_loop3A_201 step %parallel_loop3A_202  : i32 {
      %parallel_loop3A_248 = arith.constant 16 : i32
      %parallel_loop3A_249 = arith.muli %parallel_loop3A_247, %parallel_loop3A_248 : i32
      %parallel_loop3A_250 = arith.constant 0 : i32
      %parallel_loop3A_251 = arith.index_cast %parallel_loop3A_250 : i32 to index
      %parallel_loop3A_252 = arith.index_cast %parallel_loop3A_249 : i32 to index
      %parallel_loop3A_253 = tpu.vector_load %arg4[%parallel_loop3A_251, %parallel_loop3A_252] {strides = array<i32>} : memref<8x4096xi32, #tpu.memory_space<vmem>>, vector<16xi32>,
      tpu.vector_store_idx %arg6[%parallel_loop3A_253], %broadcast_in_dim3A_199 {add = true} : memref<20480xi32, #tpu.memory_space<vmem>>[vector<16xi32>], vector<16xi32>,
      %parallel_loop3A_254 = arith.constant 16 : i32
      %parallel_loop3A_255 = arith.muli %parallel_loop3A_247, %parallel_loop3A_254 : i32
      %parallel_loop3A_256 = arith.constant 1 : i32
      %parallel_loop3A_257 = arith.index_cast %parallel_loop3A_256 : i32 to index
      %parallel_loop3A_258 = arith.index_cast %parallel_loop3A_255 : i32 to index
      %parallel_loop3A_259 = tpu.vector_load %arg4[%parallel_loop3A_257, %parallel_loop3A_258] {strides = array<i32>} : memref<8x4096xi32, #tpu.memory_space<vmem>>, vector<16xi32>,
      tpu.vector_store_idx %arg7[%parallel_loop3A_259], %broadcast_in_dim3A_199 {add = true} : memref<20480xi32, #tpu.memory_space<vmem>>[vector<16xi32>], vector<16xi32>,
      %parallel_loop3A_260 = arith.constant 16 : i32
      %parallel_loop3A_261 = arith.muli %parallel_loop3A_247, %parallel_loop3A_260 : i32
      %parallel_loop3A_262 = arith.constant 2 : i32
      %parallel_loop3A_263 = arith.index_cast %parallel_loop3A_262 : i32 to index
      %parallel_loop3A_264 = arith.index_cast %parallel_loop3A_261 : i32 to index
      %parallel_loop3A_265 = tpu.vector_load %arg4[%parallel_loop3A_263, %parallel_loop3A_264] {strides = array<i32>} : memref<8x4096xi32, #tpu.memory_space<vmem>>, vector<16xi32>,
      tpu.vector_store_idx %arg6[%parallel_loop3A_265], %broadcast_in_dim3A_199 {add = true} : memref<20480xi32, #tpu.memory_space<vmem>>[vector<16xi32>], vector<16xi32>,
      %parallel_loop3A_266 = arith.constant 16 : i32
      %parallel_loop3A_267 = arith.muli %parallel_loop3A_247, %parallel_loop3A_266 : i32
      %parallel_loop3A_268 = arith.constant 3 : i32
      %parallel_loop3A_269 = arith.index_cast %parallel_loop3A_268 : i32 to index
      %parallel_loop3A_270 = arith.index_cast %parallel_loop3A_267 : i32 to index
      %parallel_loop3A_271 = tpu.vector_load %arg4[%parallel_loop3A_269, %parallel_loop3A_270] {strides = array<i32>} : memref<8x4096xi32, #tpu.memory_space<vmem>>, vector<16xi32>,
      tpu.vector_store_idx %arg7[%parallel_loop3A_271], %broadcast_in_dim3A_199 {add = true} : memref<20480xi32, #tpu.memory_space<vmem>>[vector<16xi32>], vector<16xi32>,
      %parallel_loop3A_272 = arith.constant 16 : i32
      %parallel_loop3A_273 = arith.muli %parallel_loop3A_247, %parallel_loop3A_272 : i32
      %parallel_loop3A_274 = arith.constant 4 : i32
      %parallel_loop3A_275 = arith.index_cast %parallel_loop3A_274 : i32 to index
      %parallel_loop3A_276 = arith.index_cast %parallel_loop3A_273 : i32 to index
      %parallel_loop3A_277 = tpu.vector_load %arg4[%parallel_loop3A_275, %parallel_loop3A_276] {strides = array<i32>} : memref<8x4096xi32, #tpu.memory_space<vmem>>, vector<16xi32>,
      tpu.vector_store_idx %arg6[%parallel_loop3A_277], %broadcast_in_dim3A_199 {add = true} : memref<20480xi32, #tpu.memory_space<vmem>>[vector<16xi32>], vector<16xi32>,
      %parallel_loop3A_278 = arith.constant 16 : i32
      %parallel_loop3A_279 = arith.muli %parallel_loop3A_247, %parallel_loop3A_278 : i32
      %parallel_loop3A_280 = arith.constant 5 : i32
      %parallel_loop3A_281 = arith.index_cast %parallel_loop3A_280 : i32 to index
      %parallel_loop3A_282 = arith.index_cast %parallel_loop3A_279 : i32 to index
      %parallel_loop3A_283 = tpu.vector_load %arg4[%parallel_loop3A_281, %parallel_loop3A_282] {strides = array<i32>} : memref<8x4096xi32, #tpu.memory_space<vmem>>, vector<16xi32>,
      tpu.vector_store_idx %arg7[%parallel_loop3A_283], %broadcast_in_dim3A_199 {add = true} : memref<20480xi32, #tpu.memory_space<vmem>>[vector<16xi32>], vector<16xi32>,
      %parallel_loop3A_284 = arith.constant 16 : i32
      %parallel_loop3A_285 = arith.muli %parallel_loop3A_247, %parallel_loop3A_284 : i32
      %parallel_loop3A_286 = arith.constant 6 : i32
      %parallel_loop3A_287 = arith.index_cast %parallel_loop3A_286 : i32 to index
      %parallel_loop3A_288 = arith.index_cast %parallel_loop3A_285 : i32 to index
      %parallel_loop3A_289 = tpu.vector_load %arg4[%parallel_loop3A_287, %parallel_loop3A_288] {strides = array<i32>} : memref<8x4096xi32, #tpu.memory_space<vmem>>, vector<16xi32>,
      tpu.vector_store_idx %arg6[%parallel_loop3A_289], %broadcast_in_dim3A_199 {add = true} : memref<20480xi32, #tpu.memory_space<vmem>>[vector<16xi32>], vector<16xi32>,
      %parallel_loop3A_290 = arith.constant 16 : i32
      %parallel_loop3A_291 = arith.muli %parallel_loop3A_247, %parallel_loop3A_290 : i32
      %parallel_loop3A_292 = arith.constant 7 : i32
      %parallel_loop3A_293 = arith.index_cast %parallel_loop3A_292 : i32 to index
      %parallel_loop3A_294 = arith.index_cast %parallel_loop3A_291 : i32 to index
      %parallel_loop3A_295 = tpu.vector_load %arg4[%parallel_loop3A_293, %parallel_loop3A_294] {strides = array<i32>} : memref<8x4096xi32, #tpu.memory_space<vmem>>, vector<16xi32>,
      tpu.vector_store_idx %arg7[%parallel_loop3A_295], %broadcast_in_dim3A_199 {add = true} : memref<20480xi32, #tpu.memory_space<vmem>>[vector<16xi32>], vector<16xi32>,
    } {sc.loop_unroll_factor = 2 : i64, sc.parallel_access}
    %add3A_203 = arith.constant 112 : i32
    %add3A_204 = arith.addi %mul3A_3, %add3A_203 : i32
    %dma_start3A_205 = arith.constant 0 : i32
    %dma_start3A_206 = tpu.memref_slice %arg2[%add3A_204, %dma_start3A_205] : memref<4096x4096xi32, #tpu.memory_space<hbm>> -> memref<8x4096xi32, #tpu.memory_space<hbm>>
    %dma_start3A_207 = arith.constant 0 : i32
    %dma_start3A_208 = tpu.memref_slice %arg2[%add3A_204, %dma_start3A_207] : memref<4096x4096xi32, #tpu.memory_space<hbm>> -> memref<8x4096xi32, #tpu.memory_space<hbm>>
    tpu.enqueue_dma source(%dma_start3A_208 : memref<8x4096xi32, #tpu.memory_space<hbm>>) target(%arg4 : memref<8x4096xi32, #tpu.memory_space<vmem>>) target_semaphore(%arg8 : memref<!tpu.dma_semaphore, #tpu.memory_space<semaphore_mem>>)
    %dma_wait3A_209 = arith.constant 0 : i32
    %dma_wait3A_210 = tpu.memref_slice %arg2[%add3A_189, %dma_wait3A_209] : memref<4096x4096xi32, #tpu.memory_space<hbm>> -> memref<8x4096xi32, #tpu.memory_space<hbm>>
    %dma_wait3A_211 = arith.constant 0 : i32
    %dma_wait3A_212 = tpu.memref_slice %arg2[%add3A_189, %dma_wait3A_211] : memref<4096x4096xi32, #tpu.memory_space<hbm>> -> memref<8x4096xi32, #tpu.memory_space<hbm>>
    tpu.wait_dma2 semaphore(%arg9 : memref<!tpu.dma_semaphore, #tpu.memory_space<semaphore_mem>>) src(%dma_wait3A_212 : memref<8x4096xi32, #tpu.memory_space<hbm>>) dst(%arg5 : memref<8x4096xi32, #tpu.memory_space<vmem>>)
    %broadcast_in_dim3A_213 = arith.constant 1 : i32
    %broadcast_in_dim3A_214 = vector.broadcast %broadcast_in_dim3A_213 : i32 to vector<16xi32>
    %parallel_loop3A_215 = arith.constant 0 : i32
    %parallel_loop3A_216 = arith.constant 256 : i32
    %parallel_loop3A_217 = arith.constant 1 : i32
    scf.for %parallel_loop3A_247 = %parallel_loop3A_215 to %parallel_loop3A_216 step %parallel_loop3A_217  : i32 {
      %parallel_loop3A_248 = arith.constant 16 : i32
      %parallel_loop3A_249 = arith.muli %parallel_loop3A_247, %parallel_loop3A_248 : i32
      %parallel_loop3A_250 = arith.constant 0 : i32
      %parallel_loop3A_251 = arith.index_cast %parallel_loop3A_250 : i32 to index
      %parallel_loop3A_252 = arith.index_cast %parallel_loop3A_249 : i32 to index
      %parallel_loop3A_253 = tpu.vector_load %arg5[%parallel_loop3A_251, %parallel_loop3A_252] {strides = array<i32>} : memref<8x4096xi32, #tpu.memory_space<vmem>>, vector<16xi32>,
      tpu.vector_store_idx %arg6[%parallel_loop3A_253], %broadcast_in_dim3A_214 {add = true} : memref<20480xi32, #tpu.memory_space<vmem>>[vector<16xi32>], vector<16xi32>,
      %parallel_loop3A_254 = arith.constant 16 : i32
      %parallel_loop3A_255 = arith.muli %parallel_loop3A_247, %parallel_loop3A_254 : i32
      %parallel_loop3A_256 = arith.constant 1 : i32
      %parallel_loop3A_257 = arith.index_cast %parallel_loop3A_256 : i32 to index
      %parallel_loop3A_258 = arith.index_cast %parallel_loop3A_255 : i32 to index
      %parallel_loop3A_259 = tpu.vector_load %arg5[%parallel_loop3A_257, %parallel_loop3A_258] {strides = array<i32>} : memref<8x4096xi32, #tpu.memory_space<vmem>>, vector<16xi32>,
      tpu.vector_store_idx %arg7[%parallel_loop3A_259], %broadcast_in_dim3A_214 {add = true} : memref<20480xi32, #tpu.memory_space<vmem>>[vector<16xi32>], vector<16xi32>,
      %parallel_loop3A_260 = arith.constant 16 : i32
      %parallel_loop3A_261 = arith.muli %parallel_loop3A_247, %parallel_loop3A_260 : i32
      %parallel_loop3A_262 = arith.constant 2 : i32
      %parallel_loop3A_263 = arith.index_cast %parallel_loop3A_262 : i32 to index
      %parallel_loop3A_264 = arith.index_cast %parallel_loop3A_261 : i32 to index
      %parallel_loop3A_265 = tpu.vector_load %arg5[%parallel_loop3A_263, %parallel_loop3A_264] {strides = array<i32>} : memref<8x4096xi32, #tpu.memory_space<vmem>>, vector<16xi32>,
      tpu.vector_store_idx %arg6[%parallel_loop3A_265], %broadcast_in_dim3A_214 {add = true} : memref<20480xi32, #tpu.memory_space<vmem>>[vector<16xi32>], vector<16xi32>,
      %parallel_loop3A_266 = arith.constant 16 : i32
      %parallel_loop3A_267 = arith.muli %parallel_loop3A_247, %parallel_loop3A_266 : i32
      %parallel_loop3A_268 = arith.constant 3 : i32
      %parallel_loop3A_269 = arith.index_cast %parallel_loop3A_268 : i32 to index
      %parallel_loop3A_270 = arith.index_cast %parallel_loop3A_267 : i32 to index
      %parallel_loop3A_271 = tpu.vector_load %arg5[%parallel_loop3A_269, %parallel_loop3A_270] {strides = array<i32>} : memref<8x4096xi32, #tpu.memory_space<vmem>>, vector<16xi32>,
      tpu.vector_store_idx %arg7[%parallel_loop3A_271], %broadcast_in_dim3A_214 {add = true} : memref<20480xi32, #tpu.memory_space<vmem>>[vector<16xi32>], vector<16xi32>,
      %parallel_loop3A_272 = arith.constant 16 : i32
      %parallel_loop3A_273 = arith.muli %parallel_loop3A_247, %parallel_loop3A_272 : i32
      %parallel_loop3A_274 = arith.constant 4 : i32
      %parallel_loop3A_275 = arith.index_cast %parallel_loop3A_274 : i32 to index
      %parallel_loop3A_276 = arith.index_cast %parallel_loop3A_273 : i32 to index
      %parallel_loop3A_277 = tpu.vector_load %arg5[%parallel_loop3A_275, %parallel_loop3A_276] {strides = array<i32>} : memref<8x4096xi32, #tpu.memory_space<vmem>>, vector<16xi32>,
      tpu.vector_store_idx %arg6[%parallel_loop3A_277], %broadcast_in_dim3A_214 {add = true} : memref<20480xi32, #tpu.memory_space<vmem>>[vector<16xi32>], vector<16xi32>,
      %parallel_loop3A_278 = arith.constant 16 : i32
      %parallel_loop3A_279 = arith.muli %parallel_loop3A_247, %parallel_loop3A_278 : i32
      %parallel_loop3A_280 = arith.constant 5 : i32
      %parallel_loop3A_281 = arith.index_cast %parallel_loop3A_280 : i32 to index
      %parallel_loop3A_282 = arith.index_cast %parallel_loop3A_279 : i32 to index
      %parallel_loop3A_283 = tpu.vector_load %arg5[%parallel_loop3A_281, %parallel_loop3A_282] {strides = array<i32>} : memref<8x4096xi32, #tpu.memory_space<vmem>>, vector<16xi32>,
      tpu.vector_store_idx %arg7[%parallel_loop3A_283], %broadcast_in_dim3A_214 {add = true} : memref<20480xi32, #tpu.memory_space<vmem>>[vector<16xi32>], vector<16xi32>,
      %parallel_loop3A_284 = arith.constant 16 : i32
      %parallel_loop3A_285 = arith.muli %parallel_loop3A_247, %parallel_loop3A_284 : i32
      %parallel_loop3A_286 = arith.constant 6 : i32
      %parallel_loop3A_287 = arith.index_cast %parallel_loop3A_286 : i32 to index
      %parallel_loop3A_288 = arith.index_cast %parallel_loop3A_285 : i32 to index
      %parallel_loop3A_289 = tpu.vector_load %arg5[%parallel_loop3A_287, %parallel_loop3A_288] {strides = array<i32>} : memref<8x4096xi32, #tpu.memory_space<vmem>>, vector<16xi32>,
      tpu.vector_store_idx %arg6[%parallel_loop3A_289], %broadcast_in_dim3A_214 {add = true} : memref<20480xi32, #tpu.memory_space<vmem>>[vector<16xi32>], vector<16xi32>,
      %parallel_loop3A_290 = arith.constant 16 : i32
      %parallel_loop3A_291 = arith.muli %parallel_loop3A_247, %parallel_loop3A_290 : i32
      %parallel_loop3A_292 = arith.constant 7 : i32
      %parallel_loop3A_293 = arith.index_cast %parallel_loop3A_292 : i32 to index
      %parallel_loop3A_294 = arith.index_cast %parallel_loop3A_291 : i32 to index
      %parallel_loop3A_295 = tpu.vector_load %arg5[%parallel_loop3A_293, %parallel_loop3A_294] {strides = array<i32>} : memref<8x4096xi32, #tpu.memory_space<vmem>>, vector<16xi32>,
      tpu.vector_store_idx %arg7[%parallel_loop3A_295], %broadcast_in_dim3A_214 {add = true} : memref<20480xi32, #tpu.memory_space<vmem>>[vector<16xi32>], vector<16xi32>,
    } {sc.loop_unroll_factor = 2 : i64, sc.parallel_access}
    %add3A_218 = arith.constant 120 : i32
    %add3A_219 = arith.addi %mul3A_3, %add3A_218 : i32
    %dma_start3A_220 = arith.constant 0 : i32
    %dma_start3A_221 = tpu.memref_slice %arg2[%add3A_219, %dma_start3A_220] : memref<4096x4096xi32, #tpu.memory_space<hbm>> -> memref<8x4096xi32, #tpu.memory_space<hbm>>
    %dma_start3A_222 = arith.constant 0 : i32
    %dma_start3A_223 = tpu.memref_slice %arg2[%add3A_219, %dma_start3A_222] : memref<4096x4096xi32, #tpu.memory_space<hbm>> -> memref<8x4096xi32, #tpu.memory_space<hbm>>
    tpu.enqueue_dma source(%dma_start3A_223 : memref<8x4096xi32, #tpu.memory_space<hbm>>) target(%arg5 : memref<8x4096xi32, #tpu.memory_space<vmem>>) target_semaphore(%arg9 : memref<!tpu.dma_semaphore, #tpu.memory_space<semaphore_mem>>)
    %dma_wait3A_224 = arith.constant 0 : i32
    %dma_wait3A_225 = tpu.memref_slice %arg2[%add3A_204, %dma_wait3A_224] : memref<4096x4096xi32, #tpu.memory_space<hbm>> -> memref<8x4096xi32, #tpu.memory_space<hbm>>
    %dma_wait3A_226 = arith.constant 0 : i32
    %dma_wait3A_227 = tpu.memref_slice %arg2[%add3A_204, %dma_wait3A_226] : memref<4096x4096xi32, #tpu.memory_space<hbm>> -> memref<8x4096xi32, #tpu.memory_space<hbm>>
    tpu.wait_dma2 semaphore(%arg8 : memref<!tpu.dma_semaphore, #tpu.memory_space<semaphore_mem>>) src(%dma_wait3A_227 : memref<8x4096xi32, #tpu.memory_space<hbm>>) dst(%arg4 : memref<8x4096xi32, #tpu.memory_space<vmem>>)
    %broadcast_in_dim3A_228 = arith.constant 1 : i32
    %broadcast_in_dim3A_229 = vector.broadcast %broadcast_in_dim3A_228 : i32 to vector<16xi32>
    %parallel_loop3A_230 = arith.constant 0 : i32
    %parallel_loop3A_231 = arith.constant 256 : i32
    %parallel_loop3A_232 = arith.constant 1 : i32
    scf.for %parallel_loop3A_247 = %parallel_loop3A_230 to %parallel_loop3A_231 step %parallel_loop3A_232  : i32 {
      %parallel_loop3A_248 = arith.constant 16 : i32
      %parallel_loop3A_249 = arith.muli %parallel_loop3A_247, %parallel_loop3A_248 : i32
      %parallel_loop3A_250 = arith.constant 0 : i32
      %parallel_loop3A_251 = arith.index_cast %parallel_loop3A_250 : i32 to index
      %parallel_loop3A_252 = arith.index_cast %parallel_loop3A_249 : i32 to index
      %parallel_loop3A_253 = tpu.vector_load %arg4[%parallel_loop3A_251, %parallel_loop3A_252] {strides = array<i32>} : memref<8x4096xi32, #tpu.memory_space<vmem>>, vector<16xi32>,
      tpu.vector_store_idx %arg6[%parallel_loop3A_253], %broadcast_in_dim3A_229 {add = true} : memref<20480xi32, #tpu.memory_space<vmem>>[vector<16xi32>], vector<16xi32>,
      %parallel_loop3A_254 = arith.constant 16 : i32
      %parallel_loop3A_255 = arith.muli %parallel_loop3A_247, %parallel_loop3A_254 : i32
      %parallel_loop3A_256 = arith.constant 1 : i32
      %parallel_loop3A_257 = arith.index_cast %parallel_loop3A_256 : i32 to index
      %parallel_loop3A_258 = arith.index_cast %parallel_loop3A_255 : i32 to index
      %parallel_loop3A_259 = tpu.vector_load %arg4[%parallel_loop3A_257, %parallel_loop3A_258] {strides = array<i32>} : memref<8x4096xi32, #tpu.memory_space<vmem>>, vector<16xi32>,
      tpu.vector_store_idx %arg7[%parallel_loop3A_259], %broadcast_in_dim3A_229 {add = true} : memref<20480xi32, #tpu.memory_space<vmem>>[vector<16xi32>], vector<16xi32>,
      %parallel_loop3A_260 = arith.constant 16 : i32
      %parallel_loop3A_261 = arith.muli %parallel_loop3A_247, %parallel_loop3A_260 : i32
      %parallel_loop3A_262 = arith.constant 2 : i32
      %parallel_loop3A_263 = arith.index_cast %parallel_loop3A_262 : i32 to index
      %parallel_loop3A_264 = arith.index_cast %parallel_loop3A_261 : i32 to index
      %parallel_loop3A_265 = tpu.vector_load %arg4[%parallel_loop3A_263, %parallel_loop3A_264] {strides = array<i32>} : memref<8x4096xi32, #tpu.memory_space<vmem>>, vector<16xi32>,
      tpu.vector_store_idx %arg6[%parallel_loop3A_265], %broadcast_in_dim3A_229 {add = true} : memref<20480xi32, #tpu.memory_space<vmem>>[vector<16xi32>], vector<16xi32>,
      %parallel_loop3A_266 = arith.constant 16 : i32
      %parallel_loop3A_267 = arith.muli %parallel_loop3A_247, %parallel_loop3A_266 : i32
      %parallel_loop3A_268 = arith.constant 3 : i32
      %parallel_loop3A_269 = arith.index_cast %parallel_loop3A_268 : i32 to index
      %parallel_loop3A_270 = arith.index_cast %parallel_loop3A_267 : i32 to index
      %parallel_loop3A_271 = tpu.vector_load %arg4[%parallel_loop3A_269, %parallel_loop3A_270] {strides = array<i32>} : memref<8x4096xi32, #tpu.memory_space<vmem>>, vector<16xi32>,
      tpu.vector_store_idx %arg7[%parallel_loop3A_271], %broadcast_in_dim3A_229 {add = true} : memref<20480xi32, #tpu.memory_space<vmem>>[vector<16xi32>], vector<16xi32>,
      %parallel_loop3A_272 = arith.constant 16 : i32
      %parallel_loop3A_273 = arith.muli %parallel_loop3A_247, %parallel_loop3A_272 : i32
      %parallel_loop3A_274 = arith.constant 4 : i32
      %parallel_loop3A_275 = arith.index_cast %parallel_loop3A_274 : i32 to index
      %parallel_loop3A_276 = arith.index_cast %parallel_loop3A_273 : i32 to index
      %parallel_loop3A_277 = tpu.vector_load %arg4[%parallel_loop3A_275, %parallel_loop3A_276] {strides = array<i32>} : memref<8x4096xi32, #tpu.memory_space<vmem>>, vector<16xi32>,
      tpu.vector_store_idx %arg6[%parallel_loop3A_277], %broadcast_in_dim3A_229 {add = true} : memref<20480xi32, #tpu.memory_space<vmem>>[vector<16xi32>], vector<16xi32>,
      %parallel_loop3A_278 = arith.constant 16 : i32
      %parallel_loop3A_279 = arith.muli %parallel_loop3A_247, %parallel_loop3A_278 : i32
      %parallel_loop3A_280 = arith.constant 5 : i32
      %parallel_loop3A_281 = arith.index_cast %parallel_loop3A_280 : i32 to index
      %parallel_loop3A_282 = arith.index_cast %parallel_loop3A_279 : i32 to index
      %parallel_loop3A_283 = tpu.vector_load %arg4[%parallel_loop3A_281, %parallel_loop3A_282] {strides = array<i32>} : memref<8x4096xi32, #tpu.memory_space<vmem>>, vector<16xi32>,
      tpu.vector_store_idx %arg7[%parallel_loop3A_283], %broadcast_in_dim3A_229 {add = true} : memref<20480xi32, #tpu.memory_space<vmem>>[vector<16xi32>], vector<16xi32>,
      %parallel_loop3A_284 = arith.constant 16 : i32
      %parallel_loop3A_285 = arith.muli %parallel_loop3A_247, %parallel_loop3A_284 : i32
      %parallel_loop3A_286 = arith.constant 6 : i32
      %parallel_loop3A_287 = arith.index_cast %parallel_loop3A_286 : i32 to index
      %parallel_loop3A_288 = arith.index_cast %parallel_loop3A_285 : i32 to index
      %parallel_loop3A_289 = tpu.vector_load %arg4[%parallel_loop3A_287, %parallel_loop3A_288] {strides = array<i32>} : memref<8x4096xi32, #tpu.memory_space<vmem>>, vector<16xi32>,
      tpu.vector_store_idx %arg6[%parallel_loop3A_289], %broadcast_in_dim3A_229 {add = true} : memref<20480xi32, #tpu.memory_space<vmem>>[vector<16xi32>], vector<16xi32>,
      %parallel_loop3A_290 = arith.constant 16 : i32
      %parallel_loop3A_291 = arith.muli %parallel_loop3A_247, %parallel_loop3A_290 : i32
      %parallel_loop3A_292 = arith.constant 7 : i32
      %parallel_loop3A_293 = arith.index_cast %parallel_loop3A_292 : i32 to index
      %parallel_loop3A_294 = arith.index_cast %parallel_loop3A_291 : i32 to index
      %parallel_loop3A_295 = tpu.vector_load %arg4[%parallel_loop3A_293, %parallel_loop3A_294] {strides = array<i32>} : memref<8x4096xi32, #tpu.memory_space<vmem>>, vector<16xi32>,
      tpu.vector_store_idx %arg7[%parallel_loop3A_295], %broadcast_in_dim3A_229 {add = true} : memref<20480xi32, #tpu.memory_space<vmem>>[vector<16xi32>], vector<16xi32>,
    } {sc.loop_unroll_factor = 2 : i64, sc.parallel_access}
    %dma_wait3A_233 = arith.constant 0 : i32
    %dma_wait3A_234 = tpu.memref_slice %arg2[%add3A_219, %dma_wait3A_233] : memref<4096x4096xi32, #tpu.memory_space<hbm>> -> memref<8x4096xi32, #tpu.memory_space<hbm>>
    %dma_wait3A_235 = arith.constant 0 : i32
    %dma_wait3A_236 = tpu.memref_slice %arg2[%add3A_219, %dma_wait3A_235] : memref<4096x4096xi32, #tpu.memory_space<hbm>> -> memref<8x4096xi32, #tpu.memory_space<hbm>>
    tpu.wait_dma2 semaphore(%arg9 : memref<!tpu.dma_semaphore, #tpu.memory_space<semaphore_mem>>) src(%dma_wait3A_236 : memref<8x4096xi32, #tpu.memory_space<hbm>>) dst(%arg5 : memref<8x4096xi32, #tpu.memory_space<vmem>>)
    %broadcast_in_dim3A_237 = arith.constant 1 : i32
    %broadcast_in_dim3A_238 = vector.broadcast %broadcast_in_dim3A_237 : i32 to vector<16xi32>
    %parallel_loop3A_239 = arith.constant 0 : i32
    %parallel_loop3A_240 = arith.constant 256 : i32
    %parallel_loop3A_241 = arith.constant 1 : i32
    scf.for %parallel_loop3A_247 = %parallel_loop3A_239 to %parallel_loop3A_240 step %parallel_loop3A_241  : i32 {
      %parallel_loop3A_248 = arith.constant 16 : i32
      %parallel_loop3A_249 = arith.muli %parallel_loop3A_247, %parallel_loop3A_248 : i32
      %parallel_loop3A_250 = arith.constant 0 : i32
      %parallel_loop3A_251 = arith.index_cast %parallel_loop3A_250 : i32 to index
      %parallel_loop3A_252 = arith.index_cast %parallel_loop3A_249 : i32 to index
      %parallel_loop3A_253 = tpu.vector_load %arg5[%parallel_loop3A_251, %parallel_loop3A_252] {strides = array<i32>} : memref<8x4096xi32, #tpu.memory_space<vmem>>, vector<16xi32>,
      tpu.vector_store_idx %arg6[%parallel_loop3A_253], %broadcast_in_dim3A_238 {add = true} : memref<20480xi32, #tpu.memory_space<vmem>>[vector<16xi32>], vector<16xi32>,
      %parallel_loop3A_254 = arith.constant 16 : i32
      %parallel_loop3A_255 = arith.muli %parallel_loop3A_247, %parallel_loop3A_254 : i32
      %parallel_loop3A_256 = arith.constant 1 : i32
      %parallel_loop3A_257 = arith.index_cast %parallel_loop3A_256 : i32 to index
      %parallel_loop3A_258 = arith.index_cast %parallel_loop3A_255 : i32 to index
      %parallel_loop3A_259 = tpu.vector_load %arg5[%parallel_loop3A_257, %parallel_loop3A_258] {strides = array<i32>} : memref<8x4096xi32, #tpu.memory_space<vmem>>, vector<16xi32>,
      tpu.vector_store_idx %arg7[%parallel_loop3A_259], %broadcast_in_dim3A_238 {add = true} : memref<20480xi32, #tpu.memory_space<vmem>>[vector<16xi32>], vector<16xi32>,
      %parallel_loop3A_260 = arith.constant 16 : i32
      %parallel_loop3A_261 = arith.muli %parallel_loop3A_247, %parallel_loop3A_260 : i32
      %parallel_loop3A_262 = arith.constant 2 : i32
      %parallel_loop3A_263 = arith.index_cast %parallel_loop3A_262 : i32 to index
      %parallel_loop3A_264 = arith.index_cast %parallel_loop3A_261 : i32 to index
      %parallel_loop3A_265 = tpu.vector_load %arg5[%parallel_loop3A_263, %parallel_loop3A_264] {strides = array<i32>} : memref<8x4096xi32, #tpu.memory_space<vmem>>, vector<16xi32>,
      tpu.vector_store_idx %arg6[%parallel_loop3A_265], %broadcast_in_dim3A_238 {add = true} : memref<20480xi32, #tpu.memory_space<vmem>>[vector<16xi32>], vector<16xi32>,
      %parallel_loop3A_266 = arith.constant 16 : i32
      %parallel_loop3A_267 = arith.muli %parallel_loop3A_247, %parallel_loop3A_266 : i32
      %parallel_loop3A_268 = arith.constant 3 : i32
      %parallel_loop3A_269 = arith.index_cast %parallel_loop3A_268 : i32 to index
      %parallel_loop3A_270 = arith.index_cast %parallel_loop3A_267 : i32 to index
      %parallel_loop3A_271 = tpu.vector_load %arg5[%parallel_loop3A_269, %parallel_loop3A_270] {strides = array<i32>} : memref<8x4096xi32, #tpu.memory_space<vmem>>, vector<16xi32>,
      tpu.vector_store_idx %arg7[%parallel_loop3A_271], %broadcast_in_dim3A_238 {add = true} : memref<20480xi32, #tpu.memory_space<vmem>>[vector<16xi32>], vector<16xi32>,
      %parallel_loop3A_272 = arith.constant 16 : i32
      %parallel_loop3A_273 = arith.muli %parallel_loop3A_247, %parallel_loop3A_272 : i32
      %parallel_loop3A_274 = arith.constant 4 : i32
      %parallel_loop3A_275 = arith.index_cast %parallel_loop3A_274 : i32 to index
      %parallel_loop3A_276 = arith.index_cast %parallel_loop3A_273 : i32 to index
      %parallel_loop3A_277 = tpu.vector_load %arg5[%parallel_loop3A_275, %parallel_loop3A_276] {strides = array<i32>} : memref<8x4096xi32, #tpu.memory_space<vmem>>, vector<16xi32>,
      tpu.vector_store_idx %arg6[%parallel_loop3A_277], %broadcast_in_dim3A_238 {add = true} : memref<20480xi32, #tpu.memory_space<vmem>>[vector<16xi32>], vector<16xi32>,
      %parallel_loop3A_278 = arith.constant 16 : i32
      %parallel_loop3A_279 = arith.muli %parallel_loop3A_247, %parallel_loop3A_278 : i32
      %parallel_loop3A_280 = arith.constant 5 : i32
      %parallel_loop3A_281 = arith.index_cast %parallel_loop3A_280 : i32 to index
      %parallel_loop3A_282 = arith.index_cast %parallel_loop3A_279 : i32 to index
      %parallel_loop3A_283 = tpu.vector_load %arg5[%parallel_loop3A_281, %parallel_loop3A_282] {strides = array<i32>} : memref<8x4096xi32, #tpu.memory_space<vmem>>, vector<16xi32>,
      tpu.vector_store_idx %arg7[%parallel_loop3A_283], %broadcast_in_dim3A_238 {add = true} : memref<20480xi32, #tpu.memory_space<vmem>>[vector<16xi32>], vector<16xi32>,
      %parallel_loop3A_284 = arith.constant 16 : i32
      %parallel_loop3A_285 = arith.muli %parallel_loop3A_247, %parallel_loop3A_284 : i32
      %parallel_loop3A_286 = arith.constant 6 : i32
      %parallel_loop3A_287 = arith.index_cast %parallel_loop3A_286 : i32 to index
      %parallel_loop3A_288 = arith.index_cast %parallel_loop3A_285 : i32 to index
      %parallel_loop3A_289 = tpu.vector_load %arg5[%parallel_loop3A_287, %parallel_loop3A_288] {strides = array<i32>} : memref<8x4096xi32, #tpu.memory_space<vmem>>, vector<16xi32>,
      tpu.vector_store_idx %arg6[%parallel_loop3A_289], %broadcast_in_dim3A_238 {add = true} : memref<20480xi32, #tpu.memory_space<vmem>>[vector<16xi32>], vector<16xi32>,
      %parallel_loop3A_290 = arith.constant 16 : i32
      %parallel_loop3A_291 = arith.muli %parallel_loop3A_247, %parallel_loop3A_290 : i32
      %parallel_loop3A_292 = arith.constant 7 : i32
      %parallel_loop3A_293 = arith.index_cast %parallel_loop3A_292 : i32 to index
      %parallel_loop3A_294 = arith.index_cast %parallel_loop3A_291 : i32 to index
      %parallel_loop3A_295 = tpu.vector_load %arg5[%parallel_loop3A_293, %parallel_loop3A_294] {strides = array<i32>} : memref<8x4096xi32, #tpu.memory_space<vmem>>, vector<16xi32>,
      tpu.vector_store_idx %arg7[%parallel_loop3A_295], %broadcast_in_dim3A_238 {add = true} : memref<20480xi32, #tpu.memory_space<vmem>>[vector<16xi32>], vector<16xi32>,
    } {sc.loop_unroll_factor = 2 : i64, sc.parallel_access}
    %parallel_loop3A_242 = arith.constant 0 : i32
    %parallel_loop3A_243 = arith.constant 1280 : i32
    %parallel_loop3A_244 = arith.constant 1 : i32
    scf.for %parallel_loop3A_247 = %parallel_loop3A_242 to %parallel_loop3A_243 step %parallel_loop3A_244  : i32 {
      %parallel_loop3A_248 = arith.constant 16 : i32
      %parallel_loop3A_249 = arith.muli %parallel_loop3A_247, %parallel_loop3A_248 : i32
      %parallel_loop3A_250 = arith.index_cast %parallel_loop3A_249 : i32 to index
      %parallel_loop3A_251 = tpu.vector_load %arg6[%parallel_loop3A_250] {strides = array<i32>} : memref<20480xi32, #tpu.memory_space<vmem>>, vector<16xi32>,
      %parallel_loop3A_252 = arith.constant 16 : i32
      %parallel_loop3A_253 = arith.muli %parallel_loop3A_247, %parallel_loop3A_252 : i32
      %parallel_loop3A_254 = arith.index_cast %parallel_loop3A_253 : i32 to index
      %parallel_loop3A_255 = tpu.vector_load %arg7[%parallel_loop3A_254] {strides = array<i32>} : memref<20480xi32, #tpu.memory_space<vmem>>, vector<16xi32>,
      %parallel_loop3A_256 = arith.addi %parallel_loop3A_251, %parallel_loop3A_255 : vector<16xi32>
      %parallel_loop3A_257 = arith.constant 16 : i32
      %parallel_loop3A_258 = arith.muli %parallel_loop3A_247, %parallel_loop3A_257 : i32
      %parallel_loop3A_259 = arith.index_cast %parallel_loop3A_258 : i32 to index
      %parallel_loop3A_260 = tpu.vector_load %arg6[%parallel_loop3A_259] {strides = array<i32>} : memref<20480xi32, #tpu.memory_space<vmem>>, vector<16xi32>,
      tpu.vector_store %arg6[%parallel_loop3A_259], %parallel_loop3A_256 {strides = array<i32>} : memref<20480xi32, #tpu.memory_space<vmem>>, vector<16xi32>,
    } {sc.loop_unroll_factor = 8 : i64, sc.parallel_access}
    %mul3A_245 = arith.constant 20480 : i32
    %mul3A_246 = arith.muli %add3A, %mul3A_245 : i32
    "tpu.region"() ({
      %run_scoped3A = tpu.sem_alloc : memref<!tpu.dma_semaphore, #tpu.memory_space<semaphore_mem>>
      %dma_start3A_247 = tpu.memref_slice %arg3[%mul3A_246] : memref<655360xi32, #tpu.memory_space<hbm>> -> memref<20480xi32, #tpu.memory_space<hbm>>
      %dma_start3A_248 = tpu.memref_slice %arg3[%mul3A_246] : memref<655360xi32, #tpu.memory_space<hbm>> -> memref<20480xi32, #tpu.memory_space<hbm>>
      tpu.enqueue_dma source(%arg6 : memref<20480xi32, #tpu.memory_space<vmem>>) target(%dma_start3A_248 : memref<20480xi32, #tpu.memory_space<hbm>>) target_semaphore(%run_scoped3A : memref<!tpu.dma_semaphore, #tpu.memory_space<semaphore_mem>>)
      %dma_wait3A_249 = tpu.memref_slice %arg3[%mul3A_246] : memref<655360xi32, #tpu.memory_space<hbm>> -> memref<20480xi32, #tpu.memory_space<hbm>>
      %dma_wait3A_250 = tpu.memref_slice %arg3[%mul3A_246] : memref<655360xi32, #tpu.memory_space<hbm>> -> memref<20480xi32, #tpu.memory_space<hbm>>
      tpu.wait_dma2 semaphore(%run_scoped3A : memref<!tpu.dma_semaphore, #tpu.memory_space<semaphore_mem>>) src(%arg6 : memref<20480xi32, #tpu.memory_space<vmem>>) dst(%dma_wait3A_250 : memref<20480xi32, #tpu.memory_space<hbm>>)
      tpu.yield
    }) : () -> ()
    return
  }
}

module attributes {stable_mosaic.version = 14 : i64} {
  func.func @body(%arg0: memref<5120x128xi32, #tpu.memory_space<vmem>>, %arg1: memref<1x1xf32, #tpu.memory_space<smem>>) attributes {dimension_semantics = [], scalar_prefetch = 0 : i64, scratch_operands = 0 : i64, tpu.core_type = #tpu.core_type<tc>} {
    %get3A = arith.constant 0 : index
    %get3A_0 = arith.constant 0 : index
    %get3A_1 = vector.load %arg0[%get3A, %get3A_0] : memref<5120x128xi32, #tpu.memory_space<vmem>>, vector<160x128xi32>
    %get3A_2 = arith.constant 160 : index
    %get3A_3 = arith.constant 0 : index
    %get3A_4 = vector.load %arg0[%get3A_2, %get3A_3] : memref<5120x128xi32, #tpu.memory_space<vmem>>, vector<160x128xi32>
    %add3A = arith.addi %get3A_1, %get3A_4 : vector<160x128xi32>
    %get3A_5 = arith.constant 320 : index
    %get3A_6 = arith.constant 0 : index
    %get3A_7 = vector.load %arg0[%get3A_5, %get3A_6] : memref<5120x128xi32, #tpu.memory_space<vmem>>, vector<160x128xi32>
    %add3A_8 = arith.addi %add3A, %get3A_7 : vector<160x128xi32>
    %get3A_9 = arith.constant 480 : index
    %get3A_10 = arith.constant 0 : index
    %get3A_11 = vector.load %arg0[%get3A_9, %get3A_10] : memref<5120x128xi32, #tpu.memory_space<vmem>>, vector<160x128xi32>
    %add3A_12 = arith.addi %add3A_8, %get3A_11 : vector<160x128xi32>
    %get3A_13 = arith.constant 640 : index
    %get3A_14 = arith.constant 0 : index
    %get3A_15 = vector.load %arg0[%get3A_13, %get3A_14] : memref<5120x128xi32, #tpu.memory_space<vmem>>, vector<160x128xi32>
    %add3A_16 = arith.addi %add3A_12, %get3A_15 : vector<160x128xi32>
    %get3A_17 = arith.constant 800 : index
    %get3A_18 = arith.constant 0 : index
    %get3A_19 = vector.load %arg0[%get3A_17, %get3A_18] : memref<5120x128xi32, #tpu.memory_space<vmem>>, vector<160x128xi32>
    %add3A_20 = arith.addi %add3A_16, %get3A_19 : vector<160x128xi32>
    %get3A_21 = arith.constant 960 : index
    %get3A_22 = arith.constant 0 : index
    %get3A_23 = vector.load %arg0[%get3A_21, %get3A_22] : memref<5120x128xi32, #tpu.memory_space<vmem>>, vector<160x128xi32>
    %add3A_24 = arith.addi %add3A_20, %get3A_23 : vector<160x128xi32>
    %get3A_25 = arith.constant 1120 : index
    %get3A_26 = arith.constant 0 : index
    %get3A_27 = vector.load %arg0[%get3A_25, %get3A_26] : memref<5120x128xi32, #tpu.memory_space<vmem>>, vector<160x128xi32>
    %add3A_28 = arith.addi %add3A_24, %get3A_27 : vector<160x128xi32>
    %get3A_29 = arith.constant 1280 : index
    %get3A_30 = arith.constant 0 : index
    %get3A_31 = vector.load %arg0[%get3A_29, %get3A_30] : memref<5120x128xi32, #tpu.memory_space<vmem>>, vector<160x128xi32>
    %add3A_32 = arith.addi %add3A_28, %get3A_31 : vector<160x128xi32>
    %get3A_33 = arith.constant 1440 : index
    %get3A_34 = arith.constant 0 : index
    %get3A_35 = vector.load %arg0[%get3A_33, %get3A_34] : memref<5120x128xi32, #tpu.memory_space<vmem>>, vector<160x128xi32>
    %add3A_36 = arith.addi %add3A_32, %get3A_35 : vector<160x128xi32>
    %get3A_37 = arith.constant 1600 : index
    %get3A_38 = arith.constant 0 : index
    %get3A_39 = vector.load %arg0[%get3A_37, %get3A_38] : memref<5120x128xi32, #tpu.memory_space<vmem>>, vector<160x128xi32>
    %add3A_40 = arith.addi %add3A_36, %get3A_39 : vector<160x128xi32>
    %get3A_41 = arith.constant 1760 : index
    %get3A_42 = arith.constant 0 : index
    %get3A_43 = vector.load %arg0[%get3A_41, %get3A_42] : memref<5120x128xi32, #tpu.memory_space<vmem>>, vector<160x128xi32>
    %add3A_44 = arith.addi %add3A_40, %get3A_43 : vector<160x128xi32>
    %get3A_45 = arith.constant 1920 : index
    %get3A_46 = arith.constant 0 : index
    %get3A_47 = vector.load %arg0[%get3A_45, %get3A_46] : memref<5120x128xi32, #tpu.memory_space<vmem>>, vector<160x128xi32>
    %add3A_48 = arith.addi %add3A_44, %get3A_47 : vector<160x128xi32>
    %get3A_49 = arith.constant 2080 : index
    %get3A_50 = arith.constant 0 : index
    %get3A_51 = vector.load %arg0[%get3A_49, %get3A_50] : memref<5120x128xi32, #tpu.memory_space<vmem>>, vector<160x128xi32>
    %add3A_52 = arith.addi %add3A_48, %get3A_51 : vector<160x128xi32>
    %get3A_53 = arith.constant 2240 : index
    %get3A_54 = arith.constant 0 : index
    %get3A_55 = vector.load %arg0[%get3A_53, %get3A_54] : memref<5120x128xi32, #tpu.memory_space<vmem>>, vector<160x128xi32>
    %add3A_56 = arith.addi %add3A_52, %get3A_55 : vector<160x128xi32>
    %get3A_57 = arith.constant 2400 : index
    %get3A_58 = arith.constant 0 : index
    %get3A_59 = vector.load %arg0[%get3A_57, %get3A_58] : memref<5120x128xi32, #tpu.memory_space<vmem>>, vector<160x128xi32>
    %add3A_60 = arith.addi %add3A_56, %get3A_59 : vector<160x128xi32>
    %get3A_61 = arith.constant 2560 : index
    %get3A_62 = arith.constant 0 : index
    %get3A_63 = vector.load %arg0[%get3A_61, %get3A_62] : memref<5120x128xi32, #tpu.memory_space<vmem>>, vector<160x128xi32>
    %add3A_64 = arith.addi %add3A_60, %get3A_63 : vector<160x128xi32>
    %get3A_65 = arith.constant 2720 : index
    %get3A_66 = arith.constant 0 : index
    %get3A_67 = vector.load %arg0[%get3A_65, %get3A_66] : memref<5120x128xi32, #tpu.memory_space<vmem>>, vector<160x128xi32>
    %add3A_68 = arith.addi %add3A_64, %get3A_67 : vector<160x128xi32>
    %get3A_69 = arith.constant 2880 : index
    %get3A_70 = arith.constant 0 : index
    %get3A_71 = vector.load %arg0[%get3A_69, %get3A_70] : memref<5120x128xi32, #tpu.memory_space<vmem>>, vector<160x128xi32>
    %add3A_72 = arith.addi %add3A_68, %get3A_71 : vector<160x128xi32>
    %get3A_73 = arith.constant 3040 : index
    %get3A_74 = arith.constant 0 : index
    %get3A_75 = vector.load %arg0[%get3A_73, %get3A_74] : memref<5120x128xi32, #tpu.memory_space<vmem>>, vector<160x128xi32>
    %add3A_76 = arith.addi %add3A_72, %get3A_75 : vector<160x128xi32>
    %get3A_77 = arith.constant 3200 : index
    %get3A_78 = arith.constant 0 : index
    %get3A_79 = vector.load %arg0[%get3A_77, %get3A_78] : memref<5120x128xi32, #tpu.memory_space<vmem>>, vector<160x128xi32>
    %add3A_80 = arith.addi %add3A_76, %get3A_79 : vector<160x128xi32>
    %get3A_81 = arith.constant 3360 : index
    %get3A_82 = arith.constant 0 : index
    %get3A_83 = vector.load %arg0[%get3A_81, %get3A_82] : memref<5120x128xi32, #tpu.memory_space<vmem>>, vector<160x128xi32>
    %add3A_84 = arith.addi %add3A_80, %get3A_83 : vector<160x128xi32>
    %get3A_85 = arith.constant 3520 : index
    %get3A_86 = arith.constant 0 : index
    %get3A_87 = vector.load %arg0[%get3A_85, %get3A_86] : memref<5120x128xi32, #tpu.memory_space<vmem>>, vector<160x128xi32>
    %add3A_88 = arith.addi %add3A_84, %get3A_87 : vector<160x128xi32>
    %get3A_89 = arith.constant 3680 : index
    %get3A_90 = arith.constant 0 : index
    %get3A_91 = vector.load %arg0[%get3A_89, %get3A_90] : memref<5120x128xi32, #tpu.memory_space<vmem>>, vector<160x128xi32>
    %add3A_92 = arith.addi %add3A_88, %get3A_91 : vector<160x128xi32>
    %get3A_93 = arith.constant 3840 : index
    %get3A_94 = arith.constant 0 : index
    %get3A_95 = vector.load %arg0[%get3A_93, %get3A_94] : memref<5120x128xi32, #tpu.memory_space<vmem>>, vector<160x128xi32>
    %add3A_96 = arith.addi %add3A_92, %get3A_95 : vector<160x128xi32>
    %get3A_97 = arith.constant 4000 : index
    %get3A_98 = arith.constant 0 : index
    %get3A_99 = vector.load %arg0[%get3A_97, %get3A_98] : memref<5120x128xi32, #tpu.memory_space<vmem>>, vector<160x128xi32>
    %add3A_100 = arith.addi %add3A_96, %get3A_99 : vector<160x128xi32>
    %get3A_101 = arith.constant 4160 : index
    %get3A_102 = arith.constant 0 : index
    %get3A_103 = vector.load %arg0[%get3A_101, %get3A_102] : memref<5120x128xi32, #tpu.memory_space<vmem>>, vector<160x128xi32>
    %add3A_104 = arith.addi %add3A_100, %get3A_103 : vector<160x128xi32>
    %get3A_105 = arith.constant 4320 : index
    %get3A_106 = arith.constant 0 : index
    %get3A_107 = vector.load %arg0[%get3A_105, %get3A_106] : memref<5120x128xi32, #tpu.memory_space<vmem>>, vector<160x128xi32>
    %add3A_108 = arith.addi %add3A_104, %get3A_107 : vector<160x128xi32>
    %get3A_109 = arith.constant 4480 : index
    %get3A_110 = arith.constant 0 : index
    %get3A_111 = vector.load %arg0[%get3A_109, %get3A_110] : memref<5120x128xi32, #tpu.memory_space<vmem>>, vector<160x128xi32>
    %add3A_112 = arith.addi %add3A_108, %get3A_111 : vector<160x128xi32>
    %get3A_113 = arith.constant 4640 : index
    %get3A_114 = arith.constant 0 : index
    %get3A_115 = vector.load %arg0[%get3A_113, %get3A_114] : memref<5120x128xi32, #tpu.memory_space<vmem>>, vector<160x128xi32>
    %add3A_116 = arith.addi %add3A_112, %get3A_115 : vector<160x128xi32>
    %get3A_117 = arith.constant 4800 : index
    %get3A_118 = arith.constant 0 : index
    %get3A_119 = vector.load %arg0[%get3A_117, %get3A_118] : memref<5120x128xi32, #tpu.memory_space<vmem>>, vector<160x128xi32>
    %add3A_120 = arith.addi %add3A_116, %get3A_119 : vector<160x128xi32>
    %get3A_121 = arith.constant 4960 : index
    %get3A_122 = arith.constant 0 : index
    %get3A_123 = vector.load %arg0[%get3A_121, %get3A_122] : memref<5120x128xi32, #tpu.memory_space<vmem>>, vector<160x128xi32>
    %add3A_124 = arith.addi %add3A_120, %get3A_123 : vector<160x128xi32>
    %iota3A = tpu.iota {dimensions = array<i32: 0>} : vector<160x128xi32>
    %mul3A = arith.constant 128 : i32
    %mul3A_125 = vector.broadcast %mul3A : i32 to vector<160x128xi32>
    %mul3A_126 = arith.muli %iota3A, %mul3A_125 : vector<160x128xi32>
    %iota3A_127 = tpu.iota {dimensions = array<i32: 1>} : vector<160x128xi32>
    %add3A_128 = arith.addi %mul3A_126, %iota3A_127 : vector<160x128xi32>
    %gt3A = arith.constant 0 : i32
    %gt3A_129 = vector.broadcast %gt3A : i32 to vector<160x128xi32>
    %gt3A_130 = arith.cmpi sgt, %add3A_128, %gt3A_129 : vector<160x128xi32>
    %lt3A = arith.constant 20000 : i32
    %lt3A_131 = vector.broadcast %lt3A : i32 to vector<160x128xi32>
    %lt3A_132 = arith.cmpi slt, %add3A_128, %lt3A_131 : vector<160x128xi32>
    %and3A = arith.andi %gt3A_130, %lt3A_132 : vector<160x128xi1>
    %gt3A_133 = arith.constant 0 : i32
    %gt3A_134 = vector.broadcast %gt3A_133 : i32 to vector<160x128xi32>
    %gt3A_135 = arith.cmpi sgt, %add3A_124, %gt3A_134 : vector<160x128xi32>
    %and3A_136 = arith.andi %and3A, %gt3A_135 : vector<160x128xi1>
    %convert_element_type3A = arith.extui %and3A_136 : vector<160x128xi1> to vector<160x128xi32>
    %reduce_sum3A = vector.shape_cast %convert_element_type3A : vector<160x128xi32> to vector<1x160x128xi32>
    %reduce_sum3A_137 = arith.constant dense<0> : vector<1xi32>
    %reduce_sum3A_138 = vector.multi_reduction <add>, %reduce_sum3A, %reduce_sum3A_137 [1, 2] : vector<1x160x128xi32> to vector<1xi32>
    %reduce_sum3A_139 = vector.shape_cast %reduce_sum3A_138 : vector<1xi32> to vector<1x1x1xi32>
    %reduce_sum3A_140 = vector.extract %reduce_sum3A_139[0, 0, 0] : i32 from vector<1x1x1xi32>
    %add3A_141 = arith.constant 1 : i32
    %add3A_142 = arith.addi %reduce_sum3A_140, %add3A_141 : i32
    %jit3A = arith.constant 2 : i32
    %div3A = arith.divsi %add3A_142, %jit3A : i32
    %sign3A = arith.constant 0 : i32
    %sign3A_143 = arith.cmpi sgt, %add3A_142, %sign3A : i32
    %sign3A_144 = arith.extui %sign3A_143 : i1 to i32
    %sign3A_145 = arith.constant 0 : i32
    %sign3A_146 = arith.cmpi slt, %add3A_142, %sign3A_145 : i32
    %sign3A_147 = arith.extui %sign3A_146 : i1 to i32
    %sign3A_148 = arith.subi %sign3A_144, %sign3A_147 : i32
    %sign3A_149 = arith.constant 0 : i32
    %sign3A_150 = arith.cmpi sgt, %jit3A, %sign3A_149 : i32
    %sign3A_151 = arith.extui %sign3A_150 : i1 to i32
    %sign3A_152 = arith.constant 0 : i32
    %sign3A_153 = arith.cmpi slt, %jit3A, %sign3A_152 : i32
    %sign3A_154 = arith.extui %sign3A_153 : i1 to i32
    %sign3A_155 = arith.subi %sign3A_151, %sign3A_154 : i32
    %ne3A = arith.cmpi ne, %sign3A_148, %sign3A_155 : i32
    %rem3A = arith.remsi %add3A_142, %jit3A : i32
    %ne3A_156 = arith.constant 0 : i32
    %ne3A_157 = arith.cmpi ne, %rem3A, %ne3A_156 : i32
    %and3A_158 = arith.andi %ne3A, %ne3A_157 : i1
    %sub3A = arith.constant 1 : i32
    %sub3A_159 = arith.subi %div3A, %sub3A : i32
    %select_n3A = arith.select %and3A_158, %sub3A_159, %div3A : i32
    %jit3A_160 = arith.constant 2 : i32
    %div3A_161 = arith.divsi %reduce_sum3A_140, %jit3A_160 : i32
    %sign3A_162 = arith.constant 0 : i32
    %sign3A_163 = arith.cmpi sgt, %reduce_sum3A_140, %sign3A_162 : i32
    %sign3A_164 = arith.extui %sign3A_163 : i1 to i32
    %sign3A_165 = arith.constant 0 : i32
    %sign3A_166 = arith.cmpi slt, %reduce_sum3A_140, %sign3A_165 : i32
    %sign3A_167 = arith.extui %sign3A_166 : i1 to i32
    %sign3A_168 = arith.subi %sign3A_164, %sign3A_167 : i32
    %sign3A_169 = arith.constant 0 : i32
    %sign3A_170 = arith.cmpi sgt, %jit3A_160, %sign3A_169 : i32
    %sign3A_171 = arith.extui %sign3A_170 : i1 to i32
    %sign3A_172 = arith.constant 0 : i32
    %sign3A_173 = arith.cmpi slt, %jit3A_160, %sign3A_172 : i32
    %sign3A_174 = arith.extui %sign3A_173 : i1 to i32
    %sign3A_175 = arith.subi %sign3A_171, %sign3A_174 : i32
    %ne3A_176 = arith.cmpi ne, %sign3A_168, %sign3A_175 : i32
    %rem3A_177 = arith.remsi %reduce_sum3A_140, %jit3A_160 : i32
    %ne3A_178 = arith.constant 0 : i32
    %ne3A_179 = arith.cmpi ne, %rem3A_177, %ne3A_178 : i32
    %and3A_180 = arith.andi %ne3A_176, %ne3A_179 : i1
    %sub3A_181 = arith.constant 1 : i32
    %sub3A_182 = arith.subi %div3A_161, %sub3A_181 : i32
    %select_n3A_183 = arith.select %and3A_180, %sub3A_182, %div3A_161 : i32
    %add3A_184 = arith.constant 1 : i32
    %add3A_185 = arith.addi %select_n3A_183, %add3A_184 : i32
    %scan3A = arith.constant 0 : i32
    %scan3A_186 = arith.constant 0 : i32
    %scan3A_187 = arith.constant 25 : i32
    %scan3A_188 = arith.addi %scan3A_186, %scan3A_187 : i32
    %scan3A_189 = arith.constant 1 : i32
    %scan3A_190 = scf.for %scan3A_225 = %scan3A_186 to %scan3A_188 step %scan3A_189 iter_args(%scan3A_226 = %scan3A) -> (i32)  : i32 {
      %sub3A_227 = arith.constant 24 : i32
      %sub3A_228 = arith.subi %sub3A_227, %scan3A_225 : i32
      %shift_left3A = arith.constant 1 : i32
      %shift_left3A_229 = arith.shli %shift_left3A, %sub3A_228 : i32
      %add3A_230 = arith.addi %scan3A_226, %shift_left3A_229 : i32
      %le3A_231 = vector.broadcast %add3A_230 : i32 to vector<160x128xi32>
      %le3A_232 = arith.cmpi sle, %add3A_124, %le3A_231 : vector<160x128xi32>
      %and3A_233 = arith.andi %and3A_136, %le3A_232 : vector<160x128xi1>
      %convert_element_type3A_234 = arith.extui %and3A_233 : vector<160x128xi1> to vector<160x128xi32>
      %reduce_sum3A_235 = vector.shape_cast %convert_element_type3A_234 : vector<160x128xi32> to vector<1x160x128xi32>
      %reduce_sum3A_236 = arith.constant dense<0> : vector<1xi32>
      %reduce_sum3A_237 = vector.multi_reduction <add>, %reduce_sum3A_235, %reduce_sum3A_236 [1, 2] : vector<1x160x128xi32> to vector<1xi32>
      %reduce_sum3A_238 = vector.shape_cast %reduce_sum3A_237 : vector<1xi32> to vector<1x1x1xi32>
      %reduce_sum3A_239 = vector.extract %reduce_sum3A_238[0, 0, 0] : i32 from vector<1x1x1xi32>
      %lt3A_240 = arith.cmpi slt, %reduce_sum3A_239, %select_n3A : i32
      %select_n3A_241 = arith.select %lt3A_240, %add3A_230, %scan3A_226 : i32
      scf.yield %select_n3A_241 : i32
    }
    %scan3A_191 = arith.constant 25 : i32
    %add3A_192 = arith.constant 1 : i32
    %add3A_193 = arith.addi %scan3A_190, %add3A_192 : i32
    %le3A = vector.broadcast %add3A_193 : i32 to vector<160x128xi32>
    %le3A_194 = arith.cmpi sle, %add3A_124, %le3A : vector<160x128xi32>
    %and3A_195 = arith.andi %and3A_136, %le3A_194 : vector<160x128xi1>
    %convert_element_type3A_196 = arith.extui %and3A_195 : vector<160x128xi1> to vector<160x128xi32>
    %reduce_sum3A_197 = vector.shape_cast %convert_element_type3A_196 : vector<160x128xi32> to vector<1x160x128xi32>
    %reduce_sum3A_198 = arith.constant dense<0> : vector<1xi32>
    %reduce_sum3A_199 = vector.multi_reduction <add>, %reduce_sum3A_197, %reduce_sum3A_198 [1, 2] : vector<1x160x128xi32> to vector<1xi32>
    %reduce_sum3A_200 = vector.shape_cast %reduce_sum3A_199 : vector<1xi32> to vector<1x1x1xi32>
    %reduce_sum3A_201 = vector.extract %reduce_sum3A_200[0, 0, 0] : i32 from vector<1x1x1xi32>
    %gt3A_202 = vector.broadcast %add3A_193 : i32 to vector<160x128xi32>
    %gt3A_203 = arith.cmpi sgt, %add3A_124, %gt3A_202 : vector<160x128xi32>
    %and3A_204 = arith.andi %and3A_136, %gt3A_203 : vector<160x128xi1>
    %jit3A_205 = arith.constant 33554432 : i32
    %broadcast_in_dim3A = vector.broadcast %jit3A_205 : i32 to vector<160x128xi32>
    %select_n3A_206 = arith.select %and3A_204, %add3A_124, %broadcast_in_dim3A : vector<160x128xi1>, vector<160x128xi32>
    %reduce_min3A = vector.shape_cast %select_n3A_206 : vector<160x128xi32> to vector<1x160x128xi32>
    %reduce_min3A_207 = arith.constant dense<2147483647> : vector<1xi32>
    %reduce_min3A_208 = vector.multi_reduction <minsi>, %reduce_min3A, %reduce_min3A_207 [1, 2] : vector<1x160x128xi32> to vector<1xi32>
    %reduce_min3A_209 = vector.shape_cast %reduce_min3A_208 : vector<1xi32> to vector<1x1x1xi32>
    %reduce_min3A_210 = vector.extract %reduce_min3A_209[0, 0, 0] : i32 from vector<1x1x1xi32>
    %ge3A = arith.cmpi sge, %reduce_sum3A_201, %add3A_185 : i32
    %select_n3A_211 = arith.select %ge3A, %add3A_193, %reduce_min3A_210 : i32
    %convert_element_type3A_212 = arith.sitofp %add3A_193 : i32 to f32
    %sqrt3A = math.sqrt %convert_element_type3A_212 : f32
    %convert_element_type3A_213 = arith.sitofp %select_n3A_211 : i32 to f32
    %sqrt3A_214 = math.sqrt %convert_element_type3A_213 : f32
    %add3A_215 = arith.addf %sqrt3A, %sqrt3A_214 : f32
    %mul3A_216 = arith.constant 5.000000e-01 : f32
    %mul3A_217 = arith.mulf %add3A_215, %mul3A_216 : f32
    %div3A_218 = arith.constant 0.886226952 : f32
    %div3A_219 = arith.divf %mul3A_217, %div3A_218 : f32
    %eq3A = arith.constant 0 : i32
    %eq3A_220 = arith.cmpi eq, %reduce_sum3A_140, %eq3A : i32
    %jit3A_221 = arith.constant 0.000000e+00 : f32
    %select_n3A_222 = arith.select %eq3A_220, %jit3A_221, %div3A_219 : f32
    %swap3A = arith.constant 0 : index
    %swap3A_223 = arith.constant 0 : index
    %swap3A_224 = memref.load %arg1[%swap3A, %swap3A_223] : memref<1x1xf32, #tpu.memory_space<smem>>
    memref.store %select_n3A_222, %arg1[%swap3A, %swap3A_223] : memref<1x1xf32, #tpu.memory_space<smem>>
    return
  }
}

</mosaic_0001>

<sc_bundles>
// kernel: kernel.4.cloned.1.call-start
scs
__scs_entry_jumppad:
0x0: {  	(pc) =	sbr.rel $0x88, $3  }
0x1: {  	(tag) =	ssettag $0x0;
	lr =	simm.s32 $0x1  }
0x2: {  	[smem:$0x3FA0] =	sst lr;
	_ =	strace $0xD0000000  }
0x3: {  	_ = 	snop  }
0x4: {  	_ = 	snop  }
0x5: {  	_ = 	snop  }
0x6: {  	_ = 	snop  }
0x7: {  	_ = 	snop  }
__scs_overlays_trampoline_lowered:
0x8: {  	[smem:$0x3FAF] =	sst s0  }
0x9: {  	[smem:$0x3FB0] =	sst s1  }
0xa: {  	[smem:$0x3FB1] =	sst s2  }
0xb: {  	[smem:$0x3FB2] =	sst s3  }
0xc: {  	[smem:$0x3FB3] =	sst s4  }
0xd: {  	[smem:$0x3FB4] =	sst s5  }
0xe: {  	[smem:$0x3FB5] =	sst s6  }
0xf: {  	[smem:$0x3FB6] =	sst s7  }
0x10: {  	[smem:$0x3FB7] =	sst s8  }
0x11: {  	[smem:$0x3FB8] =	sst s9;
	s0 =	simm.s32 @!p0 $0x0  }
0x12: {  	s1 =	sld [smem:$0x3F9E];
	s0 =	simm.s32 @p0 $0x1  }
0x13: {  	[smem:$0x3FB9] =	sst s0;
	s0 =	simm.s32 @!p1 $0x0  }
0x14: {  	s2 =	sld [smem:$0x3F9D];
	s0 =	simm.s32 @p1 $0x1  }
0x15: {  	[smem:$0x3FBA] =	sst s0;
	s0 =	simm.s32 @!p2 $0x0  }
0x16: {  	s3 =	sld [smem:$0x3FDB];
	s0 =	simm.s32 @p2 $0x1  }
0x17: {  	s4 =	simm.s32 $0x1BF5;
	[smem:$0x3FBC] =	sst s0  }
0x18: {  	s0 =	sld [smem:$0x3F9F];
	_ =	swait.ge [sflag:s4], $0x0  }
0x19: {  	s7 =	sld [smem:$0x3FA0]  }
0x1a: {  	s8 =	sadd.s32 $0xFFFFE003, lr  }
0x1b: {  	s9 =	sadd.s32 $0xFFFFFEF7, lr;
	s5 =	simm.s32 $0xFFFFFFFF;
	p2 =	slt.u32 s8, $0xFFFFF086  }
0x1c: {  	p1 =	slt.u32 s9, $0xF7A;
	s5 =	simm.s32 @!p2 $0x0  }
0x1d: {  	s5 =	simm.s32 @p1 $0x1;
	p0 =	seq.s32 s7, s2  }
0x1e: {  	s7 =	smul.u32 @!p0 $0xF7A, s2;
	p2 =	seq.s32 @!p0 s5, $0x0  }
0x1f: {  	s9 =	smul.u32 $0xF7A, s1;
	s8 =	simm.s32 @!p0 $0x1BF5;
	p2 =	por !p2, p0  }
0x20: {  	[sflag:s8] =	ssyncset.s32 @!p0 $0xFFFFF086;
	s6 =	sadd.s32 @!p0 s3, s7;
	s7 =	simm.s32 @!p0 $0x108  }
0x21: {  	s3 =	sadd.s32 s3, s9;
	s6 =	sadd.s32 @!p0 $0x88, s6;
	s7 =	simm.s32 @p2 $0x1082  }
0x22: {  	[simem:s7], [sflag:s8] =	dma.local @!p0 [hbm:s6], $0xF7A  }
0x23: {  	s9 =	sor.u32 $0xD0000000, s2;
	s6 =	simm.s32 $0x108;
	_ =	swait.ge @!p0 [sflag:s8], $0x0  }
0x24: {  	s3 =	sadd.s32 $0x88, s3;
	s6 =	simm.s32 @!p1 $0x1082;
	[sflag:s4] =	ssyncset.s32 $0xFFFFF086  }
0x25: {  	[simem:s6], [sflag:s4] =	dma.local [hbm:s3], $0xF7A  }
0x26: {  	[smem:$0x3FA0] =	sst s1;
	(tag) =	ssettag s2;
	_ =	strace s9  }
0x27: {  	s1 =	sld [smem:$0x3FB0]  }
0x28: {  	s2 =	sld [smem:$0x3FB1]  }
0x29: {  	s4 =	sld [smem:$0x3FB3]  }
0x2a: {  	p0 =	seq.s32 s5, $0x0;
	s5 =	sld [smem:$0x3FB4]  }
0x2b: {  	s6 =	sld [smem:$0x3FB5]  }
0x2c: {  	s7 =	sld [smem:$0x3FB6]  }
0x2d: {  	s3 =	simm.s32 $0x108;
	s8 =	sld [smem:$0x3FB7]  }
0x2e: {  	s3 =	simm.s32 @!p0 $0x1082;
	s9 =	sld [smem:$0x3FB8]  }
0x2f: {  	lr =	sadd.s32 s0, s3;
	s0 =	sld [smem:$0x3FAF]  }
0x30: {  	s3 =	sld [smem:$0x3FB2]  }
0x31: {  	[smem:$0x3FBB] =	sst s10  }
0x32: {  	s10 =	sld [smem:$0x3FB9];
	_ =	sdelay $0x3  }
0x33: {  	p0 =	seq.s32 s10, $0x1;
	s10 =	sld [smem:$0x3FBB];
	_ =	sdelay $0x3  }
0x34: {  	[smem:$0x3FBB] =	sst s10  }
0x35: {  	s10 =	sld [smem:$0x3FBA];
	_ =	sdelay $0x3  }
0x36: {  	p1 =	seq.s32 s10, $0x1;
	s10 =	sld [smem:$0x3FBB];
	_ =	sdelay $0x3  }
0x37: {  	[smem:$0x3FBB] =	sst s10  }
0x38: {  	s10 =	sld [smem:$0x3FBC]  }
0x39: {  	_ = 	snop;
	(pc) =	sbr.ind lr, $3  }
0x3a: {  	_ = 	snop  }
0x3b: {  	_ = 	snop  }
0x3c: {  	p2 =	seq.s32 s10, $0x1;
	s10 =	sld [smem:$0x3FBB]  }
0x3d: {  	_ =	shalt  }
0x3e: {  	_ =	shalt  }
0x3f: {  	_ =	shalt  }
0x40: {  	_ =	shalt  }
0x41: {  	_ =	shalt  }
0x42: {  	_ =	shalt  }
0x43: {  	_ =	shalt  }
0x44: {  	_ =	shalt  }
0x45: {  	_ =	shalt  }
0x46: {  	_ =	shalt  }
0x47: {  	_ =	shalt  }
0x48: {  	_ =	shalt  }
0x49: {  	_ =	shalt  }
0x4a: {  	_ =	shalt  }
0x4b: {  	_ =	shalt  }
0x4c: {  	_ =	shalt  }
0x4d: {  	_ =	shalt  }
0x4e: {  	_ =	shalt  }
0x4f: {  	_ =	shalt  }
0x50: {  	_ =	shalt  }
0x51: {  	_ =	shalt  }
0x52: {  	_ =	shalt  }
0x53: {  	_ =	shalt  }
0x54: {  	_ =	shalt  }
0x55: {  	_ =	shalt  }
0x56: {  	_ =	shalt  }
0x57: {  	_ =	shalt  }
0x58: {  	_ =	shalt  }
0x59: {  	_ =	shalt  }
0x5a: {  	_ =	shalt  }
0x5b: {  	_ =	shalt  }
0x5c: {  	_ =	shalt  }
0x5d: {  	_ =	shalt  }
0x5e: {  	_ =	shalt  }
0x5f: {  	_ =	shalt  }
0x60: {  	_ =	shalt  }
0x61: {  	_ =	shalt  }
0x62: {  	_ =	shalt  }
0x63: {  	_ =	shalt  }
0x64: {  	_ =	shalt  }
0x65: {  	_ =	shalt  }
0x66: {  	_ =	shalt  }
0x67: {  	_ =	shalt  }
0x68: {  	_ =	shalt  }
0x69: {  	_ =	shalt  }
0x6a: {  	_ =	shalt  }
0x6b: {  	_ =	shalt  }
0x6c: {  	_ =	shalt  }
0x6d: {  	_ =	shalt  }
0x6e: {  	_ =	shalt  }
0x6f: {  	_ =	shalt  }
0x70: {  	_ =	shalt  }
0x71: {  	_ =	shalt  }
0x72: {  	_ =	shalt  }
0x73: {  	_ =	shalt  }
0x74: {  	_ =	shalt  }
0x75: {  	_ =	shalt  }
0x76: {  	_ =	shalt  }
0x77: {  	_ =	shalt  }
0x78: {  	_ =	shalt  }
0x79: {  	_ =	shalt  }
0x7a: {  	_ =	shalt  }
0x7b: {  	_ =	shalt  }
0x7c: {  	_ =	shalt  }
0x7d: {  	_ =	shalt  }
0x7e: {  	_ =	shalt  }
0x7f: {  	_ =	shalt  }
0x80: {  	_ =	shalt  }
0x81: {  	_ =	shalt  }
0x82: {  	_ =	shalt  }
0x83: {  	_ =	shalt  }
0x84: {  	_ =	shalt  }
0x85: {  	_ =	shalt  }
0x86: {  	_ =	shalt  }
0x87: {  	_ =	shalt  }
.Lfunc_end0:
.L_simem_size_0:
called_computation_lowered:
.L_overlay_start_0:
0x88: {  	s2 =	sld [smem:$0x3FD9]  }
0x89: {  	s3 =	sld [smem:$0x3FFE];
	_ =	sdelay $0x1  }
0x8a: {  	s1 =	srdreg.scid  }
0x8b: {  	s0 =	sand.u32 $0x1, s1  }
0x8c: {  	s17 =	sshll.u32 s0, $0xA;
	s2 =	sadd.s32 s3, s2  }
0x8d: {  	s2 =	sadd.s32 s2, s17  }
0x8e: {  	[smem:$0x3FC7] =	sst s2  }
0x8f: {  	_ = 	snop  }
0x90: {  	s2 =	sld [smem:$0x3FC9];
	(tm) =	ssettm $0x1  }
0x91: {  	s18 =	sld [smem:$0x3FFB];
	_ =	sdelay $0x3  }
0x92: {  	_ =	strace s18  }
0x93: {  	s3 =	sld [smem:$0x3FFC];
	_ =	sdelay $0x3  }
0x94: {  	_ =	strace s3  }
0x95: {  	s3 =	sld [smem:$0x3FFD];
	_ =	sdelay $0x3  }
0x96: {  	_ =	strace s3  }
0x97: {  	_ =	strace $0x8FFFFFFF  }
0x98: {  	s19 =	sld [smem:$0x3FDB];
	_ =	sdelay $0x1  }
0x99: {  	s4 =	simm.s32 $_scs_section_size  }
0x9a: {  	s5 =	simm.s32 $_size__tile_overlayer_lowered;
	s6 =	simm.s32 $_tile_overlayer_lowered  }
0x9b: {  	s22 =	simm.s32 $0x1BFF;
	s21 =	sshll.u32 s6, $0x1;
	s3 =	sadd.s32 s4, s19  }
0x9c: {  	s7 =	simm.s32 $0x0;
	s20 =	sshll.u32 s5, $0x1;
	s5 =	sadd.s32 s21, s3  }
0x9d: {  	[timem:s7], [sflag:s22] =	dma.local [hbm:s5], s20  }
0x9e: {  	_ =	swait.ge [sflag:s22], s20  }
0x9f: {  	s4 =	ssub.s32 $0x0, s20;
	[sflag:s22] =	ssyncset.done $0x0  }
0xa0: {  	[sflag:s22] =	ssyncadd.s32 s4;
	_ =	sdelay $0x1  }
0xa1: {  	s23 =	simm.s32 $0x1B8B  }
0xa2: {  	_ =	swait.ge [sflag:s23], $0x1  }
0xa3: {  	[sflag:s23] =	ssyncset.done $0x0  }
0xa4: {  	s25 =	simm.s32 $0x1B8E;
	s24 =	sld [smem:$0x3FFE];
	[sflag:s23] =	ssyncadd.s32 $0xFFFFFFFF  }
0xa5: {  	s26 =	simm.s32 $execute0_lowered;
	[smem:$0x3FD2] =	sst s25  }
0xa6: {  	s5 =	sshll.u32 s26, $0x1;
	_ =	strace $0x80000046;
	[dreg:$0x1] =	wrdreg $0xFFFFFFFF  }
0xa7: {  	s28 =	simm.s32 $_size_execute0_lowered;
	s3 =	sadd.s32 s3, s5;
	[dreg:$0x0] =	wrdreg $0x0  }
0xa8: {  	s5 =	sshll.u32 s28, $0x1;
	[dreg:$0x2] =	wrdreg s3  }
0xa9: {  	[dreg:$0x3] =	wrdreg s5  }
0xaa: {  	[dreg:$0x4] =	wrdreg $0xC0  }
0xab: {  	_ =	task [dreg:s7], $0x5FFFF  }
0xac: {  	[dreg:$0x1] =	wrdreg $0xFFFFFFFF  }
0xad: {  	[dreg:$0x0] =	wrdreg $0x60  }
0xae: {  	[dreg:$0x2] =	wrdreg s2  }
0xaf: {  	[dreg:$0x3] =	wrdreg s24  }
0xb0: {  	[dreg:$0x4] =	wrdreg $0x9  }
0xb1: {  	_ =	task.clear_ibuf [dreg:s7], $0x5FFFF;
	_ =	strace $0x90000046  }
0xb2: {  	s29 =	simm.s32 $0x9;
	_ =	strace $0x80000048  }
0xb3: {  	_ =	swait.ge [sflag:s29], $0x1  }
0xb4: {  	[sflag:s29] =	ssyncadd.s32 $0xFFFFFFFF  }
0xb5: {  	_ =	strace $0x90000048  }
0xb6: {  	_ =	sfence  }
0xb7: {  	s30 =	sld [smem:$0x0];
	_ =	sdelay $0x2  }
0xb8: {  	s31 =	sshll.u32 s1, $0xD;
	s1 =	sshrl.u32 s1, $0x2  }
0xb9: {  	s3 =	sand.u32 $0x4000, s31;
	s1 =	sadd.s32 s1, s30  }
0xba: {  	s0 =	sor.u32 s3, s0;
	s1 =	sshll.u32 s1, $0x11  }
0xbb: {  	s0 =	sor.u32 s1, s0  }
0xbc: {  	s0 =	sadd.s32 $0x8F2B, s0  }
0xbd: {  	[sflag:s0] =	ssyncadd.remote.s32 $0x1  }
0xbe: {  	_ =	sfence.sel $0xFFFF  }
0xbf: {  	[dreg:$0x0] =	wrdreg $0xFFFFFFFF;
	(pc) =	sbr.abs _section_cstart, $3  }
0xc0: {  	[dreg:$0x1] =	wrdreg $0xFFFFFFFF  }
0xc1: {  	_ =	task.clear_ibuf [dreg:s7], $0x2FFFF;
	_ =	strace $0x9FFFFFFF  }
0xc2: {  	(tm) =	ssettm $0x7FFFFFFF  }
0xc3: {  	_ =	shalt  }
tec
execute0_lowered:
.L_overlay_start_1:
0x0: {  	(tag) =	ssettag $0x1  }
0x1: {  	s0 =	rddreg [dreg:$0x0]  }
0x2: {  	s1 =	srdreg.scid;
	s3 =	stileid.u32  }
0x3: {  	s2 =	rddreg [dreg:$0x1];
	s6 =	simm.s32 $0x0;
	s21 =	simm.s32 $0x8000  }
0x4: {  	s22 =	simm.s32 $0x1;
	s23 =	simm.s32 $0x10000;
	s24 =	simm.s32 $0x15000  }
0x5: {  	s25 =	simm.s32 $0x2;
	s1 =	sand.u32 $0x1, s1;
	s3 =	sshll.u32 s3, $0x1  }
0x6: {  	s26 =	simm.s32 $0x3;
	s28 =	simm.s32 $0x0;
	s3 =	sor.u32 s1, s3  }
0x7: {  	[smem:$0x7FF] =	sst s6;
	s1 =	ssub.s32 $0x2, s1;
	s4 =	smul.u32 $0xA00, s3  }
0x8: {  	_ =	strace $0x80000047;
	s5 =	sshrl.u32 s1, $0x1;
	s3 =	sshll.u32 s3, $0x10  }
0x9: {  	s1 =	ssub.s32 s1, s5;
	s3 =	sadd.s32 s0, s3;
	s2 =	sadd.s32 s4, s2  }
0xa: {  	s0 =	sadd.s32 $0x1000, s3;
	s29 =	sadd.s32 $0x2000, s3;
	s30 =	sadd.s32 $0x3000, s3  }
0xb: {  	s31 =	sadd.s32 $0x4000, s3;
	s8 =	sadd.s32 $0x5000, s3;
	s9 =	sadd.s32 $0x6000, s3  }
0xc: {  	s10 =	sadd.s32 $0x7000, s3;
	s11 =	sadd.s32 $0x8000, s3;
	s12 =	sadd.s32 $0x9000, s3  }
0xd: {  	s13 =	sadd.s32 $0xA000, s3;
	s14 =	sadd.s32 $0xB000, s3;
	[dreg:$0x3] =	wrdreg s0  }
0xe: {  	s15 =	sadd.s32 $0xC000, s3;
	s16 =	sadd.s32 $0xD000, s3;
	[dreg:$0x4] =	wrdreg s29  }
0xf: {  	s17 =	sadd.s32 $0xE000, s3;
	s18 =	sadd.s32 $0xF000, s3;
	[dreg:$0x5] =	wrdreg s30  }
0x10: {  	v0 =	vimm.s32 $0x0;
	v1 =	vimm.s32 $0x1;
	s20 =	smax.u32 s1, $0x1;
	[dreg:$0x6] =	wrdreg s31;
	s19 =	sadd.s32 $0x600, s2  }
.LBB2_1:
0x11: {  	[tilespmem:s6], [sflag:$0x1] =	stream.linear.gather [hbm4b:s3+s6], $0x8000, $0x38;
	[tilespmem:$0x1A000] =	vst v63  }
0x12: {  	s0 =	simm.s32 $0x10040  }
0x13: {  	[tilespmem:s0+$0x30] =	vst v0  }
0x14: {  	[tilespmem:s0+$0xFFFFFFF0] =	vst v0  }
0x15: {  	[tilespmem:s0+$0xFFFFFFC0] =	vst v0  }
0x16: {  	[tilespmem:s0+$0xFFFFFFE0] =	vst v0  }
0x17: {  	[tilespmem:s0+$0x10] =	vst v0  }
0x18: {  	[tilespmem:s0+$0x20] =	vst v0  }
0x19: {  	[tilespmem:s0+$0x0] =	vst v0  }
0x1a: {  	s1 =	simm.s32 $0x15040;
	[tilespmem:s0+$0xFFFFFFD0] =	vst v0  }
0x1b: {  	[tilespmem:s1+$0xFFFFFFC0] =	vst v0  }
0x1c: {  	[tilespmem:s1+$0x30] =	vst v0  }
0x1d: {  	[tilespmem:s1+$0x20] =	vst v0  }
0x1e: {  	[tilespmem:s1+$0x10] =	vst v0  }
0x1f: {  	[tilespmem:s1+$0xFFFFFFE0] =	vst v0  }
0x20: {  	[tilespmem:s1+$0x0] =	vst v0  }
0x21: {  	s2 =	simm.s32 $0x0;
	[tilespmem:s1+$0xFFFFFFF0] =	vst v0  }
.LBB2_2:
0x22: {  	s2 =	sadd.s32 $0x8, s2;
	[tilespmem:s1+$0xFFFFFFD0] =	vst v0;
	s0 =	sadd.s32 $0x80, s0;
	s1 =	sadd.s32 $0x80, s1  }
0x23: {  	[tilespmem:s0+$0x30] =	vst v0;
	p0 =	slt.u32 s2, $0x4F8  }
0x24: {  	[tilespmem:s0+$0xFFFFFFF0] =	vst v0  }
0x25: {  	[tilespmem:s0+$0xFFFFFFC0] =	vst v0  }
0x26: {  	[tilespmem:s1+$0xFFFFFFC0] =	vst v0  }
0x27: {  	[tilespmem:s1+$0x30] =	vst v0  }
0x28: {  	[tilespmem:s0+$0xFFFFFFE0] =	vst v0  }
0x29: {  	[tilespmem:s0+$0x10] =	vst v0  }
0x2a: {  	[tilespmem:s0+$0x20] =	vst v0  }
0x2b: {  	[tilespmem:s1+$0x20] =	vst v0  }
0x2c: {  	[tilespmem:s1+$0x10] =	vst v0  }
.Ltmp0:
0x2d: {  	[tilespmem:s1+$0xFFFFFFE0] =	vst v0;
	(pc) =	sbr.rel @p0 .LBB2_2-.Ltmp0, $4  }
0x2e: {  	[tilespmem:s0+$0x0] =	vst v0  }
0x2f: {  	[tilespmem:s1+$0x0] =	vst v0  }
0x30: {  	[tilespmem:s1+$0xFFFFFFF0] =	vst v0  }
0x31: {  	[tilespmem:s0+$0xFFFFFFD0] =	vst v0  }
0x32: {  	[tilespmem:s1+$0xFFFFFFD0] =	vst v0  }
0x33: {  	s29 =	simm.s32 $0x0;
	s0 =	rddreg [dreg:$0x3]  }
0x34: {  	[tilespmem:s21], [sflag:$0x2] =	stream.linear.gather [hbm4b:s0+s29], $0x8000, $0x38;
	[tilespmem:$0x1A000] =	vst v63  }
0x35: {  	_ =	swait.ge [sflag:s22], $0x8000  }
0x36: {  	s1 =	sand.u32 $0x60, s29;
	s2 =	sand.u32 $0x7C00, s29;
	[sflag:s22] =	ssyncset.done $0x0  }
0x37: {  	s0 =	sor.u32 s1, s2;
	[sflag:s22] =	ssyncadd.s32 $0xFFFF8000  }
0x38: {  	v2 =	vld [tilespmem:s0+$0x10];
	_ =	sdelay $0x3  }
0x39: {  	v3 =	vld [tilespmem:s0+$0x0];
	_ =	sdelay $0x3  }
0x3a: {  	[tilespmem:v2+s23+$0x0] =	vst.idx.add.s32.msk $0xffff, v1  }
0x3b: {  	v2 =	vld [tilespmem:s0+$0x90];
	_ =	sdelay $0x2  }
0x3c: {  	[tilespmem:v3+s23+$0x0] =	vst.idx.add.s32.msk $0xffff, v1  }
0x3d: {  	v3 =	vld [tilespmem:s0+$0x80];
	_ =	sdelay $0x3  }
0x3e: {  	[tilespmem:v2+s24+$0x0] =	vst.idx.add.s32.msk $0xffff, v1  }
0x3f: {  	v2 =	vld [tilespmem:s0+$0x110];
	_ =	sdelay $0x2  }
0x40: {  	[tilespmem:v3+s24+$0x0] =	vst.idx.add.s32.msk $0xffff, v1  }
0x41: {  	v3 =	vld [tilespmem:s0+$0x100];
	_ =	sdelay $0x3  }
0x42: {  	s4 =	simm.s32 $0x20;
	s31 =	simm.s32 $0x100;
	[tilespmem:v2+s23+$0x0] =	vst.idx.add.s32.msk $0xffff, v1  }
0x43: {  	s1 =	sand.u32 $0x60, s4;
	s2 =	sand.u32 $0x7C00, s31;
	v2 =	vld [tilespmem:s0+$0x190]  }
0x44: {  	s30 =	sor.u32 s1, s2  }
0x45: {  	v4 =	vld [tilespmem:s30+$0x10]  }
0x46: {  	[tilespmem:v3+s23+$0x0] =	vst.idx.add.s32.msk $0xffff, v1  }
0x47: {  	v3 =	vld [tilespmem:s0+$0x180];
	_ =	sdelay $0x2  }
0x48: {  	v5 =	vld [tilespmem:s30+$0x0]  }
0x49: {  	[tilespmem:v2+s24+$0x0] =	vst.idx.add.s32.msk $0xffff, v1  }
0x4a: {  	v2 =	vld [tilespmem:s0+$0x210]  }
0x4b: {  	[tilespmem:v4+s23+$0x0] =	vst.idx.add.s32.msk $0xffff, v1  }
0x4c: {  	v4 =	vld [tilespmem:s30+$0x90]  }
0x4d: {  	[tilespmem:v3+s24+$0x0] =	vst.idx.add.s32.msk $0xffff, v1  }
0x4e: {  	v3 =	vld [tilespmem:s0+$0x200];
	_ =	sdelay $0x1  }
0x4f: {  	[tilespmem:v5+s23+$0x0] =	vst.idx.add.s32.msk $0xffff, v1  }
0x50: {  	v5 =	vld [tilespmem:s30+$0x80]  }
0x51: {  	[tilespmem:v2+s23+$0x0] =	vst.idx.add.s32.msk $0xffff, v1  }
0x52: {  	v2 =	vld [tilespmem:s0+$0x290]  }
0x53: {  	[tilespmem:v4+s24+$0x0] =	vst.idx.add.s32.msk $0xffff, v1  }
0x54: {  	v4 =	vld [tilespmem:s30+$0x110]  }
0x55: {  	[tilespmem:v3+s23+$0x0] =	vst.idx.add.s32.msk $0xffff, v1  }
0x56: {  	s5 =	sand.u32 $0x3, s29;
	v6 =	vld [tilespmem:s0+$0x280]  }
0x57: {  	s0 =	sshll.u32 s5, $0x5  }
0x58: {  	[tilespmem:v5+s24+$0x0] =	vst.idx.add.s32.msk $0xffff, v1;
	s0 =	sadd.s32 $0x0, s0  }
0x59: {  	v5 =	vld [tilespmem:s30+$0x100];
	s5 =	sadd.s32 $0x10, s0  }
0x5a: {  	s6 =	sor.u32 $0x300, s5;
	[tilespmem:v2+s24+$0x0] =	vst.idx.add.s32.msk $0xffff, v1  }
0x5b: {  	v3 =	vld [tilespmem:s6+$0x0];
	_ =	sdelay $0x1  }
0x5c: {  	[tilespmem:v4+s23+$0x0] =	vst.idx.add.s32.msk $0xffff, v1  }
0x5d: {  	s7 =	sor.u32 $0x300, s0;
	[tilespmem:v6+s24+$0x0] =	vst.idx.add.s32.msk $0xffff, v1  }
0x5e: {  	v2 =	vld [tilespmem:s7+$0x0]  }
0x5f: {  	s4 =	simm.s32 $0x40;
	v4 =	vld [tilespmem:s30+$0x190]  }
0x60: {  	s2 =	simm.s32 $0x2;
	[tilespmem:v5+s23+$0x0] =	vst.idx.add.s32.msk $0xffff, v1;
	s1 =	sor.u32 $0x380, s0;
	s0 =	simm.s32 $0x100  }
.LBB2_4:
0x61: {  	s6 =	sand.u32 $0x60, s4;
	v5 =	vld [tilespmem:s30+$0x180];
	s31 =	sadd.s32 $0x100, s31  }
0x62: {  	s2 =	sadd.s32 $0x2, s2;
	s5 =	sor.u32 $0x380, s5;
	s7 =	sand.u32 $0x7C00, s31;
	[tilespmem:v3+s23+$0x0] =	vst.idx.add.s32.msk $0xffff, v1  }
0x63: {  	p0 =	slt.u32 s2, $0xFE;
	s6 =	sor.u32 s6, s7;
	v3 =	vld [tilespmem:s5+$0x0]  }
0x64: {  	v6 =	vld [tilespmem:s6+$0x10]  }
0x65: {  	v7 =	vld [tilespmem:s6+$0x0]  }
0x66: {  	[tilespmem:v2+s23+$0x0] =	vst.idx.add.s32.msk $0xffff, v1  }
0x67: {  	[tilespmem:v4+s24+$0x0] =	vst.idx.add.s32.msk $0xffff, v1  }
0x68: {  	v2 =	vld [tilespmem:s30+$0x210]  }
0x69: {  	[tilespmem:v5+s24+$0x0] =	vst.idx.add.s32.msk $0xffff, v1  }
0x6a: {  	v4 =	vld [tilespmem:s30+$0x200]  }
0x6b: {  	[tilespmem:v3+s24+$0x0] =	vst.idx.add.s32.msk $0xffff, v1  }
0x6c: {  	[tilespmem:v6+s23+$0x0] =	vst.idx.add.s32.msk $0xffff, v1  }
0x6d: {  	v3 =	vld [tilespmem:s6+$0x90]  }
0x6e: {  	[tilespmem:v7+s23+$0x0] =	vst.idx.add.s32.msk $0xffff, v1  }
0x6f: {  	v5 =	vld [tilespmem:s6+$0x80]  }
0x70: {  	[tilespmem:v2+s23+$0x0] =	vst.idx.add.s32.msk $0xffff, v1  }
0x71: {  	v2 =	vld [tilespmem:s30+$0x290]  }
0x72: {  	[tilespmem:v4+s23+$0x0] =	vst.idx.add.s32.msk $0xffff, v1  }
0x73: {  	v4 =	vld [tilespmem:s30+$0x280];
	s30 =	smov.u32 s6  }
0x74: {  	s29 =	sadd.s32 $0x1, s29;
	v6 =	vld [tilespmem:s1+$0x0]  }
0x75: {  	s1 =	sand.u32 $0x3, s29;
	[tilespmem:v3+s24+$0x0] =	vst.idx.add.s32.msk $0xffff, v1  }
0x76: {  	s1 =	sshll.u32 s1, $0x5;
	v7 =	vld [tilespmem:s30+$0x110]  }
0x77: {  	s5 =	sadd.s32 s1, s0;
	s0 =	smov.u32 s31;
	[tilespmem:v5+s24+$0x0] =	vst.idx.add.s32.msk $0xffff, v1  }
0x78: {  	s6 =	sor.u32 $0x300, s5;
	s1 =	sor.u32 $0x380, s5;
	s5 =	sadd.s32 $0x10, s5;
	v5 =	vld [tilespmem:s30+$0x100]  }
0x79: {  	s7 =	sor.u32 $0x300, s5;
	[tilespmem:v2+s24+$0x0] =	vst.idx.add.s32.msk $0xffff, v1  }
0x7a: {  	v3 =	vld [tilespmem:s7+$0x0]  }
0x7b: {  	[tilespmem:v4+s24+$0x0] =	vst.idx.add.s32.msk $0xffff, v1  }
.Ltmp1:
0x7c: {  	v2 =	vld [tilespmem:s6+$0x0];
	(pc) =	sbr.rel @p0 .LBB2_4-.Ltmp1, $4  }
0x7d: {  	[tilespmem:v6+s24+$0x0] =	vst.idx.add.s32.msk $0xffff, v1  }
0x7e: {  	[tilespmem:v7+s23+$0x0] =	vst.idx.add.s32.msk $0xffff, v1  }
0x7f: {  	v4 =	vld [tilespmem:s30+$0x190]  }
0x80: {  	s4 =	sadd.s32 $0x20, s4;
	[tilespmem:v5+s23+$0x0] =	vst.idx.add.s32.msk $0xffff, v1  }
0x81: {  	_ = 	snop  }
0x82: {  	v5 =	vld [tilespmem:s30+$0x180];
	_ =	sdelay $0x5  }
0x83: {  	[tilespmem:v4+s24+$0x0] =	vst.idx.add.s32.msk $0xffff, v1  }
0x84: {  	v4 =	vld [tilespmem:s30+$0x210]  }
0x85: {  	[tilespmem:v5+s24+$0x0] =	vst.idx.add.s32.msk $0xffff, v1  }
0x86: {  	v5 =	vld [tilespmem:s30+$0x200];
	_ =	sdelay $0x5  }
0x87: {  	[tilespmem:v4+s23+$0x0] =	vst.idx.add.s32.msk $0xffff, v1  }
0x88: {  	v4 =	vld [tilespmem:s30+$0x290]  }
0x89: {  	[tilespmem:v5+s23+$0x0] =	vst.idx.add.s32.msk $0xffff, v1  }
0x8a: {  	v5 =	vld [tilespmem:s30+$0x280]  }
0x8b: {  	s2 =	sadd.s32 $0x1, s29  }
0x8c: {  	s2 =	sand.u32 $0x3, s2  }
0x8d: {  	s2 =	sshll.u32 s2, $0x5  }
0x8e: {  	s0 =	sadd.s32 s2, s0  }
0x8f: {  	s2 =	sadd.s32 $0x10, s0  }
0x90: {  	s4 =	sor.u32 $0x300, s2;
	[tilespmem:v4+s24+$0x0] =	vst.idx.add.s32.msk $0xffff, v1  }
0x91: {  	v4 =	vld [tilespmem:s4+$0x0]  }
0x92: {  	s6 =	sor.u32 $0x300, s0;
	[tilespmem:v5+s24+$0x0] =	vst.idx.add.s32.msk $0xffff, v1  }
0x93: {  	v5 =	vld [tilespmem:s6+$0x0];
	_ =	sdelay $0x1  }
0x94: {  	[tilespmem:v3+s23+$0x0] =	vst.idx.add.s32.msk $0xffff, v1  }
0x95: {  	s7 =	sor.u32 $0x380, s5;
	[tilespmem:v2+s23+$0x0] =	vst.idx.add.s32.msk $0xffff, v1  }
0x96: {  	v3 =	vld [tilespmem:s7+$0x0]  }
0x97: {  	v2 =	vld [tilespmem:s1+$0x0]  }
0x98: {  	s4 =	sor.u32 $0x380, s2;
	[tilespmem:v4+s23+$0x0] =	vst.idx.add.s32.msk $0xffff, v1  }
0x99: {  	v4 =	vld [tilespmem:s4+$0x0]  }
0x9a: {  	s0 =	sor.u32 $0x380, s0;
	[tilespmem:v5+s23+$0x0] =	vst.idx.add.s32.msk $0xffff, v1  }
0x9b: {  	v5 =	vld [tilespmem:s0+$0x0];
	_ =	sdelay $0x4  }
0x9c: {  	[tilespmem:v3+s24+$0x0] =	vst.idx.add.s32.msk $0xffff, v1  }
0x9d: {  	[tilespmem:v2+s24+$0x0] =	vst.idx.add.s32.msk $0xffff, v1  }
0x9e: {  	[tilespmem:v4+s24+$0x0] =	vst.idx.add.s32.msk $0xffff, v1  }
0x9f: {  	[tilespmem:v5+s24+$0x0] =	vst.idx.add.s32.msk $0xffff, v1  }
0xa0: {  	s29 =	simm.s32 $0x0;
	s5 =	rddreg [dreg:$0x4]  }
0xa1: {  	[tilespmem:s29], [sflag:$0x1] =	stream.linear.gather [hbm4b:s5+s29], $0x8000, $0x38;
	[tilespmem:$0x1A000] =	vst v63  }
0xa2: {  	_ =	swait.ge [sflag:s25], $0x8000  }
0xa3: {  	s7 =	sand.u32 $0x7C00, s29;
	s6 =	sand.u32 $0x60, s29;
	[sflag:s25] =	ssyncset.done $0x0  }
0xa4: {  	s0 =	sor.u32 s6, s7;
	[sflag:s25] =	ssyncadd.s32 $0xFFFF8000  }
0xa5: {  	v2 =	vld [tilespmem:s0+$0x8010];
	_ =	sdelay $0x3  }
0xa6: {  	v3 =	vld [tilespmem:s0+$0x8000];
	_ =	sdelay $0x3  }
0xa7: {  	[tilespmem:v2+s23+$0x0] =	vst.idx.add.s32.msk $0xffff, v1  }
0xa8: {  	v2 =	vld [tilespmem:s0+$0x8090];
	_ =	sdelay $0x2  }
0xa9: {  	[tilespmem:v3+s23+$0x0] =	vst.idx.add.s32.msk $0xffff, v1  }
0xaa: {  	v3 =	vld [tilespmem:s0+$0x8080];
	_ =	sdelay $0x3  }
0xab: {  	[tilespmem:v2+s24+$0x0] =	vst.idx.add.s32.msk $0xffff, v1  }
0xac: {  	v2 =	vld [tilespmem:s0+$0x8110];
	_ =	sdelay $0x2  }
0xad: {  	[tilespmem:v3+s24+$0x0] =	vst.idx.add.s32.msk $0xffff, v1  }
0xae: {  	v3 =	vld [tilespmem:s0+$0x8100];
	_ =	sdelay $0x3  }
0xaf: {  	s31 =	simm.s32 $0x100;
	s2 =	simm.s32 $0x20;
	[tilespmem:v2+s23+$0x0] =	vst.idx.add.s32.msk $0xffff, v1  }
0xb0: {  	s1 =	sand.u32 $0x60, s2;
	s4 =	sand.u32 $0x7C00, s31;
	v2 =	vld [tilespmem:s0+$0x8190]  }
0xb1: {  	s30 =	sor.u32 s1, s4  }
0xb2: {  	v4 =	vld [tilespmem:s30+$0x8010]  }
0xb3: {  	[tilespmem:v3+s23+$0x0] =	vst.idx.add.s32.msk $0xffff, v1  }
0xb4: {  	v3 =	vld [tilespmem:s0+$0x8180];
	_ =	sdelay $0x2  }
0xb5: {  	v5 =	vld [tilespmem:s30+$0x8000]  }
0xb6: {  	[tilespmem:v2+s24+$0x0] =	vst.idx.add.s32.msk $0xffff, v1  }
0xb7: {  	v2 =	vld [tilespmem:s0+$0x8210]  }
0xb8: {  	[tilespmem:v4+s23+$0x0] =	vst.idx.add.s32.msk $0xffff, v1  }
0xb9: {  	v4 =	vld [tilespmem:s30+$0x8090]  }
0xba: {  	[tilespmem:v3+s24+$0x0] =	vst.idx.add.s32.msk $0xffff, v1  }
0xbb: {  	v3 =	vld [tilespmem:s0+$0x8200];
	_ =	sdelay $0x1  }
0xbc: {  	[tilespmem:v5+s23+$0x0] =	vst.idx.add.s32.msk $0xffff, v1  }
0xbd: {  	v5 =	vld [tilespmem:s30+$0x8080]  }
0xbe: {  	[tilespmem:v2+s23+$0x0] =	vst.idx.add.s32.msk $0xffff, v1  }
0xbf: {  	v2 =	vld [tilespmem:s0+$0x8290]  }
0xc0: {  	[tilespmem:v4+s24+$0x0] =	vst.idx.add.s32.msk $0xffff, v1  }
0xc1: {  	v4 =	vld [tilespmem:s30+$0x8110]  }
0xc2: {  	[tilespmem:v3+s23+$0x0] =	vst.idx.add.s32.msk $0xffff, v1  }
0xc3: {  	s5 =	sand.u32 $0x3, s29;
	v6 =	vld [tilespmem:s0+$0x8280]  }
0xc4: {  	s0 =	sshll.u32 s5, $0x5  }
0xc5: {  	[tilespmem:v5+s24+$0x0] =	vst.idx.add.s32.msk $0xffff, v1;
	s0 =	sadd.s32 $0x0, s0  }
0xc6: {  	v5 =	vld [tilespmem:s30+$0x8100];
	s5 =	sadd.s32 $0x10, s0  }
0xc7: {  	s6 =	sor.u32 $0x300, s5;
	[tilespmem:v2+s24+$0x0] =	vst.idx.add.s32.msk $0xffff, v1  }
0xc8: {  	v3 =	vld [tilespmem:s6+$0x8000];
	_ =	sdelay $0x1  }
0xc9: {  	[tilespmem:v4+s23+$0x0] =	vst.idx.add.s32.msk $0xffff, v1  }
0xca: {  	s7 =	sor.u32 $0x300, s0;
	[tilespmem:v6+s24+$0x0] =	vst.idx.add.s32.msk $0xffff, v1  }
0xcb: {  	v2 =	vld [tilespmem:s7+$0x8000]  }
0xcc: {  	s2 =	simm.s32 $0x2;
	v4 =	vld [tilespmem:s30+$0x8190]  }
0xcd: {  	s4 =	simm.s32 $0x40;
	[tilespmem:v5+s23+$0x0] =	vst.idx.add.s32.msk $0xffff, v1;
	s1 =	sor.u32 $0x380, s0;
	s0 =	simm.s32 $0x100  }
.LBB2_6:
0xce: {  	s6 =	sand.u32 $0x60, s4;
	v5 =	vld [tilespmem:s30+$0x8180];
	s31 =	sadd.s32 $0x100, s31  }
0xcf: {  	s2 =	sadd.s32 $0x2, s2;
	s5 =	sor.u32 $0x380, s5;
	s7 =	sand.u32 $0x7C00, s31;
	[tilespmem:v3+s23+$0x0] =	vst.idx.add.s32.msk $0xffff, v1  }
0xd0: {  	p0 =	slt.u32 s2, $0xFE;
	s6 =	sor.u32 s6, s7;
	v3 =	vld [tilespmem:s5+$0x8000]  }
0xd1: {  	v6 =	vld [tilespmem:s6+$0x8010]  }
0xd2: {  	v7 =	vld [tilespmem:s6+$0x8000]  }
0xd3: {  	[tilespmem:v2+s23+$0x0] =	vst.idx.add.s32.msk $0xffff, v1  }
0xd4: {  	[tilespmem:v4+s24+$0x0] =	vst.idx.add.s32.msk $0xffff, v1  }
0xd5: {  	v2 =	vld [tilespmem:s30+$0x8210]  }
0xd6: {  	[tilespmem:v5+s24+$0x0] =	vst.idx.add.s32.msk $0xffff, v1  }
0xd7: {  	v4 =	vld [tilespmem:s30+$0x8200]  }
0xd8: {  	[tilespmem:v3+s24+$0x0] =	vst.idx.add.s32.msk $0xffff, v1  }
0xd9: {  	[tilespmem:v6+s23+$0x0] =	vst.idx.add.s32.msk $0xffff, v1  }
0xda: {  	v3 =	vld [tilespmem:s6+$0x8090]  }
0xdb: {  	[tilespmem:v7+s23+$0x0] =	vst.idx.add.s32.msk $0xffff, v1  }
0xdc: {  	v5 =	vld [tilespmem:s6+$0x8080]  }
0xdd: {  	[tilespmem:v2+s23+$0x0] =	vst.idx.add.s32.msk $0xffff, v1  }
0xde: {  	v2 =	vld [tilespmem:s30+$0x8290]  }
0xdf: {  	[tilespmem:v4+s23+$0x0] =	vst.idx.add.s32.msk $0xffff, v1  }
0xe0: {  	v4 =	vld [tilespmem:s30+$0x8280];
	s30 =	smov.u32 s6  }
0xe1: {  	s29 =	sadd.s32 $0x1, s29;
	v6 =	vld [tilespmem:s1+$0x8000]  }
0xe2: {  	s1 =	sand.u32 $0x3, s29;
	[tilespmem:v3+s24+$0x0] =	vst.idx.add.s32.msk $0xffff, v1  }
0xe3: {  	s1 =	sshll.u32 s1, $0x5;
	v7 =	vld [tilespmem:s30+$0x8110]  }
0xe4: {  	s5 =	sadd.s32 s1, s0;
	s0 =	smov.u32 s31;
	[tilespmem:v5+s24+$0x0] =	vst.idx.add.s32.msk $0xffff, v1  }
0xe5: {  	s6 =	sor.u32 $0x300, s5;
	s1 =	sor.u32 $0x380, s5;
	s5 =	sadd.s32 $0x10, s5;
	v5 =	vld [tilespmem:s30+$0x8100]  }
0xe6: {  	s7 =	sor.u32 $0x300, s5;
	[tilespmem:v2+s24+$0x0] =	vst.idx.add.s32.msk $0xffff, v1  }
0xe7: {  	v3 =	vld [tilespmem:s7+$0x8000]  }
0xe8: {  	[tilespmem:v4+s24+$0x0] =	vst.idx.add.s32.msk $0xffff, v1  }
.Ltmp2:
0xe9: {  	v2 =	vld [tilespmem:s6+$0x8000];
	(pc) =	sbr.rel @p0 .LBB2_6-.Ltmp2, $4  }
0xea: {  	[tilespmem:v6+s24+$0x0] =	vst.idx.add.s32.msk $0xffff, v1  }
0xeb: {  	[tilespmem:v7+s23+$0x0] =	vst.idx.add.s32.msk $0xffff, v1  }
0xec: {  	v4 =	vld [tilespmem:s30+$0x8190]  }
0xed: {  	s4 =	sadd.s32 $0x20, s4;
	[tilespmem:v5+s23+$0x0] =	vst.idx.add.s32.msk $0xffff, v1  }
0xee: {  	_ = 	snop  }
0xef: {  	v5 =	vld [tilespmem:s30+$0x8180];
	_ =	sdelay $0x5  }
0xf0: {  	[tilespmem:v4+s24+$0x0] =	vst.idx.add.s32.msk $0xffff, v1  }
0xf1: {  	v4 =	vld [tilespmem:s30+$0x8210]  }
0xf2: {  	[tilespmem:v5+s24+$0x0] =	vst.idx.add.s32.msk $0xffff, v1  }
0xf3: {  	v5 =	vld [tilespmem:s30+$0x8200];
	_ =	sdelay $0x5  }
0xf4: {  	[tilespmem:v4+s23+$0x0] =	vst.idx.add.s32.msk $0xffff, v1  }
0xf5: {  	v4 =	vld [tilespmem:s30+$0x8290]  }
0xf6: {  	[tilespmem:v5+s23+$0x0] =	vst.idx.add.s32.msk $0xffff, v1  }
0xf7: {  	v5 =	vld [tilespmem:s30+$0x8280]  }
0xf8: {  	s2 =	sadd.s32 $0x1, s29  }
0xf9: {  	s2 =	sand.u32 $0x3, s2  }
0xfa: {  	s2 =	sshll.u32 s2, $0x5  }
0xfb: {  	s0 =	sadd.s32 s2, s0  }
0xfc: {  	s2 =	sadd.s32 $0x10, s0  }
0xfd: {  	s4 =	sor.u32 $0x300, s2;
	[tilespmem:v4+s24+$0x0] =	vst.idx.add.s32.msk $0xffff, v1  }
0xfe: {  	v4 =	vld [tilespmem:s4+$0x8000]  }
0xff: {  	s6 =	sor.u32 $0x300, s0;
	[tilespmem:v5+s24+$0x0] =	vst.idx.add.s32.msk $0xffff, v1  }
0x100: {  	v5 =	vld [tilespmem:s6+$0x8000];
	_ =	sdelay $0x1  }
0x101: {  	[tilespmem:v3+s23+$0x0] =	vst.idx.add.s32.msk $0xffff, v1  }
0x102: {  	s7 =	sor.u32 $0x380, s5;
	[tilespmem:v2+s23+$0x0] =	vst.idx.add.s32.msk $0xffff, v1  }
0x103: {  	v3 =	vld [tilespmem:s7+$0x8000]  }
0x104: {  	v2 =	vld [tilespmem:s1+$0x8000]  }
0x105: {  	s4 =	sor.u32 $0x380, s2;
	[tilespmem:v4+s23+$0x0] =	vst.idx.add.s32.msk $0xffff, v1  }
0x106: {  	v4 =	vld [tilespmem:s4+$0x8000]  }
0x107: {  	s0 =	sor.u32 $0x380, s0;
	[tilespmem:v5+s23+$0x0] =	vst.idx.add.s32.msk $0xffff, v1  }
0x108: {  	v5 =	vld [tilespmem:s0+$0x8000];
	_ =	sdelay $0x4  }
0x109: {  	[tilespmem:v3+s24+$0x0] =	vst.idx.add.s32.msk $0xffff, v1  }
0x10a: {  	[tilespmem:v2+s24+$0x0] =	vst.idx.add.s32.msk $0xffff, v1  }
0x10b: {  	[tilespmem:v4+s24+$0x0] =	vst.idx.add.s32.msk $0xffff, v1  }
0x10c: {  	[tilespmem:v5+s24+$0x0] =	vst.idx.add.s32.msk $0xffff, v1  }
0x10d: {  	s29 =	simm.s32 $0x0;
	s5 =	rddreg [dreg:$0x5]  }
0x10e: {  	[tilespmem:s21], [sflag:$0x2] =	stream.linear.gather [hbm4b:s5+s29], $0x8000, $0x38;
	[tilespmem:$0x1A000] =	vst v63  }
0x10f: {  	_ =	swait.ge [sflag:s22], $0x8000  }
0x110: {  	s7 =	sand.u32 $0x7C00, s29;
	s6 =	sand.u32 $0x60, s29;
	[sflag:s22] =	ssyncset.done $0x0  }
0x111: {  	s0 =	sor.u32 s6, s7;
	[sflag:s22] =	ssyncadd.s32 $0xFFFF8000  }
0x112: {  	v2 =	vld [tilespmem:s0+$0x10];
	_ =	sdelay $0x3  }
0x113: {  	v3 =	vld [tilespmem:s0+$0x0];
	_ =	sdelay $0x3  }
0x114: {  	[tilespmem:v2+s23+$0x0] =	vst.idx.add.s32.msk $0xffff, v1  }
0x115: {  	v2 =	vld [tilespmem:s0+$0x90];
	_ =	sdelay $0x2  }
0x116: {  	[tilespmem:v3+s23+$0x0] =	vst.idx.add.s32.msk $0xffff, v1  }
0x117: {  	v3 =	vld [tilespmem:s0+$0x80];
	_ =	sdelay $0x3  }
0x118: {  	[tilespmem:v2+s24+$0x0] =	vst.idx.add.s32.msk $0xffff, v1  }
0x119: {  	v2 =	vld [tilespmem:s0+$0x110];
	_ =	sdelay $0x2  }
0x11a: {  	[tilespmem:v3+s24+$0x0] =	vst.idx.add.s32.msk $0xffff, v1  }
0x11b: {  	v3 =	vld [tilespmem:s0+$0x100];
	_ =	sdelay $0x3  }
0x11c: {  	s31 =	simm.s32 $0x100;
	s2 =	simm.s32 $0x20;
	[tilespmem:v2+s23+$0x0] =	vst.idx.add.s32.msk $0xffff, v1  }
0x11d: {  	s1 =	sand.u32 $0x60, s2;
	s4 =	sand.u32 $0x7C00, s31;
	v2 =	vld [tilespmem:s0+$0x190]  }
0x11e: {  	s30 =	sor.u32 s1, s4  }
0x11f: {  	v4 =	vld [tilespmem:s30+$0x10]  }
0x120: {  	[tilespmem:v3+s23+$0x0] =	vst.idx.add.s32.msk $0xffff, v1  }
0x121: {  	v3 =	vld [tilespmem:s0+$0x180];
	_ =	sdelay $0x2  }
0x122: {  	v5 =	vld [tilespmem:s30+$0x0]  }
0x123: {  	[tilespmem:v2+s24+$0x0] =	vst.idx.add.s32.msk $0xffff, v1  }
0x124: {  	v2 =	vld [tilespmem:s0+$0x210]  }
0x125: {  	[tilespmem:v4+s23+$0x0] =	vst.idx.add.s32.msk $0xffff, v1  }
0x126: {  	v4 =	vld [tilespmem:s30+$0x90]  }
0x127: {  	[tilespmem:v3+s24+$0x0] =	vst.idx.add.s32.msk $0xffff, v1  }
0x128: {  	v3 =	vld [tilespmem:s0+$0x200];
	_ =	sdelay $0x1  }
0x129: {  	[tilespmem:v5+s23+$0x0] =	vst.idx.add.s32.msk $0xffff, v1  }
0x12a: {  	v5 =	vld [tilespmem:s30+$0x80]  }
0x12b: {  	[tilespmem:v2+s23+$0x0] =	vst.idx.add.s32.msk $0xffff, v1  }
0x12c: {  	v2 =	vld [tilespmem:s0+$0x290]  }
0x12d: {  	[tilespmem:v4+s24+$0x0] =	vst.idx.add.s32.msk $0xffff, v1  }
0x12e: {  	v4 =	vld [tilespmem:s30+$0x110]  }
0x12f: {  	[tilespmem:v3+s23+$0x0] =	vst.idx.add.s32.msk $0xffff, v1  }
0x130: {  	s5 =	sand.u32 $0x3, s29;
	v6 =	vld [tilespmem:s0+$0x280]  }
0x131: {  	s0 =	sshll.u32 s5, $0x5  }
0x132: {  	[tilespmem:v5+s24+$0x0] =	vst.idx.add.s32.msk $0xffff, v1;
	s0 =	sadd.s32 $0x0, s0  }
0x133: {  	v5 =	vld [tilespmem:s30+$0x100];
	s5 =	sadd.s32 $0x10, s0  }
0x134: {  	s6 =	sor.u32 $0x300, s5;
	[tilespmem:v2+s24+$0x0] =	vst.idx.add.s32.msk $0xffff, v1  }
0x135: {  	v3 =	vld [tilespmem:s6+$0x0];
	_ =	sdelay $0x1  }
0x136: {  	[tilespmem:v4+s23+$0x0] =	vst.idx.add.s32.msk $0xffff, v1  }
0x137: {  	s7 =	sor.u32 $0x300, s0;
	[tilespmem:v6+s24+$0x0] =	vst.idx.add.s32.msk $0xffff, v1  }
0x138: {  	v2 =	vld [tilespmem:s7+$0x0]  }
0x139: {  	s2 =	simm.s32 $0x2;
	v4 =	vld [tilespmem:s30+$0x190]  }
0x13a: {  	s4 =	simm.s32 $0x40;
	[tilespmem:v5+s23+$0x0] =	vst.idx.add.s32.msk $0xffff, v1;
	s1 =	sor.u32 $0x380, s0;
	s0 =	simm.s32 $0x100  }
.LBB2_8:
0x13b: {  	s6 =	sand.u32 $0x60, s4;
	v5 =	vld [tilespmem:s30+$0x180];
	s31 =	sadd.s32 $0x100, s31  }
0x13c: {  	s2 =	sadd.s32 $0x2, s2;
	s5 =	sor.u32 $0x380, s5;
	s7 =	sand.u32 $0x7C00, s31;
	[tilespmem:v3+s23+$0x0] =	vst.idx.add.s32.msk $0xffff, v1  }
0x13d: {  	p0 =	slt.u32 s2, $0xFE;
	s6 =	sor.u32 s6, s7;
	v3 =	vld [tilespmem:s5+$0x0]  }
0x13e: {  	v6 =	vld [tilespmem:s6+$0x10]  }
0x13f: {  	v7 =	vld [tilespmem:s6+$0x0]  }
0x140: {  	[tilespmem:v2+s23+$0x0] =	vst.idx.add.s32.msk $0xffff, v1  }
0x141: {  	[tilespmem:v4+s24+$0x0] =	vst.idx.add.s32.msk $0xffff, v1  }
0x142: {  	v2 =	vld [tilespmem:s30+$0x210]  }
0x143: {  	[tilespmem:v5+s24+$0x0] =	vst.idx.add.s32.msk $0xffff, v1  }
0x144: {  	v4 =	vld [tilespmem:s30+$0x200]  }
0x145: {  	[tilespmem:v3+s24+$0x0] =	vst.idx.add.s32.msk $0xffff, v1  }
0x146: {  	[tilespmem:v6+s23+$0x0] =	vst.idx.add.s32.msk $0xffff, v1  }
0x147: {  	v3 =	vld [tilespmem:s6+$0x90]  }
0x148: {  	[tilespmem:v7+s23+$0x0] =	vst.idx.add.s32.msk $0xffff, v1  }
0x149: {  	v5 =	vld [tilespmem:s6+$0x80]  }
0x14a: {  	[tilespmem:v2+s23+$0x0] =	vst.idx.add.s32.msk $0xffff, v1  }
0x14b: {  	v2 =	vld [tilespmem:s30+$0x290]  }
0x14c: {  	[tilespmem:v4+s23+$0x0] =	vst.idx.add.s32.msk $0xffff, v1  }
0x14d: {  	v4 =	vld [tilespmem:s30+$0x280];
	s30 =	smov.u32 s6  }
0x14e: {  	s29 =	sadd.s32 $0x1, s29;
	v6 =	vld [tilespmem:s1+$0x0]  }
0x14f: {  	s1 =	sand.u32 $0x3, s29;
	[tilespmem:v3+s24+$0x0] =	vst.idx.add.s32.msk $0xffff, v1  }
0x150: {  	s1 =	sshll.u32 s1, $0x5;
	v7 =	vld [tilespmem:s30+$0x110]  }
0x151: {  	s5 =	sadd.s32 s1, s0;
	s0 =	smov.u32 s31;
	[tilespmem:v5+s24+$0x0] =	vst.idx.add.s32.msk $0xffff, v1  }
0x152: {  	s6 =	sor.u32 $0x300, s5;
	s1 =	sor.u32 $0x380, s5;
	s5 =	sadd.s32 $0x10, s5;
	v5 =	vld [tilespmem:s30+$0x100]  }
0x153: {  	s7 =	sor.u32 $0x300, s5;
	[tilespmem:v2+s24+$0x0] =	vst.idx.add.s32.msk $0xffff, v1  }
0x154: {  	v3 =	vld [tilespmem:s7+$0x0]  }
0x155: {  	[tilespmem:v4+s24+$0x0] =	vst.idx.add.s32.msk $0xffff, v1  }
.Ltmp3:
0x156: {  	v2 =	vld [tilespmem:s6+$0x0];
	(pc) =	sbr.rel @p0 .LBB2_8-.Ltmp3, $4  }
0x157: {  	[tilespmem:v6+s24+$0x0] =	vst.idx.add.s32.msk $0xffff, v1  }
0x158: {  	[tilespmem:v7+s23+$0x0] =	vst.idx.add.s32.msk $0xffff, v1  }
0x159: {  	v4 =	vld [tilespmem:s30+$0x190]  }
0x15a: {  	s4 =	sadd.s32 $0x20, s4;
	[tilespmem:v5+s23+$0x0] =	vst.idx.add.s32.msk $0xffff, v1  }
0x15b: {  	_ = 	snop  }
0x15c: {  	v5 =	vld [tilespmem:s30+$0x180];
	_ =	sdelay $0x5  }
0x15d: {  	[tilespmem:v4+s24+$0x0] =	vst.idx.add.s32.msk $0xffff, v1  }
0x15e: {  	v4 =	vld [tilespmem:s30+$0x210]  }
0x15f: {  	[tilespmem:v5+s24+$0x0] =	vst.idx.add.s32.msk $0xffff, v1  }
0x160: {  	v5 =	vld [tilespmem:s30+$0x200];
	_ =	sdelay $0x5  }
0x161: {  	[tilespmem:v4+s23+$0x0] =	vst.idx.add.s32.msk $0xffff, v1  }
0x162: {  	v4 =	vld [tilespmem:s30+$0x290]  }
0x163: {  	[tilespmem:v5+s23+$0x0] =	vst.idx.add.s32.msk $0xffff, v1  }
0x164: {  	v5 =	vld [tilespmem:s30+$0x280]  }
0x165: {  	s2 =	sadd.s32 $0x1, s29  }
0x166: {  	s2 =	sand.u32 $0x3, s2  }
0x167: {  	s2 =	sshll.u32 s2, $0x5  }
0x168: {  	s0 =	sadd.s32 s2, s0  }
0x169: {  	s2 =	sadd.s32 $0x10, s0  }
0x16a: {  	s4 =	sor.u32 $0x300, s2;
	[tilespmem:v4+s24+$0x0] =	vst.idx.add.s32.msk $0xffff, v1  }
0x16b: {  	v4 =	vld [tilespmem:s4+$0x0]  }
0x16c: {  	s6 =	sor.u32 $0x300, s0;
	[tilespmem:v5+s24+$0x0] =	vst.idx.add.s32.msk $0xffff, v1  }
0x16d: {  	v5 =	vld [tilespmem:s6+$0x0];
	_ =	sdelay $0x1  }
0x16e: {  	[tilespmem:v3+s23+$0x0] =	vst.idx.add.s32.msk $0xffff, v1  }
0x16f: {  	s7 =	sor.u32 $0x380, s5;
	[tilespmem:v2+s23+$0x0] =	vst.idx.add.s32.msk $0xffff, v1  }
0x170: {  	v3 =	vld [tilespmem:s7+$0x0]  }
0x171: {  	v2 =	vld [tilespmem:s1+$0x0]  }
0x172: {  	s4 =	sor.u32 $0x380, s2;
	[tilespmem:v4+s23+$0x0] =	vst.idx.add.s32.msk $0xffff, v1  }
0x173: {  	v4 =	vld [tilespmem:s4+$0x0]  }
0x174: {  	s0 =	sor.u32 $0x380, s0;
	[tilespmem:v5+s23+$0x0] =	vst.idx.add.s32.msk $0xffff, v1  }
0x175: {  	v5 =	vld [tilespmem:s0+$0x0];
	_ =	sdelay $0x4  }
0x176: {  	[tilespmem:v3+s24+$0x0] =	vst.idx.add.s32.msk $0xffff, v1  }
0x177: {  	[tilespmem:v2+s24+$0x0] =	vst.idx.add.s32.msk $0xffff, v1  }
0x178: {  	[tilespmem:v4+s24+$0x0] =	vst.idx.add.s32.msk $0xffff, v1  }
0x179: {  	[tilespmem:v5+s24+$0x0] =	vst.idx.add.s32.msk $0xffff, v1  }
0x17a: {  	s29 =	simm.s32 $0x0;
	s5 =	rddreg [dreg:$0x6]  }
0x17b: {  	[tilespmem:s29], [sflag:$0x1] =	stream.linear.gather [hbm4b:s5+s29], $0x8000, $0x38;
	[tilespmem:$0x1A000] =	vst v63  }
0x17c: {  	_ =	swait.ge [sflag:s25], $0x8000  }
0x17d: {  	s7 =	sand.u32 $0x7C00, s29;
	s6 =	sand.u32 $0x60, s29;
	[sflag:s25] =	ssyncset.done $0x0  }
0x17e: {  	s0 =	sor.u32 s6, s7;
	[sflag:s25] =	ssyncadd.s32 $0xFFFF8000  }
0x17f: {  	v2 =	vld [tilespmem:s0+$0x8010];
	_ =	sdelay $0x3  }
0x180: {  	v3 =	vld [tilespmem:s0+$0x8000];
	_ =	sdelay $0x3  }
0x181: {  	[tilespmem:v2+s23+$0x0] =	vst.idx.add.s32.msk $0xffff, v1  }
0x182: {  	v2 =	vld [tilespmem:s0+$0x8090];
	_ =	sdelay $0x2  }
0x183: {  	[tilespmem:v3+s23+$0x0] =	vst.idx.add.s32.msk $0xffff, v1  }
0x184: {  	v3 =	vld [tilespmem:s0+$0x8080];
	_ =	sdelay $0x3  }
0x185: {  	[tilespmem:v2+s24+$0x0] =	vst.idx.add.s32.msk $0xffff, v1  }
0x186: {  	v2 =	vld [tilespmem:s0+$0x8110];
	_ =	sdelay $0x2  }
0x187: {  	[tilespmem:v3+s24+$0x0] =	vst.idx.add.s32.msk $0xffff, v1  }
0x188: {  	v3 =	vld [tilespmem:s0+$0x8100];
	_ =	sdelay $0x3  }
0x189: {  	s31 =	simm.s32 $0x100;
	s2 =	simm.s32 $0x20;
	[tilespmem:v2+s23+$0x0] =	vst.idx.add.s32.msk $0xffff, v1  }
0x18a: {  	s1 =	sand.u32 $0x60, s2;
	s4 =	sand.u32 $0x7C00, s31;
	v2 =	vld [tilespmem:s0+$0x8190]  }
0x18b: {  	s30 =	sor.u32 s1, s4  }
0x18c: {  	v4 =	vld [tilespmem:s30+$0x8010]  }
0x18d: {  	[tilespmem:v3+s23+$0x0] =	vst.idx.add.s32.msk $0xffff, v1  }
0x18e: {  	v3 =	vld [tilespmem:s0+$0x8180];
	_ =	sdelay $0x2  }
0x18f: {  	v5 =	vld [tilespmem:s30+$0x8000]  }
0x190: {  	[tilespmem:v2+s24+$0x0] =	vst.idx.add.s32.msk $0xffff, v1  }
0x191: {  	v2 =	vld [tilespmem:s0+$0x8210]  }
0x192: {  	[tilespmem:v4+s23+$0x0] =	vst.idx.add.s32.msk $0xffff, v1  }
0x193: {  	v4 =	vld [tilespmem:s30+$0x8090]  }
0x194: {  	[tilespmem:v3+s24+$0x0] =	vst.idx.add.s32.msk $0xffff, v1  }
0x195: {  	v3 =	vld [tilespmem:s0+$0x8200];
	_ =	sdelay $0x1  }
0x196: {  	[tilespmem:v5+s23+$0x0] =	vst.idx.add.s32.msk $0xffff, v1  }
0x197: {  	v5 =	vld [tilespmem:s30+$0x8080]  }
0x198: {  	[tilespmem:v2+s23+$0x0] =	vst.idx.add.s32.msk $0xffff, v1  }
0x199: {  	v2 =	vld [tilespmem:s0+$0x8290]  }
0x19a: {  	[tilespmem:v4+s24+$0x0] =	vst.idx.add.s32.msk $0xffff, v1  }
0x19b: {  	v4 =	vld [tilespmem:s30+$0x8110]  }
0x19c: {  	[tilespmem:v3+s23+$0x0] =	vst.idx.add.s32.msk $0xffff, v1  }
0x19d: {  	s5 =	sand.u32 $0x3, s29;
	v6 =	vld [tilespmem:s0+$0x8280]  }
0x19e: {  	s0 =	sshll.u32 s5, $0x5  }
0x19f: {  	[tilespmem:v5+s24+$0x0] =	vst.idx.add.s32.msk $0xffff, v1;
	s0 =	sadd.s32 $0x0, s0  }
0x1a0: {  	v5 =	vld [tilespmem:s30+$0x8100];
	s5 =	sadd.s32 $0x10, s0  }
0x1a1: {  	s6 =	sor.u32 $0x300, s5;
	[tilespmem:v2+s24+$0x0] =	vst.idx.add.s32.msk $0xffff, v1  }
0x1a2: {  	v3 =	vld [tilespmem:s6+$0x8000];
	_ =	sdelay $0x1  }
0x1a3: {  	[tilespmem:v4+s23+$0x0] =	vst.idx.add.s32.msk $0xffff, v1  }
0x1a4: {  	s7 =	sor.u32 $0x300, s0;
	[tilespmem:v6+s24+$0x0] =	vst.idx.add.s32.msk $0xffff, v1  }
0x1a5: {  	v2 =	vld [tilespmem:s7+$0x8000]  }
0x1a6: {  	s2 =	simm.s32 $0x2;
	v4 =	vld [tilespmem:s30+$0x8190]  }
0x1a7: {  	s4 =	simm.s32 $0x40;
	[tilespmem:v5+s23+$0x0] =	vst.idx.add.s32.msk $0xffff, v1;
	s1 =	sor.u32 $0x380, s0;
	s0 =	simm.s32 $0x100  }
.LBB2_10:
0x1a8: {  	s6 =	sand.u32 $0x60, s4;
	v5 =	vld [tilespmem:s30+$0x8180];
	s31 =	sadd.s32 $0x100, s31  }
0x1a9: {  	s2 =	sadd.s32 $0x2, s2;
	s5 =	sor.u32 $0x380, s5;
	s7 =	sand.u32 $0x7C00, s31;
	[tilespmem:v3+s23+$0x0] =	vst.idx.add.s32.msk $0xffff, v1  }
0x1aa: {  	p0 =	slt.u32 s2, $0xFE;
	s6 =	sor.u32 s6, s7;
	v3 =	vld [tilespmem:s5+$0x8000]  }
0x1ab: {  	v6 =	vld [tilespmem:s6+$0x8010]  }
0x1ac: {  	v7 =	vld [tilespmem:s6+$0x8000]  }
0x1ad: {  	[tilespmem:v2+s23+$0x0] =	vst.idx.add.s32.msk $0xffff, v1  }
0x1ae: {  	[tilespmem:v4+s24+$0x0] =	vst.idx.add.s32.msk $0xffff, v1  }
0x1af: {  	v2 =	vld [tilespmem:s30+$0x8210]  }
0x1b0: {  	[tilespmem:v5+s24+$0x0] =	vst.idx.add.s32.msk $0xffff, v1  }
0x1b1: {  	v4 =	vld [tilespmem:s30+$0x8200]  }
0x1b2: {  	[tilespmem:v3+s24+$0x0] =	vst.idx.add.s32.msk $0xffff, v1  }
0x1b3: {  	[tilespmem:v6+s23+$0x0] =	vst.idx.add.s32.msk $0xffff, v1  }
0x1b4: {  	v3 =	vld [tilespmem:s6+$0x8090]  }
0x1b5: {  	[tilespmem:v7+s23+$0x0] =	vst.idx.add.s32.msk $0xffff, v1  }
0x1b6: {  	v5 =	vld [tilespmem:s6+$0x8080]  }
0x1b7: {  	[tilespmem:v2+s23+$0x0] =	vst.idx.add.s32.msk $0xffff, v1  }
0x1b8: {  	v2 =	vld [tilespmem:s30+$0x8290]  }
0x1b9: {  	[tilespmem:v4+s23+$0x0] =	vst.idx.add.s32.msk $0xffff, v1  }
0x1ba: {  	v4 =	vld [tilespmem:s30+$0x8280];
	s30 =	smov.u32 s6  }
0x1bb: {  	s29 =	sadd.s32 $0x1, s29;
	v6 =	vld [tilespmem:s1+$0x8000]  }
0x1bc: {  	s1 =	sand.u32 $0x3, s29;
	[tilespmem:v3+s24+$0x0] =	vst.idx.add.s32.msk $0xffff, v1  }
0x1bd: {  	s1 =	sshll.u32 s1, $0x5;
	v7 =	vld [tilespmem:s30+$0x8110]  }
0x1be: {  	s5 =	sadd.s32 s1, s0;
	s0 =	smov.u32 s31;
	[tilespmem:v5+s24+$0x0] =	vst.idx.add.s32.msk $0xffff, v1  }
0x1bf: {  	s6 =	sor.u32 $0x300, s5;
	s1 =	sor.u32 $0x380, s5;
	s5 =	sadd.s32 $0x10, s5;
	v5 =	vld [tilespmem:s30+$0x8100]  }
0x1c0: {  	s7 =	sor.u32 $0x300, s5;
	[tilespmem:v2+s24+$0x0] =	vst.idx.add.s32.msk $0xffff, v1  }
0x1c1: {  	v3 =	vld [tilespmem:s7+$0x8000]  }
0x1c2: {  	[tilespmem:v4+s24+$0x0] =	vst.idx.add.s32.msk $0xffff, v1  }
.Ltmp4:
0x1c3: {  	v2 =	vld [tilespmem:s6+$0x8000];
	(pc) =	sbr.rel @p0 .LBB2_10-.Ltmp4, $4  }
0x1c4: {  	[tilespmem:v6+s24+$0x0] =	vst.idx.add.s32.msk $0xffff, v1  }
0x1c5: {  	[tilespmem:v7+s23+$0x0] =	vst.idx.add.s32.msk $0xffff, v1  }
0x1c6: {  	v4 =	vld [tilespmem:s30+$0x8190]  }
0x1c7: {  	s4 =	sadd.s32 $0x20, s4;
	[tilespmem:v5+s23+$0x0] =	vst.idx.add.s32.msk $0xffff, v1  }
0x1c8: {  	_ = 	snop  }
0x1c9: {  	v5 =	vld [tilespmem:s30+$0x8180];
	_ =	sdelay $0x5  }
0x1ca: {  	[tilespmem:v4+s24+$0x0] =	vst.idx.add.s32.msk $0xffff, v1  }
0x1cb: {  	v4 =	vld [tilespmem:s30+$0x8210]  }
0x1cc: {  	[tilespmem:v5+s24+$0x0] =	vst.idx.add.s32.msk $0xffff, v1  }
0x1cd: {  	v5 =	vld [tilespmem:s30+$0x8200];
	_ =	sdelay $0x5  }
0x1ce: {  	[tilespmem:v4+s23+$0x0] =	vst.idx.add.s32.msk $0xffff, v1  }
0x1cf: {  	v4 =	vld [tilespmem:s30+$0x8290]  }
0x1d0: {  	[tilespmem:v5+s23+$0x0] =	vst.idx.add.s32.msk $0xffff, v1  }
0x1d1: {  	v5 =	vld [tilespmem:s30+$0x8280]  }
0x1d2: {  	s2 =	sadd.s32 $0x1, s29  }
0x1d3: {  	s2 =	sand.u32 $0x3, s2  }
0x1d4: {  	s2 =	sshll.u32 s2, $0x5  }
0x1d5: {  	s0 =	sadd.s32 s2, s0  }
0x1d6: {  	s2 =	sadd.s32 $0x10, s0  }
0x1d7: {  	s4 =	sor.u32 $0x300, s2;
	[tilespmem:v4+s24+$0x0] =	vst.idx.add.s32.msk $0xffff, v1  }
0x1d8: {  	v4 =	vld [tilespmem:s4+$0x8000]  }
0x1d9: {  	s6 =	sor.u32 $0x300, s0;
	[tilespmem:v5+s24+$0x0] =	vst.idx.add.s32.msk $0xffff, v1  }
0x1da: {  	v5 =	vld [tilespmem:s6+$0x8000];
	_ =	sdelay $0x1  }
0x1db: {  	[tilespmem:v3+s23+$0x0] =	vst.idx.add.s32.msk $0xffff, v1  }
0x1dc: {  	s7 =	sor.u32 $0x380, s5;
	[tilespmem:v2+s23+$0x0] =	vst.idx.add.s32.msk $0xffff, v1  }
0x1dd: {  	v3 =	vld [tilespmem:s7+$0x8000]  }
0x1de: {  	v2 =	vld [tilespmem:s1+$0x8000]  }
0x1df: {  	s5 =	sor.u32 $0x380, s2;
	[tilespmem:v4+s23+$0x0] =	vst.idx.add.s32.msk $0xffff, v1  }
0x1e0: {  	v4 =	vld [tilespmem:s5+$0x8000]  }
0x1e1: {  	s0 =	sor.u32 $0x380, s0;
	[tilespmem:v5+s23+$0x0] =	vst.idx.add.s32.msk $0xffff, v1  }
0x1e2: {  	v5 =	vld [tilespmem:s0+$0x8000];
	_ =	sdelay $0x4  }
0x1e3: {  	[tilespmem:v3+s24+$0x0] =	vst.idx.add.s32.msk $0xffff, v1  }
0x1e4: {  	[tilespmem:v2+s24+$0x0] =	vst.idx.add.s32.msk $0xffff, v1  }
0x1e5: {  	[tilespmem:v4+s24+$0x0] =	vst.idx.add.s32.msk $0xffff, v1  }
0x1e6: {  	s29 =	simm.s32 $0x0;
	[tilespmem:v5+s24+$0x0] =	vst.idx.add.s32.msk $0xffff, v1  }
0x1e7: {  	[tilespmem:s21], [sflag:$0x2] =	stream.linear.gather [hbm4b:s8+s29], $0x8000, $0x38;
	[tilespmem:$0x1A000] =	vst v63  }
0x1e8: {  	_ =	swait.ge [sflag:s22], $0x8000  }
0x1e9: {  	s7 =	sand.u32 $0x7C00, s29;
	s6 =	sand.u32 $0x60, s29;
	[sflag:s22] =	ssyncset.done $0x0  }
0x1ea: {  	s0 =	sor.u32 s6, s7;
	[sflag:s22] =	ssyncadd.s32 $0xFFFF8000  }
0x1eb: {  	v2 =	vld [tilespmem:s0+$0x10];
	_ =	sdelay $0x3  }
0x1ec: {  	v3 =	vld [tilespmem:s0+$0x0];
	_ =	sdelay $0x3  }
0x1ed: {  	[tilespmem:v2+s23+$0x0] =	vst.idx.add.s32.msk $0xffff, v1  }
0x1ee: {  	v2 =	vld [tilespmem:s0+$0x90];
	_ =	sdelay $0x2  }
0x1ef: {  	[tilespmem:v3+s23+$0x0] =	vst.idx.add.s32.msk $0xffff, v1  }
0x1f0: {  	v3 =	vld [tilespmem:s0+$0x80];
	_ =	sdelay $0x3  }
0x1f1: {  	[tilespmem:v2+s24+$0x0] =	vst.idx.add.s32.msk $0xffff, v1  }
0x1f2: {  	v2 =	vld [tilespmem:s0+$0x110];
	_ =	sdelay $0x2  }
0x1f3: {  	[tilespmem:v3+s24+$0x0] =	vst.idx.add.s32.msk $0xffff, v1  }
0x1f4: {  	v3 =	vld [tilespmem:s0+$0x100];
	_ =	sdelay $0x3  }
0x1f5: {  	s31 =	simm.s32 $0x100;
	s2 =	simm.s32 $0x20;
	[tilespmem:v2+s23+$0x0] =	vst.idx.add.s32.msk $0xffff, v1  }
0x1f6: {  	s1 =	sand.u32 $0x60, s2;
	s4 =	sand.u32 $0x7C00, s31;
	v2 =	vld [tilespmem:s0+$0x190]  }
0x1f7: {  	s30 =	sor.u32 s1, s4  }
0x1f8: {  	v4 =	vld [tilespmem:s30+$0x10]  }
0x1f9: {  	[tilespmem:v3+s23+$0x0] =	vst.idx.add.s32.msk $0xffff, v1  }
0x1fa: {  	v3 =	vld [tilespmem:s0+$0x180];
	_ =	sdelay $0x2  }
0x1fb: {  	v5 =	vld [tilespmem:s30+$0x0]  }
0x1fc: {  	[tilespmem:v2+s24+$0x0] =	vst.idx.add.s32.msk $0xffff, v1  }
0x1fd: {  	v2 =	vld [tilespmem:s0+$0x210]  }
0x1fe: {  	[tilespmem:v4+s23+$0x0] =	vst.idx.add.s32.msk $0xffff, v1  }
0x1ff: {  	v4 =	vld [tilespmem:s30+$0x90]  }
0x200: {  	[tilespmem:v3+s24+$0x0] =	vst.idx.add.s32.msk $0xffff, v1  }
0x201: {  	v3 =	vld [tilespmem:s0+$0x200];
	_ =	sdelay $0x1  }
0x202: {  	[tilespmem:v5+s23+$0x0] =	vst.idx.add.s32.msk $0xffff, v1  }
0x203: {  	v5 =	vld [tilespmem:s30+$0x80]  }
0x204: {  	[tilespmem:v2+s23+$0x0] =	vst.idx.add.s32.msk $0xffff, v1  }
0x205: {  	v2 =	vld [tilespmem:s0+$0x290]  }
0x206: {  	[tilespmem:v4+s24+$0x0] =	vst.idx.add.s32.msk $0xffff, v1  }
0x207: {  	v4 =	vld [tilespmem:s30+$0x110]  }
0x208: {  	[tilespmem:v3+s23+$0x0] =	vst.idx.add.s32.msk $0xffff, v1  }
0x209: {  	s5 =	sand.u32 $0x3, s29;
	v6 =	vld [tilespmem:s0+$0x280]  }
0x20a: {  	s0 =	sshll.u32 s5, $0x5  }
0x20b: {  	[tilespmem:v5+s24+$0x0] =	vst.idx.add.s32.msk $0xffff, v1;
	s0 =	sadd.s32 $0x0, s0  }
0x20c: {  	v5 =	vld [tilespmem:s30+$0x100];
	s5 =	sadd.s32 $0x10, s0  }
0x20d: {  	s6 =	sor.u32 $0x300, s5;
	[tilespmem:v2+s24+$0x0] =	vst.idx.add.s32.msk $0xffff, v1  }
0x20e: {  	v3 =	vld [tilespmem:s6+$0x0];
	_ =	sdelay $0x1  }
0x20f: {  	[tilespmem:v4+s23+$0x0] =	vst.idx.add.s32.msk $0xffff, v1  }
0x210: {  	s7 =	sor.u32 $0x300, s0;
	[tilespmem:v6+s24+$0x0] =	vst.idx.add.s32.msk $0xffff, v1  }
0x211: {  	v2 =	vld [tilespmem:s7+$0x0]  }
0x212: {  	s2 =	simm.s32 $0x2;
	v4 =	vld [tilespmem:s30+$0x190]  }
0x213: {  	s4 =	simm.s32 $0x40;
	[tilespmem:v5+s23+$0x0] =	vst.idx.add.s32.msk $0xffff, v1;
	s1 =	sor.u32 $0x380, s0;
	s0 =	simm.s32 $0x100  }
.LBB2_12:
0x214: {  	s6 =	sand.u32 $0x60, s4;
	v5 =	vld [tilespmem:s30+$0x180];
	s31 =	sadd.s32 $0x100, s31  }
0x215: {  	s2 =	sadd.s32 $0x2, s2;
	s5 =	sor.u32 $0x380, s5;
	s7 =	sand.u32 $0x7C00, s31;
	[tilespmem:v3+s23+$0x0] =	vst.idx.add.s32.msk $0xffff, v1  }
0x216: {  	p0 =	slt.u32 s2, $0xFE;
	s6 =	sor.u32 s6, s7;
	v3 =	vld [tilespmem:s5+$0x0]  }
0x217: {  	v6 =	vld [tilespmem:s6+$0x10]  }
0x218: {  	v7 =	vld [tilespmem:s6+$0x0]  }
0x219: {  	[tilespmem:v2+s23+$0x0] =	vst.idx.add.s32.msk $0xffff, v1  }
0x21a: {  	[tilespmem:v4+s24+$0x0] =	vst.idx.add.s32.msk $0xffff, v1  }
0x21b: {  	v2 =	vld [tilespmem:s30+$0x210]  }
0x21c: {  	[tilespmem:v5+s24+$0x0] =	vst.idx.add.s32.msk $0xffff, v1  }
0x21d: {  	v4 =	vld [tilespmem:s30+$0x200]  }
0x21e: {  	[tilespmem:v3+s24+$0x0] =	vst.idx.add.s32.msk $0xffff, v1  }
0x21f: {  	[tilespmem:v6+s23+$0x0] =	vst.idx.add.s32.msk $0xffff, v1  }
0x220: {  	v3 =	vld [tilespmem:s6+$0x90]  }
0x221: {  	[tilespmem:v7+s23+$0x0] =	vst.idx.add.s32.msk $0xffff, v1  }
0x222: {  	v5 =	vld [tilespmem:s6+$0x80]  }
0x223: {  	[tilespmem:v2+s23+$0x0] =	vst.idx.add.s32.msk $0xffff, v1  }
0x224: {  	v2 =	vld [tilespmem:s30+$0x290]  }
0x225: {  	[tilespmem:v4+s23+$0x0] =	vst.idx.add.s32.msk $0xffff, v1  }
0x226: {  	v4 =	vld [tilespmem:s30+$0x280];
	s30 =	smov.u32 s6  }
0x227: {  	s29 =	sadd.s32 $0x1, s29;
	v6 =	vld [tilespmem:s1+$0x0]  }
0x228: {  	s1 =	sand.u32 $0x3, s29;
	[tilespmem:v3+s24+$0x0] =	vst.idx.add.s32.msk $0xffff, v1  }
0x229: {  	s1 =	sshll.u32 s1, $0x5;
	v7 =	vld [tilespmem:s30+$0x110]  }
0x22a: {  	s5 =	sadd.s32 s1, s0;
	s0 =	smov.u32 s31;
	[tilespmem:v5+s24+$0x0] =	vst.idx.add.s32.msk $0xffff, v1  }
0x22b: {  	s6 =	sor.u32 $0x300, s5;
	s1 =	sor.u32 $0x380, s5;
	s5 =	sadd.s32 $0x10, s5;
	v5 =	vld [tilespmem:s30+$0x100]  }
0x22c: {  	s7 =	sor.u32 $0x300, s5;
	[tilespmem:v2+s24+$0x0] =	vst.idx.add.s32.msk $0xffff, v1  }
0x22d: {  	v3 =	vld [tilespmem:s7+$0x0]  }
0x22e: {  	[tilespmem:v4+s24+$0x0] =	vst.idx.add.s32.msk $0xffff, v1  }
.Ltmp5:
0x22f: {  	v2 =	vld [tilespmem:s6+$0x0];
	(pc) =	sbr.rel @p0 .LBB2_12-.Ltmp5, $4  }
0x230: {  	[tilespmem:v6+s24+$0x0] =	vst.idx.add.s32.msk $0xffff, v1  }
0x231: {  	[tilespmem:v7+s23+$0x0] =	vst.idx.add.s32.msk $0xffff, v1  }
0x232: {  	v4 =	vld [tilespmem:s30+$0x190]  }
0x233: {  	s4 =	sadd.s32 $0x20, s4;
	[tilespmem:v5+s23+$0x0] =	vst.idx.add.s32.msk $0xffff, v1  }
0x234: {  	_ = 	snop  }
0x235: {  	v5 =	vld [tilespmem:s30+$0x180];
	_ =	sdelay $0x5  }
0x236: {  	[tilespmem:v4+s24+$0x0] =	vst.idx.add.s32.msk $0xffff, v1  }
0x237: {  	v4 =	vld [tilespmem:s30+$0x210]  }
0x238: {  	[tilespmem:v5+s24+$0x0] =	vst.idx.add.s32.msk $0xffff, v1  }
0x239: {  	v5 =	vld [tilespmem:s30+$0x200];
	_ =	sdelay $0x5  }
0x23a: {  	[tilespmem:v4+s23+$0x0] =	vst.idx.add.s32.msk $0xffff, v1  }
0x23b: {  	v4 =	vld [tilespmem:s30+$0x290]  }
0x23c: {  	[tilespmem:v5+s23+$0x0] =	vst.idx.add.s32.msk $0xffff, v1  }
0x23d: {  	v5 =	vld [tilespmem:s30+$0x280]  }
0x23e: {  	s2 =	sadd.s32 $0x1, s29  }
0x23f: {  	s2 =	sand.u32 $0x3, s2  }
0x240: {  	s2 =	sshll.u32 s2, $0x5  }
0x241: {  	s0 =	sadd.s32 s2, s0  }
0x242: {  	s2 =	sadd.s32 $0x10, s0  }
0x243: {  	s4 =	sor.u32 $0x300, s2;
	[tilespmem:v4+s24+$0x0] =	vst.idx.add.s32.msk $0xffff, v1  }
0x244: {  	v4 =	vld [tilespmem:s4+$0x0]  }
0x245: {  	s6 =	sor.u32 $0x300, s0;
	[tilespmem:v5+s24+$0x0] =	vst.idx.add.s32.msk $0xffff, v1  }
0x246: {  	v5 =	vld [tilespmem:s6+$0x0];
	_ =	sdelay $0x1  }
0x247: {  	[tilespmem:v3+s23+$0x0] =	vst.idx.add.s32.msk $0xffff, v1  }
0x248: {  	s7 =	sor.u32 $0x380, s5;
	[tilespmem:v2+s23+$0x0] =	vst.idx.add.s32.msk $0xffff, v1  }
0x249: {  	v3 =	vld [tilespmem:s7+$0x0]  }
0x24a: {  	v2 =	vld [tilespmem:s1+$0x0]  }
0x24b: {  	s5 =	sor.u32 $0x380, s2;
	[tilespmem:v4+s23+$0x0] =	vst.idx.add.s32.msk $0xffff, v1  }
0x24c: {  	v4 =	vld [tilespmem:s5+$0x0]  }
0x24d: {  	s0 =	sor.u32 $0x380, s0;
	[tilespmem:v5+s23+$0x0] =	vst.idx.add.s32.msk $0xffff, v1  }
0x24e: {  	v5 =	vld [tilespmem:s0+$0x0];
	_ =	sdelay $0x4  }
0x24f: {  	[tilespmem:v3+s24+$0x0] =	vst.idx.add.s32.msk $0xffff, v1  }
0x250: {  	[tilespmem:v2+s24+$0x0] =	vst.idx.add.s32.msk $0xffff, v1  }
0x251: {  	[tilespmem:v4+s24+$0x0] =	vst.idx.add.s32.msk $0xffff, v1  }
0x252: {  	s29 =	simm.s32 $0x0;
	[tilespmem:v5+s24+$0x0] =	vst.idx.add.s32.msk $0xffff, v1  }
0x253: {  	[tilespmem:s29], [sflag:$0x1] =	stream.linear.gather [hbm4b:s9+s29], $0x8000, $0x38;
	[tilespmem:$0x1A000] =	vst v63  }
0x254: {  	_ =	swait.ge [sflag:s25], $0x8000  }
0x255: {  	s7 =	sand.u32 $0x7C00, s29;
	s6 =	sand.u32 $0x60, s29;
	[sflag:s25] =	ssyncset.done $0x0  }
0x256: {  	s0 =	sor.u32 s6, s7;
	[sflag:s25] =	ssyncadd.s32 $0xFFFF8000  }
0x257: {  	v2 =	vld [tilespmem:s0+$0x8010];
	_ =	sdelay $0x3  }
0x258: {  	v3 =	vld [tilespmem:s0+$0x8000];
	_ =	sdelay $0x3  }
0x259: {  	[tilespmem:v2+s23+$0x0] =	vst.idx.add.s32.msk $0xffff, v1  }
0x25a: {  	v2 =	vld [tilespmem:s0+$0x8090];
	_ =	sdelay $0x2  }
0x25b: {  	[tilespmem:v3+s23+$0x0] =	vst.idx.add.s32.msk $0xffff, v1  }
0x25c: {  	v3 =	vld [tilespmem:s0+$0x8080];
	_ =	sdelay $0x3  }
0x25d: {  	[tilespmem:v2+s24+$0x0] =	vst.idx.add.s32.msk $0xffff, v1  }
0x25e: {  	v2 =	vld [tilespmem:s0+$0x8110];
	_ =	sdelay $0x2  }
0x25f: {  	[tilespmem:v3+s24+$0x0] =	vst.idx.add.s32.msk $0xffff, v1  }
0x260: {  	v3 =	vld [tilespmem:s0+$0x8100];
	_ =	sdelay $0x3  }
0x261: {  	s31 =	simm.s32 $0x100;
	s2 =	simm.s32 $0x20;
	[tilespmem:v2+s23+$0x0] =	vst.idx.add.s32.msk $0xffff, v1  }
0x262: {  	s1 =	sand.u32 $0x60, s2;
	s4 =	sand.u32 $0x7C00, s31;
	v2 =	vld [tilespmem:s0+$0x8190]  }
0x263: {  	s30 =	sor.u32 s1, s4  }
0x264: {  	v4 =	vld [tilespmem:s30+$0x8010]  }
0x265: {  	[tilespmem:v3+s23+$0x0] =	vst.idx.add.s32.msk $0xffff, v1  }
0x266: {  	v3 =	vld [tilespmem:s0+$0x8180];
	_ =	sdelay $0x2  }
0x267: {  	v5 =	vld [tilespmem:s30+$0x8000]  }
0x268: {  	[tilespmem:v2+s24+$0x0] =	vst.idx.add.s32.msk $0xffff, v1  }
0x269: {  	v2 =	vld [tilespmem:s0+$0x8210]  }
0x26a: {  	[tilespmem:v4+s23+$0x0] =	vst.idx.add.s32.msk $0xffff, v1  }
0x26b: {  	v4 =	vld [tilespmem:s30+$0x8090]  }
0x26c: {  	[tilespmem:v3+s24+$0x0] =	vst.idx.add.s32.msk $0xffff, v1  }
0x26d: {  	v3 =	vld [tilespmem:s0+$0x8200];
	_ =	sdelay $0x1  }
0x26e: {  	[tilespmem:v5+s23+$0x0] =	vst.idx.add.s32.msk $0xffff, v1  }
0x26f: {  	v5 =	vld [tilespmem:s30+$0x8080]  }
0x270: {  	[tilespmem:v2+s23+$0x0] =	vst.idx.add.s32.msk $0xffff, v1  }
0x271: {  	v2 =	vld [tilespmem:s0+$0x8290]  }
0x272: {  	[tilespmem:v4+s24+$0x0] =	vst.idx.add.s32.msk $0xffff, v1  }
0x273: {  	v4 =	vld [tilespmem:s30+$0x8110]  }
0x274: {  	[tilespmem:v3+s23+$0x0] =	vst.idx.add.s32.msk $0xffff, v1  }
0x275: {  	s5 =	sand.u32 $0x3, s29;
	v6 =	vld [tilespmem:s0+$0x8280]  }
0x276: {  	s0 =	sshll.u32 s5, $0x5  }
0x277: {  	[tilespmem:v5+s24+$0x0] =	vst.idx.add.s32.msk $0xffff, v1;
	s0 =	sadd.s32 $0x0, s0  }
0x278: {  	v5 =	vld [tilespmem:s30+$0x8100];
	s5 =	sadd.s32 $0x10, s0  }
0x279: {  	s6 =	sor.u32 $0x300, s5;
	[tilespmem:v2+s24+$0x0] =	vst.idx.add.s32.msk $0xffff, v1  }
0x27a: {  	v3 =	vld [tilespmem:s6+$0x8000];
	_ =	sdelay $0x1  }
0x27b: {  	[tilespmem:v4+s23+$0x0] =	vst.idx.add.s32.msk $0xffff, v1  }
0x27c: {  	s7 =	sor.u32 $0x300, s0;
	[tilespmem:v6+s24+$0x0] =	vst.idx.add.s32.msk $0xffff, v1  }
0x27d: {  	v2 =	vld [tilespmem:s7+$0x8000]  }
0x27e: {  	s2 =	simm.s32 $0x2;
	v4 =	vld [tilespmem:s30+$0x8190]  }
0x27f: {  	s4 =	simm.s32 $0x40;
	[tilespmem:v5+s23+$0x0] =	vst.idx.add.s32.msk $0xffff, v1;
	s1 =	sor.u32 $0x380, s0;
	s0 =	simm.s32 $0x100  }
.LBB2_14:
0x280: {  	s6 =	sand.u32 $0x60, s4;
	v5 =	vld [tilespmem:s30+$0x8180];
	s31 =	sadd.s32 $0x100, s31  }
0x281: {  	s2 =	sadd.s32 $0x2, s2;
	s5 =	sor.u32 $0x380, s5;
	s7 =	sand.u32 $0x7C00, s31;
	[tilespmem:v3+s23+$0x0] =	vst.idx.add.s32.msk $0xffff, v1  }
0x282: {  	p0 =	slt.u32 s2, $0xFE;
	s6 =	sor.u32 s6, s7;
	v3 =	vld [tilespmem:s5+$0x8000]  }
0x283: {  	v6 =	vld [tilespmem:s6+$0x8010]  }
0x284: {  	v7 =	vld [tilespmem:s6+$0x8000]  }
0x285: {  	[tilespmem:v2+s23+$0x0] =	vst.idx.add.s32.msk $0xffff, v1  }
0x286: {  	[tilespmem:v4+s24+$0x0] =	vst.idx.add.s32.msk $0xffff, v1  }
0x287: {  	v2 =	vld [tilespmem:s30+$0x8210]  }
0x288: {  	[tilespmem:v5+s24+$0x0] =	vst.idx.add.s32.msk $0xffff, v1  }
0x289: {  	v4 =	vld [tilespmem:s30+$0x8200]  }
0x28a: {  	[tilespmem:v3+s24+$0x0] =	vst.idx.add.s32.msk $0xffff, v1  }
0x28b: {  	[tilespmem:v6+s23+$0x0] =	vst.idx.add.s32.msk $0xffff, v1  }
0x28c: {  	v3 =	vld [tilespmem:s6+$0x8090]  }
0x28d: {  	[tilespmem:v7+s23+$0x0] =	vst.idx.add.s32.msk $0xffff, v1  }
0x28e: {  	v5 =	vld [tilespmem:s6+$0x8080]  }
0x28f: {  	[tilespmem:v2+s23+$0x0] =	vst.idx.add.s32.msk $0xffff, v1  }
0x290: {  	v2 =	vld [tilespmem:s30+$0x8290]  }
0x291: {  	[tilespmem:v4+s23+$0x0] =	vst.idx.add.s32.msk $0xffff, v1  }
0x292: {  	v4 =	vld [tilespmem:s30+$0x8280];
	s30 =	smov.u32 s6  }
0x293: {  	s29 =	sadd.s32 $0x1, s29;
	v6 =	vld [tilespmem:s1+$0x8000]  }
0x294: {  	s1 =	sand.u32 $0x3, s29;
	[tilespmem:v3+s24+$0x0] =	vst.idx.add.s32.msk $0xffff, v1  }
0x295: {  	s1 =	sshll.u32 s1, $0x5;
	v7 =	vld [tilespmem:s30+$0x8110]  }
0x296: {  	s5 =	sadd.s32 s1, s0;
	s0 =	smov.u32 s31;
	[tilespmem:v5+s24+$0x0] =	vst.idx.add.s32.msk $0xffff, v1  }
0x297: {  	s6 =	sor.u32 $0x300, s5;
	s1 =	sor.u32 $0x380, s5;
	s5 =	sadd.s32 $0x10, s5;
	v5 =	vld [tilespmem:s30+$0x8100]  }
0x298: {  	s7 =	sor.u32 $0x300, s5;
	[tilespmem:v2+s24+$0x0] =	vst.idx.add.s32.msk $0xffff, v1  }
0x299: {  	v3 =	vld [tilespmem:s7+$0x8000]  }
0x29a: {  	[tilespmem:v4+s24+$0x0] =	vst.idx.add.s32.msk $0xffff, v1  }
.Ltmp6:
0x29b: {  	v2 =	vld [tilespmem:s6+$0x8000];
	(pc) =	sbr.rel @p0 .LBB2_14-.Ltmp6, $4  }
0x29c: {  	[tilespmem:v6+s24+$0x0] =	vst.idx.add.s32.msk $0xffff, v1  }
0x29d: {  	[tilespmem:v7+s23+$0x0] =	vst.idx.add.s32.msk $0xffff, v1  }
0x29e: {  	v4 =	vld [tilespmem:s30+$0x8190]  }
0x29f: {  	s4 =	sadd.s32 $0x20, s4;
	[tilespmem:v5+s23+$0x0] =	vst.idx.add.s32.msk $0xffff, v1  }
0x2a0: {  	_ = 	snop  }
0x2a1: {  	v5 =	vld [tilespmem:s30+$0x8180];
	_ =	sdelay $0x5  }
0x2a2: {  	[tilespmem:v4+s24+$0x0] =	vst.idx.add.s32.msk $0xffff, v1  }
0x2a3: {  	v4 =	vld [tilespmem:s30+$0x8210]  }
0x2a4: {  	[tilespmem:v5+s24+$0x0] =	vst.idx.add.s32.msk $0xffff, v1  }
0x2a5: {  	v5 =	vld [tilespmem:s30+$0x8200];
	_ =	sdelay $0x5  }
0x2a6: {  	[tilespmem:v4+s23+$0x0] =	vst.idx.add.s32.msk $0xffff, v1  }
0x2a7: {  	v4 =	vld [tilespmem:s30+$0x8290]  }
0x2a8: {  	[tilespmem:v5+s23+$0x0] =	vst.idx.add.s32.msk $0xffff, v1  }
0x2a9: {  	v5 =	vld [tilespmem:s30+$0x8280]  }
0x2aa: {  	s2 =	sadd.s32 $0x1, s29  }
0x2ab: {  	s2 =	sand.u32 $0x3, s2  }
0x2ac: {  	s2 =	sshll.u32 s2, $0x5  }
0x2ad: {  	s0 =	sadd.s32 s2, s0  }
0x2ae: {  	s2 =	sadd.s32 $0x10, s0  }
0x2af: {  	s4 =	sor.u32 $0x300, s2;
	[tilespmem:v4+s24+$0x0] =	vst.idx.add.s32.msk $0xffff, v1  }
0x2b0: {  	v4 =	vld [tilespmem:s4+$0x8000]  }
0x2b1: {  	s6 =	sor.u32 $0x300, s0;
	[tilespmem:v5+s24+$0x0] =	vst.idx.add.s32.msk $0xffff, v1  }
0x2b2: {  	v5 =	vld [tilespmem:s6+$0x8000];
	_ =	sdelay $0x1  }
0x2b3: {  	[tilespmem:v3+s23+$0x0] =	vst.idx.add.s32.msk $0xffff, v1  }
0x2b4: {  	s7 =	sor.u32 $0x380, s5;
	[tilespmem:v2+s23+$0x0] =	vst.idx.add.s32.msk $0xffff, v1  }
0x2b5: {  	v3 =	vld [tilespmem:s7+$0x8000]  }
0x2b6: {  	v2 =	vld [tilespmem:s1+$0x8000]  }
0x2b7: {  	s5 =	sor.u32 $0x380, s2;
	[tilespmem:v4+s23+$0x0] =	vst.idx.add.s32.msk $0xffff, v1  }
0x2b8: {  	v4 =	vld [tilespmem:s5+$0x8000]  }
0x2b9: {  	s0 =	sor.u32 $0x380, s0;
	[tilespmem:v5+s23+$0x0] =	vst.idx.add.s32.msk $0xffff, v1  }
0x2ba: {  	v5 =	vld [tilespmem:s0+$0x8000];
	_ =	sdelay $0x4  }
0x2bb: {  	[tilespmem:v3+s24+$0x0] =	vst.idx.add.s32.msk $0xffff, v1  }
0x2bc: {  	[tilespmem:v2+s24+$0x0] =	vst.idx.add.s32.msk $0xffff, v1  }
0x2bd: {  	[tilespmem:v4+s24+$0x0] =	vst.idx.add.s32.msk $0xffff, v1  }
0x2be: {  	s29 =	simm.s32 $0x0;
	[tilespmem:v5+s24+$0x0] =	vst.idx.add.s32.msk $0xffff, v1  }
0x2bf: {  	[tilespmem:s21], [sflag:$0x2] =	stream.linear.gather [hbm4b:s10+s29], $0x8000, $0x38;
	[tilespmem:$0x1A000] =	vst v63  }
0x2c0: {  	_ =	swait.ge [sflag:s22], $0x8000  }
0x2c1: {  	s7 =	sand.u32 $0x7C00, s29;
	s6 =	sand.u32 $0x60, s29;
	[sflag:s22] =	ssyncset.done $0x0  }
0x2c2: {  	s0 =	sor.u32 s6, s7;
	[sflag:s22] =	ssyncadd.s32 $0xFFFF8000  }
0x2c3: {  	v2 =	vld [tilespmem:s0+$0x10];
	_ =	sdelay $0x3  }
0x2c4: {  	v3 =	vld [tilespmem:s0+$0x0];
	_ =	sdelay $0x3  }
0x2c5: {  	[tilespmem:v2+s23+$0x0] =	vst.idx.add.s32.msk $0xffff, v1  }
0x2c6: {  	v2 =	vld [tilespmem:s0+$0x90];
	_ =	sdelay $0x2  }
0x2c7: {  	[tilespmem:v3+s23+$0x0] =	vst.idx.add.s32.msk $0xffff, v1  }
0x2c8: {  	v3 =	vld [tilespmem:s0+$0x80];
	_ =	sdelay $0x3  }
0x2c9: {  	[tilespmem:v2+s24+$0x0] =	vst.idx.add.s32.msk $0xffff, v1  }
0x2ca: {  	v2 =	vld [tilespmem:s0+$0x110];
	_ =	sdelay $0x2  }
0x2cb: {  	[tilespmem:v3+s24+$0x0] =	vst.idx.add.s32.msk $0xffff, v1  }
0x2cc: {  	v3 =	vld [tilespmem:s0+$0x100];
	_ =	sdelay $0x3  }
0x2cd: {  	s31 =	simm.s32 $0x100;
	s2 =	simm.s32 $0x20;
	[tilespmem:v2+s23+$0x0] =	vst.idx.add.s32.msk $0xffff, v1  }
0x2ce: {  	s1 =	sand.u32 $0x60, s2;
	s4 =	sand.u32 $0x7C00, s31;
	v2 =	vld [tilespmem:s0+$0x190]  }
0x2cf: {  	s30 =	sor.u32 s1, s4  }
0x2d0: {  	v4 =	vld [tilespmem:s30+$0x10]  }
0x2d1: {  	[tilespmem:v3+s23+$0x0] =	vst.idx.add.s32.msk $0xffff, v1  }
0x2d2: {  	v3 =	vld [tilespmem:s0+$0x180];
	_ =	sdelay $0x2  }
0x2d3: {  	v5 =	vld [tilespmem:s30+$0x0]  }
0x2d4: {  	[tilespmem:v2+s24+$0x0] =	vst.idx.add.s32.msk $0xffff, v1  }
0x2d5: {  	v2 =	vld [tilespmem:s0+$0x210]  }
0x2d6: {  	[tilespmem:v4+s23+$0x0] =	vst.idx.add.s32.msk $0xffff, v1  }
0x2d7: {  	v4 =	vld [tilespmem:s30+$0x90]  }
0x2d8: {  	[tilespmem:v3+s24+$0x0] =	vst.idx.add.s32.msk $0xffff, v1  }
0x2d9: {  	v3 =	vld [tilespmem:s0+$0x200];
	_ =	sdelay $0x1  }
0x2da: {  	[tilespmem:v5+s23+$0x0] =	vst.idx.add.s32.msk $0xffff, v1  }
0x2db: {  	v5 =	vld [tilespmem:s30+$0x80]  }
0x2dc: {  	[tilespmem:v2+s23+$0x0] =	vst.idx.add.s32.msk $0xffff, v1  }
0x2dd: {  	v2 =	vld [tilespmem:s0+$0x290]  }
0x2de: {  	[tilespmem:v4+s24+$0x0] =	vst.idx.add.s32.msk $0xffff, v1  }
0x2df: {  	v4 =	vld [tilespmem:s30+$0x110]  }
0x2e0: {  	[tilespmem:v3+s23+$0x0] =	vst.idx.add.s32.msk $0xffff, v1  }
0x2e1: {  	s5 =	sand.u32 $0x3, s29;
	v6 =	vld [tilespmem:s0+$0x280]  }
0x2e2: {  	s0 =	sshll.u32 s5, $0x5  }
0x2e3: {  	[tilespmem:v5+s24+$0x0] =	vst.idx.add.s32.msk $0xffff, v1;
	s0 =	sadd.s32 $0x0, s0  }
0x2e4: {  	v5 =	vld [tilespmem:s30+$0x100];
	s5 =	sadd.s32 $0x10, s0  }
0x2e5: {  	s6 =	sor.u32 $0x300, s5;
	[tilespmem:v2+s24+$0x0] =	vst.idx.add.s32.msk $0xffff, v1  }
0x2e6: {  	v3 =	vld [tilespmem:s6+$0x0];
	_ =	sdelay $0x1  }
0x2e7: {  	[tilespmem:v4+s23+$0x0] =	vst.idx.add.s32.msk $0xffff, v1  }
0x2e8: {  	s7 =	sor.u32 $0x300, s0;
	[tilespmem:v6+s24+$0x0] =	vst.idx.add.s32.msk $0xffff, v1  }
0x2e9: {  	v2 =	vld [tilespmem:s7+$0x0]  }
0x2ea: {  	s2 =	simm.s32 $0x2;
	v4 =	vld [tilespmem:s30+$0x190]  }
0x2eb: {  	s4 =	simm.s32 $0x40;
	[tilespmem:v5+s23+$0x0] =	vst.idx.add.s32.msk $0xffff, v1;
	s1 =	sor.u32 $0x380, s0;
	s0 =	simm.s32 $0x100  }
.LBB2_16:
0x2ec: {  	s6 =	sand.u32 $0x60, s4;
	v5 =	vld [tilespmem:s30+$0x180];
	s31 =	sadd.s32 $0x100, s31  }
0x2ed: {  	s2 =	sadd.s32 $0x2, s2;
	s5 =	sor.u32 $0x380, s5;
	s7 =	sand.u32 $0x7C00, s31;
	[tilespmem:v3+s23+$0x0] =	vst.idx.add.s32.msk $0xffff, v1  }
0x2ee: {  	p0 =	slt.u32 s2, $0xFE;
	s6 =	sor.u32 s6, s7;
	v3 =	vld [tilespmem:s5+$0x0]  }
0x2ef: {  	v6 =	vld [tilespmem:s6+$0x10]  }
0x2f0: {  	v7 =	vld [tilespmem:s6+$0x0]  }
0x2f1: {  	[tilespmem:v2+s23+$0x0] =	vst.idx.add.s32.msk $0xffff, v1  }
0x2f2: {  	[tilespmem:v4+s24+$0x0] =	vst.idx.add.s32.msk $0xffff, v1  }
0x2f3: {  	v2 =	vld [tilespmem:s30+$0x210]  }
0x2f4: {  	[tilespmem:v5+s24+$0x0] =	vst.idx.add.s32.msk $0xffff, v1  }
0x2f5: {  	v4 =	vld [tilespmem:s30+$0x200]  }
0x2f6: {  	[tilespmem:v3+s24+$0x0] =	vst.idx.add.s32.msk $0xffff, v1  }
0x2f7: {  	[tilespmem:v6+s23+$0x0] =	vst.idx.add.s32.msk $0xffff, v1  }
0x2f8: {  	v3 =	vld [tilespmem:s6+$0x90]  }
0x2f9: {  	[tilespmem:v7+s23+$0x0] =	vst.idx.add.s32.msk $0xffff, v1  }
0x2fa: {  	v5 =	vld [tilespmem:s6+$0x80]  }
0x2fb: {  	[tilespmem:v2+s23+$0x0] =	vst.idx.add.s32.msk $0xffff, v1  }
0x2fc: {  	v2 =	vld [tilespmem:s30+$0x290]  }
0x2fd: {  	[tilespmem:v4+s23+$0x0] =	vst.idx.add.s32.msk $0xffff, v1  }
0x2fe: {  	v4 =	vld [tilespmem:s30+$0x280];
	s30 =	smov.u32 s6  }
0x2ff: {  	s29 =	sadd.s32 $0x1, s29;
	v6 =	vld [tilespmem:s1+$0x0]  }
0x300: {  	s1 =	sand.u32 $0x3, s29;
	[tilespmem:v3+s24+$0x0] =	vst.idx.add.s32.msk $0xffff, v1  }
0x301: {  	s1 =	sshll.u32 s1, $0x5;
	v7 =	vld [tilespmem:s30+$0x110]  }
0x302: {  	s5 =	sadd.s32 s1, s0;
	s0 =	smov.u32 s31;
	[tilespmem:v5+s24+$0x0] =	vst.idx.add.s32.msk $0xffff, v1  }
0x303: {  	s6 =	sor.u32 $0x300, s5;
	s1 =	sor.u32 $0x380, s5;
	s5 =	sadd.s32 $0x10, s5;
	v5 =	vld [tilespmem:s30+$0x100]  }
0x304: {  	s7 =	sor.u32 $0x300, s5;
	[tilespmem:v2+s24+$0x0] =	vst.idx.add.s32.msk $0xffff, v1  }
0x305: {  	v3 =	vld [tilespmem:s7+$0x0]  }
0x306: {  	[tilespmem:v4+s24+$0x0] =	vst.idx.add.s32.msk $0xffff, v1  }
.Ltmp7:
0x307: {  	v2 =	vld [tilespmem:s6+$0x0];
	(pc) =	sbr.rel @p0 .LBB2_16-.Ltmp7, $4  }
0x308: {  	[tilespmem:v6+s24+$0x0] =	vst.idx.add.s32.msk $0xffff, v1  }
0x309: {  	[tilespmem:v7+s23+$0x0] =	vst.idx.add.s32.msk $0xffff, v1  }
0x30a: {  	v4 =	vld [tilespmem:s30+$0x190]  }
0x30b: {  	s4 =	sadd.s32 $0x20, s4;
	[tilespmem:v5+s23+$0x0] =	vst.idx.add.s32.msk $0xffff, v1  }
0x30c: {  	_ = 	snop  }
0x30d: {  	v5 =	vld [tilespmem:s30+$0x180];
	_ =	sdelay $0x5  }
0x30e: {  	[tilespmem:v4+s24+$0x0] =	vst.idx.add.s32.msk $0xffff, v1  }
0x30f: {  	v4 =	vld [tilespmem:s30+$0x210]  }
0x310: {  	[tilespmem:v5+s24+$0x0] =	vst.idx.add.s32.msk $0xffff, v1  }
0x311: {  	v5 =	vld [tilespmem:s30+$0x200];
	_ =	sdelay $0x5  }
0x312: {  	[tilespmem:v4+s23+$0x0] =	vst.idx.add.s32.msk $0xffff, v1  }
0x313: {  	v4 =	vld [tilespmem:s30+$0x290]  }
0x314: {  	[tilespmem:v5+s23+$0x0] =	vst.idx.add.s32.msk $0xffff, v1  }
0x315: {  	v5 =	vld [tilespmem:s30+$0x280]  }
0x316: {  	s2 =	sadd.s32 $0x1, s29  }
0x317: {  	s2 =	sand.u32 $0x3, s2  }
0x318: {  	s2 =	sshll.u32 s2, $0x5  }
0x319: {  	s0 =	sadd.s32 s2, s0  }
0x31a: {  	s2 =	sadd.s32 $0x10, s0  }
0x31b: {  	s4 =	sor.u32 $0x300, s2;
	[tilespmem:v4+s24+$0x0] =	vst.idx.add.s32.msk $0xffff, v1  }
0x31c: {  	v4 =	vld [tilespmem:s4+$0x0]  }
0x31d: {  	s6 =	sor.u32 $0x300, s0;
	[tilespmem:v5+s24+$0x0] =	vst.idx.add.s32.msk $0xffff, v1  }
0x31e: {  	v5 =	vld [tilespmem:s6+$0x0];
	_ =	sdelay $0x1  }
0x31f: {  	[tilespmem:v3+s23+$0x0] =	vst.idx.add.s32.msk $0xffff, v1  }
0x320: {  	s7 =	sor.u32 $0x380, s5;
	[tilespmem:v2+s23+$0x0] =	vst.idx.add.s32.msk $0xffff, v1  }
0x321: {  	v3 =	vld [tilespmem:s7+$0x0]  }
0x322: {  	v2 =	vld [tilespmem:s1+$0x0]  }
0x323: {  	s5 =	sor.u32 $0x380, s2;
	[tilespmem:v4+s23+$0x0] =	vst.idx.add.s32.msk $0xffff, v1  }
0x324: {  	v4 =	vld [tilespmem:s5+$0x0]  }
0x325: {  	s0 =	sor.u32 $0x380, s0;
	[tilespmem:v5+s23+$0x0] =	vst.idx.add.s32.msk $0xffff, v1  }
0x326: {  	v5 =	vld [tilespmem:s0+$0x0];
	_ =	sdelay $0x4  }
0x327: {  	[tilespmem:v3+s24+$0x0] =	vst.idx.add.s32.msk $0xffff, v1  }
0x328: {  	[tilespmem:v2+s24+$0x0] =	vst.idx.add.s32.msk $0xffff, v1  }
0x329: {  	[tilespmem:v4+s24+$0x0] =	vst.idx.add.s32.msk $0xffff, v1  }
0x32a: {  	s29 =	simm.s32 $0x0;
	[tilespmem:v5+s24+$0x0] =	vst.idx.add.s32.msk $0xffff, v1  }
0x32b: {  	[tilespmem:s29], [sflag:$0x1] =	stream.linear.gather [hbm4b:s11+s29], $0x8000, $0x38;
	[tilespmem:$0x1A000] =	vst v63  }
0x32c: {  	_ =	swait.ge [sflag:s25], $0x8000  }
0x32d: {  	s7 =	sand.u32 $0x7C00, s29;
	s6 =	sand.u32 $0x60, s29;
	[sflag:s25] =	ssyncset.done $0x0  }
0x32e: {  	s0 =	sor.u32 s6, s7;
	[sflag:s25] =	ssyncadd.s32 $0xFFFF8000  }
0x32f: {  	v2 =	vld [tilespmem:s0+$0x8010];
	_ =	sdelay $0x3  }
0x330: {  	v3 =	vld [tilespmem:s0+$0x8000];
	_ =	sdelay $0x3  }
0x331: {  	[tilespmem:v2+s23+$0x0] =	vst.idx.add.s32.msk $0xffff, v1  }
0x332: {  	v2 =	vld [tilespmem:s0+$0x8090];
	_ =	sdelay $0x2  }
0x333: {  	[tilespmem:v3+s23+$0x0] =	vst.idx.add.s32.msk $0xffff, v1  }
0x334: {  	v3 =	vld [tilespmem:s0+$0x8080];
	_ =	sdelay $0x3  }
0x335: {  	[tilespmem:v2+s24+$0x0] =	vst.idx.add.s32.msk $0xffff, v1  }
0x336: {  	v2 =	vld [tilespmem:s0+$0x8110];
	_ =	sdelay $0x2  }
0x337: {  	[tilespmem:v3+s24+$0x0] =	vst.idx.add.s32.msk $0xffff, v1  }
0x338: {  	v3 =	vld [tilespmem:s0+$0x8100];
	_ =	sdelay $0x3  }
0x339: {  	s31 =	simm.s32 $0x100;
	s2 =	simm.s32 $0x20;
	[tilespmem:v2+s23+$0x0] =	vst.idx.add.s32.msk $0xffff, v1  }
0x33a: {  	s1 =	sand.u32 $0x60, s2;
	s4 =	sand.u32 $0x7C00, s31;
	v2 =	vld [tilespmem:s0+$0x8190]  }
0x33b: {  	s30 =	sor.u32 s1, s4  }
0x33c: {  	v4 =	vld [tilespmem:s30+$0x8010]  }
0x33d: {  	[tilespmem:v3+s23+$0x0] =	vst.idx.add.s32.msk $0xffff, v1  }
0x33e: {  	v3 =	vld [tilespmem:s0+$0x8180];
	_ =	sdelay $0x2  }
0x33f: {  	v5 =	vld [tilespmem:s30+$0x8000]  }
0x340: {  	[tilespmem:v2+s24+$0x0] =	vst.idx.add.s32.msk $0xffff, v1  }
0x341: {  	v2 =	vld [tilespmem:s0+$0x8210]  }
0x342: {  	[tilespmem:v4+s23+$0x0] =	vst.idx.add.s32.msk $0xffff, v1  }
0x343: {  	v4 =	vld [tilespmem:s30+$0x8090]  }
0x344: {  	[tilespmem:v3+s24+$0x0] =	vst.idx.add.s32.msk $0xffff, v1  }
0x345: {  	v3 =	vld [tilespmem:s0+$0x8200];
	_ =	sdelay $0x1  }
0x346: {  	[tilespmem:v5+s23+$0x0] =	vst.idx.add.s32.msk $0xffff, v1  }
0x347: {  	v5 =	vld [tilespmem:s30+$0x8080]  }
0x348: {  	[tilespmem:v2+s23+$0x0] =	vst.idx.add.s32.msk $0xffff, v1  }
0x349: {  	v2 =	vld [tilespmem:s0+$0x8290]  }
0x34a: {  	[tilespmem:v4+s24+$0x0] =	vst.idx.add.s32.msk $0xffff, v1  }
0x34b: {  	v4 =	vld [tilespmem:s30+$0x8110]  }
0x34c: {  	[tilespmem:v3+s23+$0x0] =	vst.idx.add.s32.msk $0xffff, v1  }
0x34d: {  	s5 =	sand.u32 $0x3, s29;
	v6 =	vld [tilespmem:s0+$0x8280]  }
0x34e: {  	s0 =	sshll.u32 s5, $0x5  }
0x34f: {  	[tilespmem:v5+s24+$0x0] =	vst.idx.add.s32.msk $0xffff, v1;
	s0 =	sadd.s32 $0x0, s0  }
0x350: {  	v5 =	vld [tilespmem:s30+$0x8100];
	s5 =	sadd.s32 $0x10, s0  }
0x351: {  	s6 =	sor.u32 $0x300, s5;
	[tilespmem:v2+s24+$0x0] =	vst.idx.add.s32.msk $0xffff, v1  }
0x352: {  	v3 =	vld [tilespmem:s6+$0x8000];
	_ =	sdelay $0x1  }
0x353: {  	[tilespmem:v4+s23+$0x0] =	vst.idx.add.s32.msk $0xffff, v1  }
0x354: {  	s7 =	sor.u32 $0x300, s0;
	[tilespmem:v6+s24+$0x0] =	vst.idx.add.s32.msk $0xffff, v1  }
0x355: {  	v2 =	vld [tilespmem:s7+$0x8000]  }
0x356: {  	s2 =	simm.s32 $0x2;
	v4 =	vld [tilespmem:s30+$0x8190]  }
0x357: {  	s4 =	simm.s32 $0x40;
	[tilespmem:v5+s23+$0x0] =	vst.idx.add.s32.msk $0xffff, v1;
	s1 =	sor.u32 $0x380, s0;
	s0 =	simm.s32 $0x100  }
.LBB2_18:
0x358: {  	s6 =	sand.u32 $0x60, s4;
	v5 =	vld [tilespmem:s30+$0x8180];
	s31 =	sadd.s32 $0x100, s31  }
0x359: {  	s2 =	sadd.s32 $0x2, s2;
	s5 =	sor.u32 $0x380, s5;
	s7 =	sand.u32 $0x7C00, s31;
	[tilespmem:v3+s23+$0x0] =	vst.idx.add.s32.msk $0xffff, v1  }
0x35a: {  	p0 =	slt.u32 s2, $0xFE;
	s6 =	sor.u32 s6, s7;
	v3 =	vld [tilespmem:s5+$0x8000]  }
0x35b: {  	v6 =	vld [tilespmem:s6+$0x8010]  }
0x35c: {  	v7 =	vld [tilespmem:s6+$0x8000]  }
0x35d: {  	[tilespmem:v2+s23+$0x0] =	vst.idx.add.s32.msk $0xffff, v1  }
0x35e: {  	[tilespmem:v4+s24+$0x0] =	vst.idx.add.s32.msk $0xffff, v1  }
0x35f: {  	v2 =	vld [tilespmem:s30+$0x8210]  }
0x360: {  	[tilespmem:v5+s24+$0x0] =	vst.idx.add.s32.msk $0xffff, v1  }
0x361: {  	v4 =	vld [tilespmem:s30+$0x8200]  }
0x362: {  	[tilespmem:v3+s24+$0x0] =	vst.idx.add.s32.msk $0xffff, v1  }
0x363: {  	[tilespmem:v6+s23+$0x0] =	vst.idx.add.s32.msk $0xffff, v1  }
0x364: {  	v3 =	vld [tilespmem:s6+$0x8090]  }
0x365: {  	[tilespmem:v7+s23+$0x0] =	vst.idx.add.s32.msk $0xffff, v1  }
0x366: {  	v5 =	vld [tilespmem:s6+$0x8080]  }
0x367: {  	[tilespmem:v2+s23+$0x0] =	vst.idx.add.s32.msk $0xffff, v1  }
0x368: {  	v2 =	vld [tilespmem:s30+$0x8290]  }
0x369: {  	[tilespmem:v4+s23+$0x0] =	vst.idx.add.s32.msk $0xffff, v1  }
0x36a: {  	v4 =	vld [tilespmem:s30+$0x8280];
	s30 =	smov.u32 s6  }
0x36b: {  	s29 =	sadd.s32 $0x1, s29;
	v6 =	vld [tilespmem:s1+$0x8000]  }
0x36c: {  	s1 =	sand.u32 $0x3, s29;
	[tilespmem:v3+s24+$0x0] =	vst.idx.add.s32.msk $0xffff, v1  }
0x36d: {  	s1 =	sshll.u32 s1, $0x5;
	v7 =	vld [tilespmem:s30+$0x8110]  }
0x36e: {  	s5 =	sadd.s32 s1, s0;
	s0 =	smov.u32 s31;
	[tilespmem:v5+s24+$0x0] =	vst.idx.add.s32.msk $0xffff, v1  }
0x36f: {  	s6 =	sor.u32 $0x300, s5;
	s1 =	sor.u32 $0x380, s5;
	s5 =	sadd.s32 $0x10, s5;
	v5 =	vld [tilespmem:s30+$0x8100]  }
0x370: {  	s7 =	sor.u32 $0x300, s5;
	[tilespmem:v2+s24+$0x0] =	vst.idx.add.s32.msk $0xffff, v1  }
0x371: {  	v3 =	vld [tilespmem:s7+$0x8000]  }
0x372: {  	[tilespmem:v4+s24+$0x0] =	vst.idx.add.s32.msk $0xffff, v1  }
.Ltmp8:
0x373: {  	v2 =	vld [tilespmem:s6+$0x8000];
	(pc) =	sbr.rel @p0 .LBB2_18-.Ltmp8, $4  }
0x374: {  	[tilespmem:v6+s24+$0x0] =	vst.idx.add.s32.msk $0xffff, v1  }
0x375: {  	[tilespmem:v7+s23+$0x0] =	vst.idx.add.s32.msk $0xffff, v1  }
0x376: {  	v4 =	vld [tilespmem:s30+$0x8190]  }
0x377: {  	s4 =	sadd.s32 $0x20, s4;
	[tilespmem:v5+s23+$0x0] =	vst.idx.add.s32.msk $0xffff, v1  }
0x378: {  	_ = 	snop  }
0x379: {  	v5 =	vld [tilespmem:s30+$0x8180];
	_ =	sdelay $0x5  }
0x37a: {  	[tilespmem:v4+s24+$0x0] =	vst.idx.add.s32.msk $0xffff, v1  }
0x37b: {  	v4 =	vld [tilespmem:s30+$0x8210]  }
0x37c: {  	[tilespmem:v5+s24+$0x0] =	vst.idx.add.s32.msk $0xffff, v1  }
0x37d: {  	v5 =	vld [tilespmem:s30+$0x8200];
	_ =	sdelay $0x5  }
0x37e: {  	[tilespmem:v4+s23+$0x0] =	vst.idx.add.s32.msk $0xffff, v1  }
0x37f: {  	v4 =	vld [tilespmem:s30+$0x8290]  }
0x380: {  	[tilespmem:v5+s23+$0x0] =	vst.idx.add.s32.msk $0xffff, v1  }
0x381: {  	v5 =	vld [tilespmem:s30+$0x8280]  }
0x382: {  	s2 =	sadd.s32 $0x1, s29  }
0x383: {  	s2 =	sand.u32 $0x3, s2  }
0x384: {  	s2 =	sshll.u32 s2, $0x5  }
0x385: {  	s0 =	sadd.s32 s2, s0  }
0x386: {  	s2 =	sadd.s32 $0x10, s0  }
0x387: {  	s4 =	sor.u32 $0x300, s2;
	[tilespmem:v4+s24+$0x0] =	vst.idx.add.s32.msk $0xffff, v1  }
0x388: {  	v4 =	vld [tilespmem:s4+$0x8000]  }
0x389: {  	s6 =	sor.u32 $0x300, s0;
	[tilespmem:v5+s24+$0x0] =	vst.idx.add.s32.msk $0xffff, v1  }
0x38a: {  	v5 =	vld [tilespmem:s6+$0x8000];
	_ =	sdelay $0x1  }
0x38b: {  	[tilespmem:v3+s23+$0x0] =	vst.idx.add.s32.msk $0xffff, v1  }
0x38c: {  	s7 =	sor.u32 $0x380, s5;
	[tilespmem:v2+s23+$0x0] =	vst.idx.add.s32.msk $0xffff, v1  }
0x38d: {  	v3 =	vld [tilespmem:s7+$0x8000]  }
0x38e: {  	v2 =	vld [tilespmem:s1+$0x8000]  }
0x38f: {  	s5 =	sor.u32 $0x380, s2;
	[tilespmem:v4+s23+$0x0] =	vst.idx.add.s32.msk $0xffff, v1  }
0x390: {  	v4 =	vld [tilespmem:s5+$0x8000]  }
0x391: {  	s0 =	sor.u32 $0x380, s0;
	[tilespmem:v5+s23+$0x0] =	vst.idx.add.s32.msk $0xffff, v1  }
0x392: {  	v5 =	vld [tilespmem:s0+$0x8000];
	_ =	sdelay $0x4  }
0x393: {  	[tilespmem:v3+s24+$0x0] =	vst.idx.add.s32.msk $0xffff, v1  }
0x394: {  	[tilespmem:v2+s24+$0x0] =	vst.idx.add.s32.msk $0xffff, v1  }
0x395: {  	[tilespmem:v4+s24+$0x0] =	vst.idx.add.s32.msk $0xffff, v1  }
0x396: {  	s29 =	simm.s32 $0x0;
	[tilespmem:v5+s24+$0x0] =	vst.idx.add.s32.msk $0xffff, v1  }
0x397: {  	[tilespmem:s21], [sflag:$0x2] =	stream.linear.gather [hbm4b:s12+s29], $0x8000, $0x38;
	[tilespmem:$0x1A000] =	vst v63  }
0x398: {  	_ =	swait.ge [sflag:s22], $0x8000  }
0x399: {  	s7 =	sand.u32 $0x7C00, s29;
	s6 =	sand.u32 $0x60, s29;
	[sflag:s22] =	ssyncset.done $0x0  }
0x39a: {  	s0 =	sor.u32 s6, s7;
	[sflag:s22] =	ssyncadd.s32 $0xFFFF8000  }
0x39b: {  	v2 =	vld [tilespmem:s0+$0x10];
	_ =	sdelay $0x3  }
0x39c: {  	v3 =	vld [tilespmem:s0+$0x0];
	_ =	sdelay $0x3  }
0x39d: {  	[tilespmem:v2+s23+$0x0] =	vst.idx.add.s32.msk $0xffff, v1  }
0x39e: {  	v2 =	vld [tilespmem:s0+$0x90];
	_ =	sdelay $0x2  }
0x39f: {  	[tilespmem:v3+s23+$0x0] =	vst.idx.add.s32.msk $0xffff, v1  }
0x3a0: {  	v3 =	vld [tilespmem:s0+$0x80];
	_ =	sdelay $0x3  }
0x3a1: {  	[tilespmem:v2+s24+$0x0] =	vst.idx.add.s32.msk $0xffff, v1  }
0x3a2: {  	v2 =	vld [tilespmem:s0+$0x110];
	_ =	sdelay $0x2  }
0x3a3: {  	[tilespmem:v3+s24+$0x0] =	vst.idx.add.s32.msk $0xffff, v1  }
0x3a4: {  	v3 =	vld [tilespmem:s0+$0x100];
	_ =	sdelay $0x3  }
0x3a5: {  	s31 =	simm.s32 $0x100;
	s2 =	simm.s32 $0x20;
	[tilespmem:v2+s23+$0x0] =	vst.idx.add.s32.msk $0xffff, v1  }
0x3a6: {  	s1 =	sand.u32 $0x60, s2;
	s4 =	sand.u32 $0x7C00, s31;
	v2 =	vld [tilespmem:s0+$0x190]  }
0x3a7: {  	s30 =	sor.u32 s1, s4  }
0x3a8: {  	v4 =	vld [tilespmem:s30+$0x10]  }
0x3a9: {  	[tilespmem:v3+s23+$0x0] =	vst.idx.add.s32.msk $0xffff, v1  }
0x3aa: {  	v3 =	vld [tilespmem:s0+$0x180];
	_ =	sdelay $0x2  }
0x3ab: {  	v5 =	vld [tilespmem:s30+$0x0]  }
0x3ac: {  	[tilespmem:v2+s24+$0x0] =	vst.idx.add.s32.msk $0xffff, v1  }
0x3ad: {  	v2 =	vld [tilespmem:s0+$0x210]  }
0x3ae: {  	[tilespmem:v4+s23+$0x0] =	vst.idx.add.s32.msk $0xffff, v1  }
0x3af: {  	v4 =	vld [tilespmem:s30+$0x90]  }
0x3b0: {  	[tilespmem:v3+s24+$0x0] =	vst.idx.add.s32.msk $0xffff, v1  }
0x3b1: {  	v3 =	vld [tilespmem:s0+$0x200];
	_ =	sdelay $0x1  }
0x3b2: {  	[tilespmem:v5+s23+$0x0] =	vst.idx.add.s32.msk $0xffff, v1  }
0x3b3: {  	v5 =	vld [tilespmem:s30+$0x80]  }
0x3b4: {  	[tilespmem:v2+s23+$0x0] =	vst.idx.add.s32.msk $0xffff, v1  }
0x3b5: {  	v2 =	vld [tilespmem:s0+$0x290]  }
0x3b6: {  	[tilespmem:v4+s24+$0x0] =	vst.idx.add.s32.msk $0xffff, v1  }
0x3b7: {  	v4 =	vld [tilespmem:s30+$0x110]  }
0x3b8: {  	[tilespmem:v3+s23+$0x0] =	vst.idx.add.s32.msk $0xffff, v1  }
0x3b9: {  	s5 =	sand.u32 $0x3, s29;
	v6 =	vld [tilespmem:s0+$0x280]  }
0x3ba: {  	s0 =	sshll.u32 s5, $0x5  }
0x3bb: {  	[tilespmem:v5+s24+$0x0] =	vst.idx.add.s32.msk $0xffff, v1;
	s0 =	sadd.s32 $0x0, s0  }
0x3bc: {  	v5 =	vld [tilespmem:s30+$0x100];
	s5 =	sadd.s32 $0x10, s0  }
0x3bd: {  	s6 =	sor.u32 $0x300, s5;
	[tilespmem:v2+s24+$0x0] =	vst.idx.add.s32.msk $0xffff, v1  }
0x3be: {  	v3 =	vld [tilespmem:s6+$0x0];
	_ =	sdelay $0x1  }
0x3bf: {  	[tilespmem:v4+s23+$0x0] =	vst.idx.add.s32.msk $0xffff, v1  }
0x3c0: {  	s7 =	sor.u32 $0x300, s0;
	[tilespmem:v6+s24+$0x0] =	vst.idx.add.s32.msk $0xffff, v1  }
0x3c1: {  	v2 =	vld [tilespmem:s7+$0x0]  }
0x3c2: {  	s2 =	simm.s32 $0x2;
	v4 =	vld [tilespmem:s30+$0x190]  }
0x3c3: {  	s4 =	simm.s32 $0x40;
	[tilespmem:v5+s23+$0x0] =	vst.idx.add.s32.msk $0xffff, v1;
	s1 =	sor.u32 $0x380, s0;
	s0 =	simm.s32 $0x100  }
.LBB2_20:
0x3c4: {  	s6 =	sand.u32 $0x60, s4;
	v5 =	vld [tilespmem:s30+$0x180];
	s31 =	sadd.s32 $0x100, s31  }
0x3c5: {  	s2 =	sadd.s32 $0x2, s2;
	s5 =	sor.u32 $0x380, s5;
	s7 =	sand.u32 $0x7C00, s31;
	[tilespmem:v3+s23+$0x0] =	vst.idx.add.s32.msk $0xffff, v1  }
0x3c6: {  	p0 =	slt.u32 s2, $0xFE;
	s6 =	sor.u32 s6, s7;
	v3 =	vld [tilespmem:s5+$0x0]  }
0x3c7: {  	v6 =	vld [tilespmem:s6+$0x10]  }
0x3c8: {  	v7 =	vld [tilespmem:s6+$0x0]  }
0x3c9: {  	[tilespmem:v2+s23+$0x0] =	vst.idx.add.s32.msk $0xffff, v1  }
0x3ca: {  	[tilespmem:v4+s24+$0x0] =	vst.idx.add.s32.msk $0xffff, v1  }
0x3cb: {  	v2 =	vld [tilespmem:s30+$0x210]  }
0x3cc: {  	[tilespmem:v5+s24+$0x0] =	vst.idx.add.s32.msk $0xffff, v1  }
0x3cd: {  	v4 =	vld [tilespmem:s30+$0x200]  }
0x3ce: {  	[tilespmem:v3+s24+$0x0] =	vst.idx.add.s32.msk $0xffff, v1  }
0x3cf: {  	[tilespmem:v6+s23+$0x0] =	vst.idx.add.s32.msk $0xffff, v1  }
0x3d0: {  	v3 =	vld [tilespmem:s6+$0x90]  }
0x3d1: {  	[tilespmem:v7+s23+$0x0] =	vst.idx.add.s32.msk $0xffff, v1  }
0x3d2: {  	v5 =	vld [tilespmem:s6+$0x80]  }
0x3d3: {  	[tilespmem:v2+s23+$0x0] =	vst.idx.add.s32.msk $0xffff, v1  }
0x3d4: {  	v2 =	vld [tilespmem:s30+$0x290]  }
0x3d5: {  	[tilespmem:v4+s23+$0x0] =	vst.idx.add.s32.msk $0xffff, v1  }
0x3d6: {  	v4 =	vld [tilespmem:s30+$0x280];
	s30 =	smov.u32 s6  }
0x3d7: {  	s29 =	sadd.s32 $0x1, s29;
	v6 =	vld [tilespmem:s1+$0x0]  }
0x3d8: {  	s1 =	sand.u32 $0x3, s29;
	[tilespmem:v3+s24+$0x0] =	vst.idx.add.s32.msk $0xffff, v1  }
0x3d9: {  	s1 =	sshll.u32 s1, $0x5;
	v7 =	vld [tilespmem:s30+$0x110]  }
0x3da: {  	s5 =	sadd.s32 s1, s0;
	s0 =	smov.u32 s31;
	[tilespmem:v5+s24+$0x0] =	vst.idx.add.s32.msk $0xffff, v1  }
0x3db: {  	s6 =	sor.u32 $0x300, s5;
	s1 =	sor.u32 $0x380, s5;
	s5 =	sadd.s32 $0x10, s5;
	v5 =	vld [tilespmem:s30+$0x100]  }
0x3dc: {  	s7 =	sor.u32 $0x300, s5;
	[tilespmem:v2+s24+$0x0] =	vst.idx.add.s32.msk $0xffff, v1  }
0x3dd: {  	v3 =	vld [tilespmem:s7+$0x0]  }
0x3de: {  	[tilespmem:v4+s24+$0x0] =	vst.idx.add.s32.msk $0xffff, v1  }
.Ltmp9:
0x3df: {  	v2 =	vld [tilespmem:s6+$0x0];
	(pc) =	sbr.rel @p0 .LBB2_20-.Ltmp9, $4  }
0x3e0: {  	[tilespmem:v6+s24+$0x0] =	vst.idx.add.s32.msk $0xffff, v1  }
0x3e1: {  	[tilespmem:v7+s23+$0x0] =	vst.idx.add.s32.msk $0xffff, v1  }
0x3e2: {  	v4 =	vld [tilespmem:s30+$0x190]  }
0x3e3: {  	s4 =	sadd.s32 $0x20, s4;
	[tilespmem:v5+s23+$0x0] =	vst.idx.add.s32.msk $0xffff, v1  }
0x3e4: {  	_ = 	snop  }
0x3e5: {  	v5 =	vld [tilespmem:s30+$0x180];
	_ =	sdelay $0x5  }
0x3e6: {  	[tilespmem:v4+s24+$0x0] =	vst.idx.add.s32.msk $0xffff, v1  }
0x3e7: {  	v4 =	vld [tilespmem:s30+$0x210]  }
0x3e8: {  	[tilespmem:v5+s24+$0x0] =	vst.idx.add.s32.msk $0xffff, v1  }
0x3e9: {  	v5 =	vld [tilespmem:s30+$0x200];
	_ =	sdelay $0x5  }
0x3ea: {  	[tilespmem:v4+s23+$0x0] =	vst.idx.add.s32.msk $0xffff, v1  }
0x3eb: {  	v4 =	vld [tilespmem:s30+$0x290]  }
0x3ec: {  	[tilespmem:v5+s23+$0x0] =	vst.idx.add.s32.msk $0xffff, v1  }
0x3ed: {  	v5 =	vld [tilespmem:s30+$0x280]  }
0x3ee: {  	s2 =	sadd.s32 $0x1, s29  }
0x3ef: {  	s2 =	sand.u32 $0x3, s2  }
0x3f0: {  	s2 =	sshll.u32 s2, $0x5  }
0x3f1: {  	s0 =	sadd.s32 s2, s0  }
0x3f2: {  	s2 =	sadd.s32 $0x10, s0  }
0x3f3: {  	s4 =	sor.u32 $0x300, s2;
	[tilespmem:v4+s24+$0x0] =	vst.idx.add.s32.msk $0xffff, v1  }
0x3f4: {  	v4 =	vld [tilespmem:s4+$0x0]  }
0x3f5: {  	s6 =	sor.u32 $0x300, s0;
	[tilespmem:v5+s24+$0x0] =	vst.idx.add.s32.msk $0xffff, v1  }
0x3f6: {  	v5 =	vld [tilespmem:s6+$0x0];
	_ =	sdelay $0x1  }
0x3f7: {  	[tilespmem:v3+s23+$0x0] =	vst.idx.add.s32.msk $0xffff, v1  }
0x3f8: {  	s7 =	sor.u32 $0x380, s5;
	[tilespmem:v2+s23+$0x0] =	vst.idx.add.s32.msk $0xffff, v1  }
0x3f9: {  	v3 =	vld [tilespmem:s7+$0x0]  }
0x3fa: {  	v2 =	vld [tilespmem:s1+$0x0]  }
0x3fb: {  	s5 =	sor.u32 $0x380, s2;
	[tilespmem:v4+s23+$0x0] =	vst.idx.add.s32.msk $0xffff, v1  }
0x3fc: {  	v4 =	vld [tilespmem:s5+$0x0]  }
0x3fd: {  	s0 =	sor.u32 $0x380, s0;
	[tilespmem:v5+s23+$0x0] =	vst.idx.add.s32.msk $0xffff, v1  }
0x3fe: {  	v5 =	vld [tilespmem:s0+$0x0];
	_ =	sdelay $0x4  }
0x3ff: {  	[tilespmem:v3+s24+$0x0] =	vst.idx.add.s32.msk $0xffff, v1  }
0x400: {  	[tilespmem:v2+s24+$0x0] =	vst.idx.add.s32.msk $0xffff, v1  }
0x401: {  	[tilespmem:v4+s24+$0x0] =	vst.idx.add.s32.msk $0xffff, v1  }
0x402: {  	s29 =	simm.s32 $0x0;
	[tilespmem:v5+s24+$0x0] =	vst.idx.add.s32.msk $0xffff, v1  }
0x403: {  	[tilespmem:s29], [sflag:$0x1] =	stream.linear.gather [hbm4b:s13+s29], $0x8000, $0x38;
	[tilespmem:$0x1A000] =	vst v63  }
0x404: {  	_ =	swait.ge [sflag:s25], $0x8000  }
0x405: {  	s7 =	sand.u32 $0x7C00, s29;
	s6 =	sand.u32 $0x60, s29;
	[sflag:s25] =	ssyncset.done $0x0  }
0x406: {  	s0 =	sor.u32 s6, s7;
	[sflag:s25] =	ssyncadd.s32 $0xFFFF8000  }
0x407: {  	v2 =	vld [tilespmem:s0+$0x8010];
	_ =	sdelay $0x3  }
0x408: {  	v3 =	vld [tilespmem:s0+$0x8000];
	_ =	sdelay $0x3  }
0x409: {  	[tilespmem:v2+s23+$0x0] =	vst.idx.add.s32.msk $0xffff, v1  }
0x40a: {  	v2 =	vld [tilespmem:s0+$0x8090];
	_ =	sdelay $0x2  }
0x40b: {  	[tilespmem:v3+s23+$0x0] =	vst.idx.add.s32.msk $0xffff, v1  }
0x40c: {  	v3 =	vld [tilespmem:s0+$0x8080];
	_ =	sdelay $0x3  }
0x40d: {  	[tilespmem:v2+s24+$0x0] =	vst.idx.add.s32.msk $0xffff, v1  }
0x40e: {  	v2 =	vld [tilespmem:s0+$0x8110];
	_ =	sdelay $0x2  }
0x40f: {  	[tilespmem:v3+s24+$0x0] =	vst.idx.add.s32.msk $0xffff, v1  }
0x410: {  	v3 =	vld [tilespmem:s0+$0x8100];
	_ =	sdelay $0x3  }
0x411: {  	s31 =	simm.s32 $0x100;
	s2 =	simm.s32 $0x20;
	[tilespmem:v2+s23+$0x0] =	vst.idx.add.s32.msk $0xffff, v1  }
0x412: {  	s1 =	sand.u32 $0x60, s2;
	s4 =	sand.u32 $0x7C00, s31;
	v2 =	vld [tilespmem:s0+$0x8190]  }
0x413: {  	s30 =	sor.u32 s1, s4  }
0x414: {  	v4 =	vld [tilespmem:s30+$0x8010]  }
0x415: {  	[tilespmem:v3+s23+$0x0] =	vst.idx.add.s32.msk $0xffff, v1  }
0x416: {  	v3 =	vld [tilespmem:s0+$0x8180];
	_ =	sdelay $0x2  }
0x417: {  	v5 =	vld [tilespmem:s30+$0x8000]  }
0x418: {  	[tilespmem:v2+s24+$0x0] =	vst.idx.add.s32.msk $0xffff, v1  }
0x419: {  	v2 =	vld [tilespmem:s0+$0x8210]  }
0x41a: {  	[tilespmem:v4+s23+$0x0] =	vst.idx.add.s32.msk $0xffff, v1  }
0x41b: {  	v4 =	vld [tilespmem:s30+$0x8090]  }
0x41c: {  	[tilespmem:v3+s24+$0x0] =	vst.idx.add.s32.msk $0xffff, v1  }
0x41d: {  	v3 =	vld [tilespmem:s0+$0x8200];
	_ =	sdelay $0x1  }
0x41e: {  	[tilespmem:v5+s23+$0x0] =	vst.idx.add.s32.msk $0xffff, v1  }
0x41f: {  	v5 =	vld [tilespmem:s30+$0x8080]  }
0x420: {  	[tilespmem:v2+s23+$0x0] =	vst.idx.add.s32.msk $0xffff, v1  }
0x421: {  	v2 =	vld [tilespmem:s0+$0x8290]  }
0x422: {  	[tilespmem:v4+s24+$0x0] =	vst.idx.add.s32.msk $0xffff, v1  }
0x423: {  	v4 =	vld [tilespmem:s30+$0x8110]  }
0x424: {  	[tilespmem:v3+s23+$0x0] =	vst.idx.add.s32.msk $0xffff, v1  }
0x425: {  	s5 =	sand.u32 $0x3, s29;
	v6 =	vld [tilespmem:s0+$0x8280]  }
0x426: {  	s0 =	sshll.u32 s5, $0x5  }
0x427: {  	[tilespmem:v5+s24+$0x0] =	vst.idx.add.s32.msk $0xffff, v1;
	s0 =	sadd.s32 $0x0, s0  }
0x428: {  	v5 =	vld [tilespmem:s30+$0x8100];
	s5 =	sadd.s32 $0x10, s0  }
0x429: {  	s6 =	sor.u32 $0x300, s5;
	[tilespmem:v2+s24+$0x0] =	vst.idx.add.s32.msk $0xffff, v1  }
0x42a: {  	v3 =	vld [tilespmem:s6+$0x8000];
	_ =	sdelay $0x1  }
0x42b: {  	[tilespmem:v4+s23+$0x0] =	vst.idx.add.s32.msk $0xffff, v1  }
0x42c: {  	s7 =	sor.u32 $0x300, s0;
	[tilespmem:v6+s24+$0x0] =	vst.idx.add.s32.msk $0xffff, v1  }
0x42d: {  	v2 =	vld [tilespmem:s7+$0x8000]  }
0x42e: {  	s2 =	simm.s32 $0x2;
	v4 =	vld [tilespmem:s30+$0x8190]  }
0x42f: {  	s4 =	simm.s32 $0x40;
	[tilespmem:v5+s23+$0x0] =	vst.idx.add.s32.msk $0xffff, v1;
	s1 =	sor.u32 $0x380, s0;
	s0 =	simm.s32 $0x100  }
.LBB2_22:
0x430: {  	s6 =	sand.u32 $0x60, s4;
	v5 =	vld [tilespmem:s30+$0x8180];
	s31 =	sadd.s32 $0x100, s31  }
0x431: {  	s2 =	sadd.s32 $0x2, s2;
	s5 =	sor.u32 $0x380, s5;
	s7 =	sand.u32 $0x7C00, s31;
	[tilespmem:v3+s23+$0x0] =	vst.idx.add.s32.msk $0xffff, v1  }
0x432: {  	p0 =	slt.u32 s2, $0xFE;
	s6 =	sor.u32 s6, s7;
	v3 =	vld [tilespmem:s5+$0x8000]  }
0x433: {  	v6 =	vld [tilespmem:s6+$0x8010]  }
0x434: {  	v7 =	vld [tilespmem:s6+$0x8000]  }
0x435: {  	[tilespmem:v2+s23+$0x0] =	vst.idx.add.s32.msk $0xffff, v1  }
0x436: {  	[tilespmem:v4+s24+$0x0] =	vst.idx.add.s32.msk $0xffff, v1  }
0x437: {  	v2 =	vld [tilespmem:s30+$0x8210]  }
0x438: {  	[tilespmem:v5+s24+$0x0] =	vst.idx.add.s32.msk $0xffff, v1  }
0x439: {  	v4 =	vld [tilespmem:s30+$0x8200]  }
0x43a: {  	[tilespmem:v3+s24+$0x0] =	vst.idx.add.s32.msk $0xffff, v1  }
0x43b: {  	[tilespmem:v6+s23+$0x0] =	vst.idx.add.s32.msk $0xffff, v1  }
0x43c: {  	v3 =	vld [tilespmem:s6+$0x8090]  }
0x43d: {  	[tilespmem:v7+s23+$0x0] =	vst.idx.add.s32.msk $0xffff, v1  }
0x43e: {  	v5 =	vld [tilespmem:s6+$0x8080]  }
0x43f: {  	[tilespmem:v2+s23+$0x0] =	vst.idx.add.s32.msk $0xffff, v1  }
0x440: {  	v2 =	vld [tilespmem:s30+$0x8290]  }
0x441: {  	[tilespmem:v4+s23+$0x0] =	vst.idx.add.s32.msk $0xffff, v1  }
0x442: {  	v4 =	vld [tilespmem:s30+$0x8280];
	s30 =	smov.u32 s6  }
0x443: {  	s29 =	sadd.s32 $0x1, s29;
	v6 =	vld [tilespmem:s1+$0x8000]  }
0x444: {  	s1 =	sand.u32 $0x3, s29;
	[tilespmem:v3+s24+$0x0] =	vst.idx.add.s32.msk $0xffff, v1  }
0x445: {  	s1 =	sshll.u32 s1, $0x5;
	v7 =	vld [tilespmem:s30+$0x8110]  }
0x446: {  	s5 =	sadd.s32 s1, s0;
	s0 =	smov.u32 s31;
	[tilespmem:v5+s24+$0x0] =	vst.idx.add.s32.msk $0xffff, v1  }
0x447: {  	s6 =	sor.u32 $0x300, s5;
	s1 =	sor.u32 $0x380, s5;
	s5 =	sadd.s32 $0x10, s5;
	v5 =	vld [tilespmem:s30+$0x8100]  }
0x448: {  	s7 =	sor.u32 $0x300, s5;
	[tilespmem:v2+s24+$0x0] =	vst.idx.add.s32.msk $0xffff, v1  }
0x449: {  	v3 =	vld [tilespmem:s7+$0x8000]  }
0x44a: {  	[tilespmem:v4+s24+$0x0] =	vst.idx.add.s32.msk $0xffff, v1  }
.Ltmp10:
0x44b: {  	v2 =	vld [tilespmem:s6+$0x8000];
	(pc) =	sbr.rel @p0 .LBB2_22-.Ltmp10, $4  }
0x44c: {  	[tilespmem:v6+s24+$0x0] =	vst.idx.add.s32.msk $0xffff, v1  }
0x44d: {  	[tilespmem:v7+s23+$0x0] =	vst.idx.add.s32.msk $0xffff, v1  }
0x44e: {  	v4 =	vld [tilespmem:s30+$0x8190]  }
0x44f: {  	s4 =	sadd.s32 $0x20, s4;
	[tilespmem:v5+s23+$0x0] =	vst.idx.add.s32.msk $0xffff, v1  }
0x450: {  	_ = 	snop  }
0x451: {  	v5 =	vld [tilespmem:s30+$0x8180];
	_ =	sdelay $0x5  }
0x452: {  	[tilespmem:v4+s24+$0x0] =	vst.idx.add.s32.msk $0xffff, v1  }
0x453: {  	v4 =	vld [tilespmem:s30+$0x8210]  }
0x454: {  	[tilespmem:v5+s24+$0x0] =	vst.idx.add.s32.msk $0xffff, v1  }
0x455: {  	v5 =	vld [tilespmem:s30+$0x8200];
	_ =	sdelay $0x5  }
0x456: {  	[tilespmem:v4+s23+$0x0] =	vst.idx.add.s32.msk $0xffff, v1  }
0x457: {  	v4 =	vld [tilespmem:s30+$0x8290]  }
0x458: {  	[tilespmem:v5+s23+$0x0] =	vst.idx.add.s32.msk $0xffff, v1  }
0x459: {  	v5 =	vld [tilespmem:s30+$0x8280]  }
0x45a: {  	s2 =	sadd.s32 $0x1, s29  }
0x45b: {  	s2 =	sand.u32 $0x3, s2  }
0x45c: {  	s2 =	sshll.u32 s2, $0x5  }
0x45d: {  	s0 =	sadd.s32 s2, s0  }
0x45e: {  	s2 =	sadd.s32 $0x10, s0  }
0x45f: {  	s4 =	sor.u32 $0x300, s2;
	[tilespmem:v4+s24+$0x0] =	vst.idx.add.s32.msk $0xffff, v1  }
0x460: {  	v4 =	vld [tilespmem:s4+$0x8000]  }
0x461: {  	s6 =	sor.u32 $0x300, s0;
	[tilespmem:v5+s24+$0x0] =	vst.idx.add.s32.msk $0xffff, v1  }
0x462: {  	v5 =	vld [tilespmem:s6+$0x8000];
	_ =	sdelay $0x1  }
0x463: {  	[tilespmem:v3+s23+$0x0] =	vst.idx.add.s32.msk $0xffff, v1  }
0x464: {  	s7 =	sor.u32 $0x380, s5;
	[tilespmem:v2+s23+$0x0] =	vst.idx.add.s32.msk $0xffff, v1  }
0x465: {  	v3 =	vld [tilespmem:s7+$0x8000]  }
0x466: {  	v2 =	vld [tilespmem:s1+$0x8000]  }
0x467: {  	s5 =	sor.u32 $0x380, s2;
	[tilespmem:v4+s23+$0x0] =	vst.idx.add.s32.msk $0xffff, v1  }
0x468: {  	v4 =	vld [tilespmem:s5+$0x8000]  }
0x469: {  	s0 =	sor.u32 $0x380, s0;
	[tilespmem:v5+s23+$0x0] =	vst.idx.add.s32.msk $0xffff, v1  }
0x46a: {  	v5 =	vld [tilespmem:s0+$0x8000];
	_ =	sdelay $0x4  }
0x46b: {  	[tilespmem:v3+s24+$0x0] =	vst.idx.add.s32.msk $0xffff, v1  }
0x46c: {  	[tilespmem:v2+s24+$0x0] =	vst.idx.add.s32.msk $0xffff, v1  }
0x46d: {  	[tilespmem:v4+s24+$0x0] =	vst.idx.add.s32.msk $0xffff, v1  }
0x46e: {  	s29 =	simm.s32 $0x0;
	[tilespmem:v5+s24+$0x0] =	vst.idx.add.s32.msk $0xffff, v1  }
0x46f: {  	[tilespmem:s21], [sflag:$0x2] =	stream.linear.gather [hbm4b:s14+s29], $0x8000, $0x38;
	[tilespmem:$0x1A000] =	vst v63  }
0x470: {  	_ =	swait.ge [sflag:s22], $0x8000  }
0x471: {  	s7 =	sand.u32 $0x7C00, s29;
	s6 =	sand.u32 $0x60, s29;
	[sflag:s22] =	ssyncset.done $0x0  }
0x472: {  	s0 =	sor.u32 s6, s7;
	[sflag:s22] =	ssyncadd.s32 $0xFFFF8000  }
0x473: {  	v2 =	vld [tilespmem:s0+$0x10];
	_ =	sdelay $0x3  }
0x474: {  	v3 =	vld [tilespmem:s0+$0x0];
	_ =	sdelay $0x3  }
0x475: {  	[tilespmem:v2+s23+$0x0] =	vst.idx.add.s32.msk $0xffff, v1  }
0x476: {  	v2 =	vld [tilespmem:s0+$0x90];
	_ =	sdelay $0x2  }
0x477: {  	[tilespmem:v3+s23+$0x0] =	vst.idx.add.s32.msk $0xffff, v1  }
0x478: {  	v3 =	vld [tilespmem:s0+$0x80];
	_ =	sdelay $0x3  }
0x479: {  	[tilespmem:v2+s24+$0x0] =	vst.idx.add.s32.msk $0xffff, v1  }
0x47a: {  	v2 =	vld [tilespmem:s0+$0x110];
	_ =	sdelay $0x2  }
0x47b: {  	[tilespmem:v3+s24+$0x0] =	vst.idx.add.s32.msk $0xffff, v1  }
0x47c: {  	v3 =	vld [tilespmem:s0+$0x100];
	_ =	sdelay $0x3  }
0x47d: {  	s31 =	simm.s32 $0x100;
	s2 =	simm.s32 $0x20;
	[tilespmem:v2+s23+$0x0] =	vst.idx.add.s32.msk $0xffff, v1  }
0x47e: {  	s1 =	sand.u32 $0x60, s2;
	s4 =	sand.u32 $0x7C00, s31;
	v2 =	vld [tilespmem:s0+$0x190]  }
0x47f: {  	s30 =	sor.u32 s1, s4  }
0x480: {  	v4 =	vld [tilespmem:s30+$0x10]  }
0x481: {  	[tilespmem:v3+s23+$0x0] =	vst.idx.add.s32.msk $0xffff, v1  }
0x482: {  	v3 =	vld [tilespmem:s0+$0x180];
	_ =	sdelay $0x2  }
0x483: {  	v5 =	vld [tilespmem:s30+$0x0]  }
0x484: {  	[tilespmem:v2+s24+$0x0] =	vst.idx.add.s32.msk $0xffff, v1  }
0x485: {  	v2 =	vld [tilespmem:s0+$0x210]  }
0x486: {  	[tilespmem:v4+s23+$0x0] =	vst.idx.add.s32.msk $0xffff, v1  }
0x487: {  	v4 =	vld [tilespmem:s30+$0x90]  }
0x488: {  	[tilespmem:v3+s24+$0x0] =	vst.idx.add.s32.msk $0xffff, v1  }
0x489: {  	v3 =	vld [tilespmem:s0+$0x200];
	_ =	sdelay $0x1  }
0x48a: {  	[tilespmem:v5+s23+$0x0] =	vst.idx.add.s32.msk $0xffff, v1  }
0x48b: {  	v5 =	vld [tilespmem:s30+$0x80]  }
0x48c: {  	[tilespmem:v2+s23+$0x0] =	vst.idx.add.s32.msk $0xffff, v1  }
0x48d: {  	v2 =	vld [tilespmem:s0+$0x290]  }
0x48e: {  	[tilespmem:v4+s24+$0x0] =	vst.idx.add.s32.msk $0xffff, v1  }
0x48f: {  	v4 =	vld [tilespmem:s30+$0x110]  }
0x490: {  	[tilespmem:v3+s23+$0x0] =	vst.idx.add.s32.msk $0xffff, v1  }
0x491: {  	s5 =	sand.u32 $0x3, s29;
	v6 =	vld [tilespmem:s0+$0x280]  }
0x492: {  	s0 =	sshll.u32 s5, $0x5  }
0x493: {  	[tilespmem:v5+s24+$0x0] =	vst.idx.add.s32.msk $0xffff, v1;
	s0 =	sadd.s32 $0x0, s0  }
0x494: {  	v5 =	vld [tilespmem:s30+$0x100];
	s5 =	sadd.s32 $0x10, s0  }
0x495: {  	s6 =	sor.u32 $0x300, s5;
	[tilespmem:v2+s24+$0x0] =	vst.idx.add.s32.msk $0xffff, v1  }
0x496: {  	v3 =	vld [tilespmem:s6+$0x0];
	_ =	sdelay $0x1  }
0x497: {  	[tilespmem:v4+s23+$0x0] =	vst.idx.add.s32.msk $0xffff, v1  }
0x498: {  	s7 =	sor.u32 $0x300, s0;
	[tilespmem:v6+s24+$0x0] =	vst.idx.add.s32.msk $0xffff, v1  }
0x499: {  	v2 =	vld [tilespmem:s7+$0x0]  }
0x49a: {  	s2 =	simm.s32 $0x2;
	v4 =	vld [tilespmem:s30+$0x190]  }
0x49b: {  	s4 =	simm.s32 $0x40;
	[tilespmem:v5+s23+$0x0] =	vst.idx.add.s32.msk $0xffff, v1;
	s1 =	sor.u32 $0x380, s0;
	s0 =	simm.s32 $0x100  }
.LBB2_24:
0x49c: {  	s6 =	sand.u32 $0x60, s4;
	v5 =	vld [tilespmem:s30+$0x180];
	s31 =	sadd.s32 $0x100, s31  }
0x49d: {  	s2 =	sadd.s32 $0x2, s2;
	s5 =	sor.u32 $0x380, s5;
	s7 =	sand.u32 $0x7C00, s31;
	[tilespmem:v3+s23+$0x0] =	vst.idx.add.s32.msk $0xffff, v1  }
0x49e: {  	p0 =	slt.u32 s2, $0xFE;
	s6 =	sor.u32 s6, s7;
	v3 =	vld [tilespmem:s5+$0x0]  }
0x49f: {  	v6 =	vld [tilespmem:s6+$0x10]  }
0x4a0: {  	v7 =	vld [tilespmem:s6+$0x0]  }
0x4a1: {  	[tilespmem:v2+s23+$0x0] =	vst.idx.add.s32.msk $0xffff, v1  }
0x4a2: {  	[tilespmem:v4+s24+$0x0] =	vst.idx.add.s32.msk $0xffff, v1  }
0x4a3: {  	v2 =	vld [tilespmem:s30+$0x210]  }
0x4a4: {  	[tilespmem:v5+s24+$0x0] =	vst.idx.add.s32.msk $0xffff, v1  }
0x4a5: {  	v4 =	vld [tilespmem:s30+$0x200]  }
0x4a6: {  	[tilespmem:v3+s24+$0x0] =	vst.idx.add.s32.msk $0xffff, v1  }
0x4a7: {  	[tilespmem:v6+s23+$0x0] =	vst.idx.add.s32.msk $0xffff, v1  }
0x4a8: {  	v3 =	vld [tilespmem:s6+$0x90]  }
0x4a9: {  	[tilespmem:v7+s23+$0x0] =	vst.idx.add.s32.msk $0xffff, v1  }
0x4aa: {  	v5 =	vld [tilespmem:s6+$0x80]  }
0x4ab: {  	[tilespmem:v2+s23+$0x0] =	vst.idx.add.s32.msk $0xffff, v1  }
0x4ac: {  	v2 =	vld [tilespmem:s30+$0x290]  }
0x4ad: {  	[tilespmem:v4+s23+$0x0] =	vst.idx.add.s32.msk $0xffff, v1  }
0x4ae: {  	v4 =	vld [tilespmem:s30+$0x280];
	s30 =	smov.u32 s6  }
0x4af: {  	s29 =	sadd.s32 $0x1, s29;
	v6 =	vld [tilespmem:s1+$0x0]  }
0x4b0: {  	s1 =	sand.u32 $0x3, s29;
	[tilespmem:v3+s24+$0x0] =	vst.idx.add.s32.msk $0xffff, v1  }
0x4b1: {  	s1 =	sshll.u32 s1, $0x5;
	v7 =	vld [tilespmem:s30+$0x110]  }
0x4b2: {  	s5 =	sadd.s32 s1, s0;
	s0 =	smov.u32 s31;
	[tilespmem:v5+s24+$0x0] =	vst.idx.add.s32.msk $0xffff, v1  }
0x4b3: {  	s6 =	sor.u32 $0x300, s5;
	s1 =	sor.u32 $0x380, s5;
	s5 =	sadd.s32 $0x10, s5;
	v5 =	vld [tilespmem:s30+$0x100]  }
0x4b4: {  	s7 =	sor.u32 $0x300, s5;
	[tilespmem:v2+s24+$0x0] =	vst.idx.add.s32.msk $0xffff, v1  }
0x4b5: {  	v3 =	vld [tilespmem:s7+$0x0]  }
0x4b6: {  	[tilespmem:v4+s24+$0x0] =	vst.idx.add.s32.msk $0xffff, v1  }
.Ltmp11:
0x4b7: {  	v2 =	vld [tilespmem:s6+$0x0];
	(pc) =	sbr.rel @p0 .LBB2_24-.Ltmp11, $4  }
0x4b8: {  	[tilespmem:v6+s24+$0x0] =	vst.idx.add.s32.msk $0xffff, v1  }
0x4b9: {  	[tilespmem:v7+s23+$0x0] =	vst.idx.add.s32.msk $0xffff, v1  }
0x4ba: {  	v4 =	vld [tilespmem:s30+$0x190]  }
0x4bb: {  	s4 =	sadd.s32 $0x20, s4;
	[tilespmem:v5+s23+$0x0] =	vst.idx.add.s32.msk $0xffff, v1  }
0x4bc: {  	_ = 	snop  }
0x4bd: {  	v5 =	vld [tilespmem:s30+$0x180];
	_ =	sdelay $0x5  }
0x4be: {  	[tilespmem:v4+s24+$0x0] =	vst.idx.add.s32.msk $0xffff, v1  }
0x4bf: {  	v4 =	vld [tilespmem:s30+$0x210]  }
0x4c0: {  	[tilespmem:v5+s24+$0x0] =	vst.idx.add.s32.msk $0xffff, v1  }
0x4c1: {  	v5 =	vld [tilespmem:s30+$0x200];
	_ =	sdelay $0x5  }
0x4c2: {  	[tilespmem:v4+s23+$0x0] =	vst.idx.add.s32.msk $0xffff, v1  }
0x4c3: {  	v4 =	vld [tilespmem:s30+$0x290]  }
0x4c4: {  	[tilespmem:v5+s23+$0x0] =	vst.idx.add.s32.msk $0xffff, v1  }
0x4c5: {  	v5 =	vld [tilespmem:s30+$0x280]  }
0x4c6: {  	s2 =	sadd.s32 $0x1, s29  }
0x4c7: {  	s2 =	sand.u32 $0x3, s2  }
0x4c8: {  	s2 =	sshll.u32 s2, $0x5  }
0x4c9: {  	s0 =	sadd.s32 s2, s0  }
0x4ca: {  	s2 =	sadd.s32 $0x10, s0  }
0x4cb: {  	s4 =	sor.u32 $0x300, s2;
	[tilespmem:v4+s24+$0x0] =	vst.idx.add.s32.msk $0xffff, v1  }
0x4cc: {  	v4 =	vld [tilespmem:s4+$0x0]  }
0x4cd: {  	s6 =	sor.u32 $0x300, s0;
	[tilespmem:v5+s24+$0x0] =	vst.idx.add.s32.msk $0xffff, v1  }
0x4ce: {  	v5 =	vld [tilespmem:s6+$0x0];
	_ =	sdelay $0x1  }
0x4cf: {  	[tilespmem:v3+s23+$0x0] =	vst.idx.add.s32.msk $0xffff, v1  }
0x4d0: {  	s7 =	sor.u32 $0x380, s5;
	[tilespmem:v2+s23+$0x0] =	vst.idx.add.s32.msk $0xffff, v1  }
0x4d1: {  	v3 =	vld [tilespmem:s7+$0x0]  }
0x4d2: {  	v2 =	vld [tilespmem:s1+$0x0]  }
0x4d3: {  	s5 =	sor.u32 $0x380, s2;
	[tilespmem:v4+s23+$0x0] =	vst.idx.add.s32.msk $0xffff, v1  }
0x4d4: {  	v4 =	vld [tilespmem:s5+$0x0]  }
0x4d5: {  	s0 =	sor.u32 $0x380, s0;
	[tilespmem:v5+s23+$0x0] =	vst.idx.add.s32.msk $0xffff, v1  }
0x4d6: {  	v5 =	vld [tilespmem:s0+$0x0];
	_ =	sdelay $0x4  }
0x4d7: {  	[tilespmem:v3+s24+$0x0] =	vst.idx.add.s32.msk $0xffff, v1  }
0x4d8: {  	[tilespmem:v2+s24+$0x0] =	vst.idx.add.s32.msk $0xffff, v1  }
0x4d9: {  	[tilespmem:v4+s24+$0x0] =	vst.idx.add.s32.msk $0xffff, v1  }
0x4da: {  	s29 =	simm.s32 $0x0;
	[tilespmem:v5+s24+$0x0] =	vst.idx.add.s32.msk $0xffff, v1  }
0x4db: {  	[tilespmem:s29], [sflag:$0x1] =	stream.linear.gather [hbm4b:s15+s29], $0x8000, $0x38;
	[tilespmem:$0x1A000] =	vst v63  }
0x4dc: {  	_ =	swait.ge [sflag:s25], $0x8000  }
0x4dd: {  	s7 =	sand.u32 $0x7C00, s29;
	s6 =	sand.u32 $0x60, s29;
	[sflag:s25] =	ssyncset.done $0x0  }
0x4de: {  	s0 =	sor.u32 s6, s7;
	[sflag:s25] =	ssyncadd.s32 $0xFFFF8000  }
0x4df: {  	v2 =	vld [tilespmem:s0+$0x8010];
	_ =	sdelay $0x3  }
0x4e0: {  	v3 =	vld [tilespmem:s0+$0x8000];
	_ =	sdelay $0x3  }
0x4e1: {  	[tilespmem:v2+s23+$0x0] =	vst.idx.add.s32.msk $0xffff, v1  }
0x4e2: {  	v2 =	vld [tilespmem:s0+$0x8090];
	_ =	sdelay $0x2  }
0x4e3: {  	[tilespmem:v3+s23+$0x0] =	vst.idx.add.s32.msk $0xffff, v1  }
0x4e4: {  	v3 =	vld [tilespmem:s0+$0x8080];
	_ =	sdelay $0x3  }
0x4e5: {  	[tilespmem:v2+s24+$0x0] =	vst.idx.add.s32.msk $0xffff, v1  }
0x4e6: {  	v2 =	vld [tilespmem:s0+$0x8110];
	_ =	sdelay $0x2  }
0x4e7: {  	[tilespmem:v3+s24+$0x0] =	vst.idx.add.s32.msk $0xffff, v1  }
0x4e8: {  	v3 =	vld [tilespmem:s0+$0x8100];
	_ =	sdelay $0x3  }
0x4e9: {  	s31 =	simm.s32 $0x100;
	s2 =	simm.s32 $0x20;
	[tilespmem:v2+s23+$0x0] =	vst.idx.add.s32.msk $0xffff, v1  }
0x4ea: {  	s1 =	sand.u32 $0x60, s2;
	s4 =	sand.u32 $0x7C00, s31;
	v2 =	vld [tilespmem:s0+$0x8190]  }
0x4eb: {  	s30 =	sor.u32 s1, s4  }
0x4ec: {  	v4 =	vld [tilespmem:s30+$0x8010]  }
0x4ed: {  	[tilespmem:v3+s23+$0x0] =	vst.idx.add.s32.msk $0xffff, v1  }
0x4ee: {  	v3 =	vld [tilespmem:s0+$0x8180];
	_ =	sdelay $0x2  }
0x4ef: {  	v5 =	vld [tilespmem:s30+$0x8000]  }
0x4f0: {  	[tilespmem:v2+s24+$0x0] =	vst.idx.add.s32.msk $0xffff, v1  }
0x4f1: {  	v2 =	vld [tilespmem:s0+$0x8210]  }
0x4f2: {  	[tilespmem:v4+s23+$0x0] =	vst.idx.add.s32.msk $0xffff, v1  }
0x4f3: {  	v4 =	vld [tilespmem:s30+$0x8090]  }
0x4f4: {  	[tilespmem:v3+s24+$0x0] =	vst.idx.add.s32.msk $0xffff, v1  }
0x4f5: {  	v3 =	vld [tilespmem:s0+$0x8200];
	_ =	sdelay $0x1  }
0x4f6: {  	[tilespmem:v5+s23+$0x0] =	vst.idx.add.s32.msk $0xffff, v1  }
0x4f7: {  	v5 =	vld [tilespmem:s30+$0x8080]  }
0x4f8: {  	[tilespmem:v2+s23+$0x0] =	vst.idx.add.s32.msk $0xffff, v1  }
0x4f9: {  	v2 =	vld [tilespmem:s0+$0x8290]  }
0x4fa: {  	[tilespmem:v4+s24+$0x0] =	vst.idx.add.s32.msk $0xffff, v1  }
0x4fb: {  	v4 =	vld [tilespmem:s30+$0x8110]  }
0x4fc: {  	[tilespmem:v3+s23+$0x0] =	vst.idx.add.s32.msk $0xffff, v1  }
0x4fd: {  	s5 =	sand.u32 $0x3, s29;
	v6 =	vld [tilespmem:s0+$0x8280]  }
0x4fe: {  	s0 =	sshll.u32 s5, $0x5  }
0x4ff: {  	[tilespmem:v5+s24+$0x0] =	vst.idx.add.s32.msk $0xffff, v1;
	s0 =	sadd.s32 $0x0, s0  }
0x500: {  	v5 =	vld [tilespmem:s30+$0x8100];
	s5 =	sadd.s32 $0x10, s0  }
0x501: {  	s6 =	sor.u32 $0x300, s5;
	[tilespmem:v2+s24+$0x0] =	vst.idx.add.s32.msk $0xffff, v1  }
0x502: {  	v3 =	vld [tilespmem:s6+$0x8000];
	_ =	sdelay $0x1  }
0x503: {  	[tilespmem:v4+s23+$0x0] =	vst.idx.add.s32.msk $0xffff, v1  }
0x504: {  	s7 =	sor.u32 $0x300, s0;
	[tilespmem:v6+s24+$0x0] =	vst.idx.add.s32.msk $0xffff, v1  }
0x505: {  	v2 =	vld [tilespmem:s7+$0x8000]  }
0x506: {  	s2 =	simm.s32 $0x2;
	v4 =	vld [tilespmem:s30+$0x8190]  }
0x507: {  	s4 =	simm.s32 $0x40;
	[tilespmem:v5+s23+$0x0] =	vst.idx.add.s32.msk $0xffff, v1;
	s1 =	sor.u32 $0x380, s0;
	s0 =	simm.s32 $0x100  }
.LBB2_26:
0x508: {  	s6 =	sand.u32 $0x60, s4;
	v5 =	vld [tilespmem:s30+$0x8180];
	s31 =	sadd.s32 $0x100, s31  }
0x509: {  	s2 =	sadd.s32 $0x2, s2;
	s5 =	sor.u32 $0x380, s5;
	s7 =	sand.u32 $0x7C00, s31;
	[tilespmem:v3+s23+$0x0] =	vst.idx.add.s32.msk $0xffff, v1  }
0x50a: {  	p0 =	slt.u32 s2, $0xFE;
	s6 =	sor.u32 s6, s7;
	v3 =	vld [tilespmem:s5+$0x8000]  }
0x50b: {  	v6 =	vld [tilespmem:s6+$0x8010]  }
0x50c: {  	v7 =	vld [tilespmem:s6+$0x8000]  }
0x50d: {  	[tilespmem:v2+s23+$0x0] =	vst.idx.add.s32.msk $0xffff, v1  }
0x50e: {  	[tilespmem:v4+s24+$0x0] =	vst.idx.add.s32.msk $0xffff, v1  }
0x50f: {  	v2 =	vld [tilespmem:s30+$0x8210]  }
0x510: {  	[tilespmem:v5+s24+$0x0] =	vst.idx.add.s32.msk $0xffff, v1  }
0x511: {  	v4 =	vld [tilespmem:s30+$0x8200]  }
0x512: {  	[tilespmem:v3+s24+$0x0] =	vst.idx.add.s32.msk $0xffff, v1  }
0x513: {  	[tilespmem:v6+s23+$0x0] =	vst.idx.add.s32.msk $0xffff, v1  }
0x514: {  	v3 =	vld [tilespmem:s6+$0x8090]  }
0x515: {  	[tilespmem:v7+s23+$0x0] =	vst.idx.add.s32.msk $0xffff, v1  }
0x516: {  	v5 =	vld [tilespmem:s6+$0x8080]  }
0x517: {  	[tilespmem:v2+s23+$0x0] =	vst.idx.add.s32.msk $0xffff, v1  }
0x518: {  	v2 =	vld [tilespmem:s30+$0x8290]  }
0x519: {  	[tilespmem:v4+s23+$0x0] =	vst.idx.add.s32.msk $0xffff, v1  }
0x51a: {  	v4 =	vld [tilespmem:s30+$0x8280];
	s30 =	smov.u32 s6  }
0x51b: {  	s29 =	sadd.s32 $0x1, s29;
	v6 =	vld [tilespmem:s1+$0x8000]  }
0x51c: {  	s1 =	sand.u32 $0x3, s29;
	[tilespmem:v3+s24+$0x0] =	vst.idx.add.s32.msk $0xffff, v1  }
0x51d: {  	s1 =	sshll.u32 s1, $0x5;
	v7 =	vld [tilespmem:s30+$0x8110]  }
0x51e: {  	s5 =	sadd.s32 s1, s0;
	s0 =	smov.u32 s31;
	[tilespmem:v5+s24+$0x0] =	vst.idx.add.s32.msk $0xffff, v1  }
0x51f: {  	s6 =	sor.u32 $0x300, s5;
	s1 =	sor.u32 $0x380, s5;
	s5 =	sadd.s32 $0x10, s5;
	v5 =	vld [tilespmem:s30+$0x8100]  }
0x520: {  	s7 =	sor.u32 $0x300, s5;
	[tilespmem:v2+s24+$0x0] =	vst.idx.add.s32.msk $0xffff, v1  }
0x521: {  	v3 =	vld [tilespmem:s7+$0x8000]  }
0x522: {  	[tilespmem:v4+s24+$0x0] =	vst.idx.add.s32.msk $0xffff, v1  }
.Ltmp12:
0x523: {  	v2 =	vld [tilespmem:s6+$0x8000];
	(pc) =	sbr.rel @p0 .LBB2_26-.Ltmp12, $4  }
0x524: {  	[tilespmem:v6+s24+$0x0] =	vst.idx.add.s32.msk $0xffff, v1  }
0x525: {  	[tilespmem:v7+s23+$0x0] =	vst.idx.add.s32.msk $0xffff, v1  }
0x526: {  	v4 =	vld [tilespmem:s30+$0x8190]  }
0x527: {  	s4 =	sadd.s32 $0x20, s4;
	[tilespmem:v5+s23+$0x0] =	vst.idx.add.s32.msk $0xffff, v1  }
0x528: {  	_ = 	snop  }
0x529: {  	v5 =	vld [tilespmem:s30+$0x8180];
	_ =	sdelay $0x5  }
0x52a: {  	[tilespmem:v4+s24+$0x0] =	vst.idx.add.s32.msk $0xffff, v1  }
0x52b: {  	v4 =	vld [tilespmem:s30+$0x8210]  }
0x52c: {  	[tilespmem:v5+s24+$0x0] =	vst.idx.add.s32.msk $0xffff, v1  }
0x52d: {  	v5 =	vld [tilespmem:s30+$0x8200];
	_ =	sdelay $0x5  }
0x52e: {  	[tilespmem:v4+s23+$0x0] =	vst.idx.add.s32.msk $0xffff, v1  }
0x52f: {  	v4 =	vld [tilespmem:s30+$0x8290]  }
0x530: {  	[tilespmem:v5+s23+$0x0] =	vst.idx.add.s32.msk $0xffff, v1  }
0x531: {  	v5 =	vld [tilespmem:s30+$0x8280]  }
0x532: {  	s2 =	sadd.s32 $0x1, s29  }
0x533: {  	s2 =	sand.u32 $0x3, s2  }
0x534: {  	s2 =	sshll.u32 s2, $0x5  }
0x535: {  	s0 =	sadd.s32 s2, s0  }
0x536: {  	s2 =	sadd.s32 $0x10, s0  }
0x537: {  	s4 =	sor.u32 $0x300, s2;
	[tilespmem:v4+s24+$0x0] =	vst.idx.add.s32.msk $0xffff, v1  }
0x538: {  	v4 =	vld [tilespmem:s4+$0x8000]  }
0x539: {  	s6 =	sor.u32 $0x300, s0;
	[tilespmem:v5+s24+$0x0] =	vst.idx.add.s32.msk $0xffff, v1  }
0x53a: {  	v5 =	vld [tilespmem:s6+$0x8000];
	_ =	sdelay $0x1  }
0x53b: {  	[tilespmem:v3+s23+$0x0] =	vst.idx.add.s32.msk $0xffff, v1  }
0x53c: {  	s7 =	sor.u32 $0x380, s5;
	[tilespmem:v2+s23+$0x0] =	vst.idx.add.s32.msk $0xffff, v1  }
0x53d: {  	v3 =	vld [tilespmem:s7+$0x8000]  }
0x53e: {  	v2 =	vld [tilespmem:s1+$0x8000]  }
0x53f: {  	s5 =	sor.u32 $0x380, s2;
	[tilespmem:v4+s23+$0x0] =	vst.idx.add.s32.msk $0xffff, v1  }
0x540: {  	v4 =	vld [tilespmem:s5+$0x8000]  }
0x541: {  	s0 =	sor.u32 $0x380, s0;
	[tilespmem:v5+s23+$0x0] =	vst.idx.add.s32.msk $0xffff, v1  }
0x542: {  	v5 =	vld [tilespmem:s0+$0x8000];
	_ =	sdelay $0x4  }
0x543: {  	[tilespmem:v3+s24+$0x0] =	vst.idx.add.s32.msk $0xffff, v1  }
0x544: {  	[tilespmem:v2+s24+$0x0] =	vst.idx.add.s32.msk $0xffff, v1  }
0x545: {  	[tilespmem:v4+s24+$0x0] =	vst.idx.add.s32.msk $0xffff, v1  }
0x546: {  	s29 =	simm.s32 $0x0;
	[tilespmem:v5+s24+$0x0] =	vst.idx.add.s32.msk $0xffff, v1  }
0x547: {  	[tilespmem:s21], [sflag:$0x2] =	stream.linear.gather [hbm4b:s16+s29], $0x8000, $0x38;
	[tilespmem:$0x1A000] =	vst v63  }
0x548: {  	_ =	swait.ge [sflag:s22], $0x8000  }
0x549: {  	s7 =	sand.u32 $0x7C00, s29;
	s6 =	sand.u32 $0x60, s29;
	[sflag:s22] =	ssyncset.done $0x0  }
0x54a: {  	s0 =	sor.u32 s6, s7;
	[sflag:s22] =	ssyncadd.s32 $0xFFFF8000  }
0x54b: {  	v2 =	vld [tilespmem:s0+$0x10];
	_ =	sdelay $0x3  }
0x54c: {  	v3 =	vld [tilespmem:s0+$0x0];
	_ =	sdelay $0x3  }
0x54d: {  	[tilespmem:v2+s23+$0x0] =	vst.idx.add.s32.msk $0xffff, v1  }
0x54e: {  	v2 =	vld [tilespmem:s0+$0x90];
	_ =	sdelay $0x2  }
0x54f: {  	[tilespmem:v3+s23+$0x0] =	vst.idx.add.s32.msk $0xffff, v1  }
0x550: {  	v3 =	vld [tilespmem:s0+$0x80];
	_ =	sdelay $0x3  }
0x551: {  	[tilespmem:v2+s24+$0x0] =	vst.idx.add.s32.msk $0xffff, v1  }
0x552: {  	v2 =	vld [tilespmem:s0+$0x110];
	_ =	sdelay $0x2  }
0x553: {  	[tilespmem:v3+s24+$0x0] =	vst.idx.add.s32.msk $0xffff, v1  }
0x554: {  	v3 =	vld [tilespmem:s0+$0x100];
	_ =	sdelay $0x3  }
0x555: {  	s31 =	simm.s32 $0x100;
	s2 =	simm.s32 $0x20;
	[tilespmem:v2+s23+$0x0] =	vst.idx.add.s32.msk $0xffff, v1  }
0x556: {  	s1 =	sand.u32 $0x60, s2;
	s4 =	sand.u32 $0x7C00, s31;
	v2 =	vld [tilespmem:s0+$0x190]  }
0x557: {  	s30 =	sor.u32 s1, s4  }
0x558: {  	v4 =	vld [tilespmem:s30+$0x10]  }
0x559: {  	[tilespmem:v3+s23+$0x0] =	vst.idx.add.s32.msk $0xffff, v1  }
0x55a: {  	v3 =	vld [tilespmem:s0+$0x180];
	_ =	sdelay $0x2  }
0x55b: {  	v5 =	vld [tilespmem:s30+$0x0]  }
0x55c: {  	[tilespmem:v2+s24+$0x0] =	vst.idx.add.s32.msk $0xffff, v1  }
0x55d: {  	v2 =	vld [tilespmem:s0+$0x210]  }
0x55e: {  	[tilespmem:v4+s23+$0x0] =	vst.idx.add.s32.msk $0xffff, v1  }
0x55f: {  	v4 =	vld [tilespmem:s30+$0x90]  }
0x560: {  	[tilespmem:v3+s24+$0x0] =	vst.idx.add.s32.msk $0xffff, v1  }
0x561: {  	v3 =	vld [tilespmem:s0+$0x200];
	_ =	sdelay $0x1  }
0x562: {  	[tilespmem:v5+s23+$0x0] =	vst.idx.add.s32.msk $0xffff, v1  }
0x563: {  	v5 =	vld [tilespmem:s30+$0x80]  }
0x564: {  	[tilespmem:v2+s23+$0x0] =	vst.idx.add.s32.msk $0xffff, v1  }
0x565: {  	v2 =	vld [tilespmem:s0+$0x290]  }
0x566: {  	[tilespmem:v4+s24+$0x0] =	vst.idx.add.s32.msk $0xffff, v1  }
0x567: {  	v4 =	vld [tilespmem:s30+$0x110]  }
0x568: {  	[tilespmem:v3+s23+$0x0] =	vst.idx.add.s32.msk $0xffff, v1  }
0x569: {  	s5 =	sand.u32 $0x3, s29;
	v6 =	vld [tilespmem:s0+$0x280]  }
0x56a: {  	s0 =	sshll.u32 s5, $0x5  }
0x56b: {  	[tilespmem:v5+s24+$0x0] =	vst.idx.add.s32.msk $0xffff, v1;
	s0 =	sadd.s32 $0x0, s0  }
0x56c: {  	v5 =	vld [tilespmem:s30+$0x100];
	s5 =	sadd.s32 $0x10, s0  }
0x56d: {  	s6 =	sor.u32 $0x300, s5;
	[tilespmem:v2+s24+$0x0] =	vst.idx.add.s32.msk $0xffff, v1  }
0x56e: {  	v3 =	vld [tilespmem:s6+$0x0];
	_ =	sdelay $0x1  }
0x56f: {  	[tilespmem:v4+s23+$0x0] =	vst.idx.add.s32.msk $0xffff, v1  }
0x570: {  	s7 =	sor.u32 $0x300, s0;
	[tilespmem:v6+s24+$0x0] =	vst.idx.add.s32.msk $0xffff, v1  }
0x571: {  	v2 =	vld [tilespmem:s7+$0x0]  }
0x572: {  	s2 =	simm.s32 $0x2;
	v4 =	vld [tilespmem:s30+$0x190]  }
0x573: {  	s4 =	simm.s32 $0x40;
	[tilespmem:v5+s23+$0x0] =	vst.idx.add.s32.msk $0xffff, v1;
	s1 =	sor.u32 $0x380, s0;
	s0 =	simm.s32 $0x100  }
.LBB2_28:
0x574: {  	s6 =	sand.u32 $0x60, s4;
	v5 =	vld [tilespmem:s30+$0x180];
	s31 =	sadd.s32 $0x100, s31  }
0x575: {  	s2 =	sadd.s32 $0x2, s2;
	s5 =	sor.u32 $0x380, s5;
	s7 =	sand.u32 $0x7C00, s31;
	[tilespmem:v3+s23+$0x0] =	vst.idx.add.s32.msk $0xffff, v1  }
0x576: {  	p0 =	slt.u32 s2, $0xFE;
	s6 =	sor.u32 s6, s7;
	v3 =	vld [tilespmem:s5+$0x0]  }
0x577: {  	v6 =	vld [tilespmem:s6+$0x10]  }
0x578: {  	v7 =	vld [tilespmem:s6+$0x0]  }
0x579: {  	[tilespmem:v2+s23+$0x0] =	vst.idx.add.s32.msk $0xffff, v1  }
0x57a: {  	[tilespmem:v4+s24+$0x0] =	vst.idx.add.s32.msk $0xffff, v1  }
0x57b: {  	v2 =	vld [tilespmem:s30+$0x210]  }
0x57c: {  	[tilespmem:v5+s24+$0x0] =	vst.idx.add.s32.msk $0xffff, v1  }
0x57d: {  	v4 =	vld [tilespmem:s30+$0x200]  }
0x57e: {  	[tilespmem:v3+s24+$0x0] =	vst.idx.add.s32.msk $0xffff, v1  }
0x57f: {  	[tilespmem:v6+s23+$0x0] =	vst.idx.add.s32.msk $0xffff, v1  }
0x580: {  	v3 =	vld [tilespmem:s6+$0x90]  }
0x581: {  	[tilespmem:v7+s23+$0x0] =	vst.idx.add.s32.msk $0xffff, v1  }
0x582: {  	v5 =	vld [tilespmem:s6+$0x80]  }
0x583: {  	[tilespmem:v2+s23+$0x0] =	vst.idx.add.s32.msk $0xffff, v1  }
0x584: {  	v2 =	vld [tilespmem:s30+$0x290]  }
0x585: {  	[tilespmem:v4+s23+$0x0] =	vst.idx.add.s32.msk $0xffff, v1  }
0x586: {  	v4 =	vld [tilespmem:s30+$0x280];
	s30 =	smov.u32 s6  }
0x587: {  	s29 =	sadd.s32 $0x1, s29;
	v6 =	vld [tilespmem:s1+$0x0]  }
0x588: {  	s1 =	sand.u32 $0x3, s29;
	[tilespmem:v3+s24+$0x0] =	vst.idx.add.s32.msk $0xffff, v1  }
0x589: {  	s1 =	sshll.u32 s1, $0x5;
	v7 =	vld [tilespmem:s30+$0x110]  }
0x58a: {  	s5 =	sadd.s32 s1, s0;
	s0 =	smov.u32 s31;
	[tilespmem:v5+s24+$0x0] =	vst.idx.add.s32.msk $0xffff, v1  }
0x58b: {  	s6 =	sor.u32 $0x300, s5;
	s1 =	sor.u32 $0x380, s5;
	s5 =	sadd.s32 $0x10, s5;
	v5 =	vld [tilespmem:s30+$0x100]  }
0x58c: {  	s7 =	sor.u32 $0x300, s5;
	[tilespmem:v2+s24+$0x0] =	vst.idx.add.s32.msk $0xffff, v1  }
0x58d: {  	v3 =	vld [tilespmem:s7+$0x0]  }
0x58e: {  	[tilespmem:v4+s24+$0x0] =	vst.idx.add.s32.msk $0xffff, v1  }
.Ltmp13:
0x58f: {  	v2 =	vld [tilespmem:s6+$0x0];
	(pc) =	sbr.rel @p0 .LBB2_28-.Ltmp13, $4  }
0x590: {  	[tilespmem:v6+s24+$0x0] =	vst.idx.add.s32.msk $0xffff, v1  }
0x591: {  	[tilespmem:v7+s23+$0x0] =	vst.idx.add.s32.msk $0xffff, v1  }
0x592: {  	v4 =	vld [tilespmem:s30+$0x190]  }
0x593: {  	s4 =	sadd.s32 $0x20, s4;
	[tilespmem:v5+s23+$0x0] =	vst.idx.add.s32.msk $0xffff, v1  }
0x594: {  	_ = 	snop  }
0x595: {  	v5 =	vld [tilespmem:s30+$0x180];
	_ =	sdelay $0x5  }
0x596: {  	[tilespmem:v4+s24+$0x0] =	vst.idx.add.s32.msk $0xffff, v1  }
0x597: {  	v4 =	vld [tilespmem:s30+$0x210]  }
0x598: {  	[tilespmem:v5+s24+$0x0] =	vst.idx.add.s32.msk $0xffff, v1  }
0x599: {  	v5 =	vld [tilespmem:s30+$0x200];
	_ =	sdelay $0x5  }
0x59a: {  	[tilespmem:v4+s23+$0x0] =	vst.idx.add.s32.msk $0xffff, v1  }
0x59b: {  	v4 =	vld [tilespmem:s30+$0x290]  }
0x59c: {  	[tilespmem:v5+s23+$0x0] =	vst.idx.add.s32.msk $0xffff, v1  }
0x59d: {  	v5 =	vld [tilespmem:s30+$0x280]  }
0x59e: {  	s2 =	sadd.s32 $0x1, s29  }
0x59f: {  	s2 =	sand.u32 $0x3, s2  }
0x5a0: {  	s2 =	sshll.u32 s2, $0x5  }
0x5a1: {  	s0 =	sadd.s32 s2, s0  }
0x5a2: {  	s2 =	sadd.s32 $0x10, s0  }
0x5a3: {  	s4 =	sor.u32 $0x300, s2;
	[tilespmem:v4+s24+$0x0] =	vst.idx.add.s32.msk $0xffff, v1  }
0x5a4: {  	v4 =	vld [tilespmem:s4+$0x0]  }
0x5a5: {  	s6 =	sor.u32 $0x300, s0;
	[tilespmem:v5+s24+$0x0] =	vst.idx.add.s32.msk $0xffff, v1  }
0x5a6: {  	v5 =	vld [tilespmem:s6+$0x0];
	_ =	sdelay $0x1  }
0x5a7: {  	[tilespmem:v3+s23+$0x0] =	vst.idx.add.s32.msk $0xffff, v1  }
0x5a8: {  	s7 =	sor.u32 $0x380, s5;
	[tilespmem:v2+s23+$0x0] =	vst.idx.add.s32.msk $0xffff, v1  }
0x5a9: {  	v3 =	vld [tilespmem:s7+$0x0]  }
0x5aa: {  	v2 =	vld [tilespmem:s1+$0x0]  }
0x5ab: {  	s5 =	sor.u32 $0x380, s2;
	[tilespmem:v4+s23+$0x0] =	vst.idx.add.s32.msk $0xffff, v1  }
0x5ac: {  	v4 =	vld [tilespmem:s5+$0x0]  }
0x5ad: {  	s0 =	sor.u32 $0x380, s0;
	[tilespmem:v5+s23+$0x0] =	vst.idx.add.s32.msk $0xffff, v1  }
0x5ae: {  	v5 =	vld [tilespmem:s0+$0x0];
	_ =	sdelay $0x4  }
0x5af: {  	[tilespmem:v3+s24+$0x0] =	vst.idx.add.s32.msk $0xffff, v1  }
0x5b0: {  	[tilespmem:v2+s24+$0x0] =	vst.idx.add.s32.msk $0xffff, v1  }
0x5b1: {  	[tilespmem:v4+s24+$0x0] =	vst.idx.add.s32.msk $0xffff, v1  }
0x5b2: {  	s29 =	simm.s32 $0x0;
	[tilespmem:v5+s24+$0x0] =	vst.idx.add.s32.msk $0xffff, v1  }
0x5b3: {  	[tilespmem:s29], [sflag:$0x1] =	stream.linear.gather [hbm4b:s17+s29], $0x8000, $0x38;
	[tilespmem:$0x1A000] =	vst v63  }
0x5b4: {  	_ =	swait.ge [sflag:s25], $0x8000  }
0x5b5: {  	s7 =	sand.u32 $0x7C00, s29;
	s6 =	sand.u32 $0x60, s29;
	[sflag:s25] =	ssyncset.done $0x0  }
0x5b6: {  	s0 =	sor.u32 s6, s7;
	[sflag:s25] =	ssyncadd.s32 $0xFFFF8000  }
0x5b7: {  	v2 =	vld [tilespmem:s0+$0x8010];
	_ =	sdelay $0x3  }
0x5b8: {  	v3 =	vld [tilespmem:s0+$0x8000];
	_ =	sdelay $0x3  }
0x5b9: {  	[tilespmem:v2+s23+$0x0] =	vst.idx.add.s32.msk $0xffff, v1  }
0x5ba: {  	v2 =	vld [tilespmem:s0+$0x8090];
	_ =	sdelay $0x2  }
0x5bb: {  	[tilespmem:v3+s23+$0x0] =	vst.idx.add.s32.msk $0xffff, v1  }
0x5bc: {  	v3 =	vld [tilespmem:s0+$0x8080];
	_ =	sdelay $0x3  }
0x5bd: {  	[tilespmem:v2+s24+$0x0] =	vst.idx.add.s32.msk $0xffff, v1  }
0x5be: {  	v2 =	vld [tilespmem:s0+$0x8110];
	_ =	sdelay $0x2  }
0x5bf: {  	[tilespmem:v3+s24+$0x0] =	vst.idx.add.s32.msk $0xffff, v1  }
0x5c0: {  	v3 =	vld [tilespmem:s0+$0x8100];
	_ =	sdelay $0x3  }
0x5c1: {  	s31 =	simm.s32 $0x100;
	s2 =	simm.s32 $0x20;
	[tilespmem:v2+s23+$0x0] =	vst.idx.add.s32.msk $0xffff, v1  }
0x5c2: {  	s1 =	sand.u32 $0x60, s2;
	s4 =	sand.u32 $0x7C00, s31;
	v2 =	vld [tilespmem:s0+$0x8190]  }
0x5c3: {  	s30 =	sor.u32 s1, s4  }
0x5c4: {  	v4 =	vld [tilespmem:s30+$0x8010]  }
0x5c5: {  	[tilespmem:v3+s23+$0x0] =	vst.idx.add.s32.msk $0xffff, v1  }
0x5c6: {  	v3 =	vld [tilespmem:s0+$0x8180];
	_ =	sdelay $0x2  }
0x5c7: {  	v5 =	vld [tilespmem:s30+$0x8000]  }
0x5c8: {  	[tilespmem:v2+s24+$0x0] =	vst.idx.add.s32.msk $0xffff, v1  }
0x5c9: {  	v2 =	vld [tilespmem:s0+$0x8210]  }
0x5ca: {  	[tilespmem:v4+s23+$0x0] =	vst.idx.add.s32.msk $0xffff, v1  }
0x5cb: {  	v4 =	vld [tilespmem:s30+$0x8090]  }
0x5cc: {  	[tilespmem:v3+s24+$0x0] =	vst.idx.add.s32.msk $0xffff, v1  }
0x5cd: {  	v3 =	vld [tilespmem:s0+$0x8200];
	_ =	sdelay $0x1  }
0x5ce: {  	[tilespmem:v5+s23+$0x0] =	vst.idx.add.s32.msk $0xffff, v1  }
0x5cf: {  	v5 =	vld [tilespmem:s30+$0x8080]  }
0x5d0: {  	[tilespmem:v2+s23+$0x0] =	vst.idx.add.s32.msk $0xffff, v1  }
0x5d1: {  	v2 =	vld [tilespmem:s0+$0x8290]  }
0x5d2: {  	[tilespmem:v4+s24+$0x0] =	vst.idx.add.s32.msk $0xffff, v1  }
0x5d3: {  	v4 =	vld [tilespmem:s30+$0x8110]  }
0x5d4: {  	[tilespmem:v3+s23+$0x0] =	vst.idx.add.s32.msk $0xffff, v1  }
0x5d5: {  	s5 =	sand.u32 $0x3, s29;
	v6 =	vld [tilespmem:s0+$0x8280]  }
0x5d6: {  	s0 =	sshll.u32 s5, $0x5  }
0x5d7: {  	[tilespmem:v5+s24+$0x0] =	vst.idx.add.s32.msk $0xffff, v1;
	s0 =	sadd.s32 $0x0, s0  }
0x5d8: {  	v5 =	vld [tilespmem:s30+$0x8100];
	s5 =	sadd.s32 $0x10, s0  }
0x5d9: {  	s6 =	sor.u32 $0x300, s5;
	[tilespmem:v2+s24+$0x0] =	vst.idx.add.s32.msk $0xffff, v1  }
0x5da: {  	v3 =	vld [tilespmem:s6+$0x8000];
	_ =	sdelay $0x1  }
0x5db: {  	[tilespmem:v4+s23+$0x0] =	vst.idx.add.s32.msk $0xffff, v1  }
0x5dc: {  	s7 =	sor.u32 $0x300, s0;
	[tilespmem:v6+s24+$0x0] =	vst.idx.add.s32.msk $0xffff, v1  }
0x5dd: {  	v2 =	vld [tilespmem:s7+$0x8000]  }
0x5de: {  	s2 =	simm.s32 $0x2;
	v4 =	vld [tilespmem:s30+$0x8190]  }
0x5df: {  	s4 =	simm.s32 $0x40;
	[tilespmem:v5+s23+$0x0] =	vst.idx.add.s32.msk $0xffff, v1;
	s1 =	sor.u32 $0x380, s0;
	s0 =	simm.s32 $0x100  }
.LBB2_30:
0x5e0: {  	s6 =	sand.u32 $0x60, s4;
	v5 =	vld [tilespmem:s30+$0x8180];
	s31 =	sadd.s32 $0x100, s31  }
0x5e1: {  	s2 =	sadd.s32 $0x2, s2;
	s5 =	sor.u32 $0x380, s5;
	s7 =	sand.u32 $0x7C00, s31;
	[tilespmem:v3+s23+$0x0] =	vst.idx.add.s32.msk $0xffff, v1  }
0x5e2: {  	p0 =	slt.u32 s2, $0xFE;
	s6 =	sor.u32 s6, s7;
	v3 =	vld [tilespmem:s5+$0x8000]  }
0x5e3: {  	v6 =	vld [tilespmem:s6+$0x8010]  }
0x5e4: {  	v7 =	vld [tilespmem:s6+$0x8000]  }
0x5e5: {  	[tilespmem:v2+s23+$0x0] =	vst.idx.add.s32.msk $0xffff, v1  }
0x5e6: {  	[tilespmem:v4+s24+$0x0] =	vst.idx.add.s32.msk $0xffff, v1  }
0x5e7: {  	v2 =	vld [tilespmem:s30+$0x8210]  }
0x5e8: {  	[tilespmem:v5+s24+$0x0] =	vst.idx.add.s32.msk $0xffff, v1  }
0x5e9: {  	v4 =	vld [tilespmem:s30+$0x8200]  }
0x5ea: {  	[tilespmem:v3+s24+$0x0] =	vst.idx.add.s32.msk $0xffff, v1  }
0x5eb: {  	[tilespmem:v6+s23+$0x0] =	vst.idx.add.s32.msk $0xffff, v1  }
0x5ec: {  	v3 =	vld [tilespmem:s6+$0x8090]  }
0x5ed: {  	[tilespmem:v7+s23+$0x0] =	vst.idx.add.s32.msk $0xffff, v1  }
0x5ee: {  	v5 =	vld [tilespmem:s6+$0x8080]  }
0x5ef: {  	[tilespmem:v2+s23+$0x0] =	vst.idx.add.s32.msk $0xffff, v1  }
0x5f0: {  	v2 =	vld [tilespmem:s30+$0x8290]  }
0x5f1: {  	[tilespmem:v4+s23+$0x0] =	vst.idx.add.s32.msk $0xffff, v1  }
0x5f2: {  	v4 =	vld [tilespmem:s30+$0x8280];
	s30 =	smov.u32 s6  }
0x5f3: {  	s29 =	sadd.s32 $0x1, s29;
	v6 =	vld [tilespmem:s1+$0x8000]  }
0x5f4: {  	s1 =	sand.u32 $0x3, s29;
	[tilespmem:v3+s24+$0x0] =	vst.idx.add.s32.msk $0xffff, v1  }
0x5f5: {  	s1 =	sshll.u32 s1, $0x5;
	v7 =	vld [tilespmem:s30+$0x8110]  }
0x5f6: {  	s5 =	sadd.s32 s1, s0;
	s0 =	smov.u32 s31;
	[tilespmem:v5+s24+$0x0] =	vst.idx.add.s32.msk $0xffff, v1  }
0x5f7: {  	s6 =	sor.u32 $0x300, s5;
	s1 =	sor.u32 $0x380, s5;
	s5 =	sadd.s32 $0x10, s5;
	v5 =	vld [tilespmem:s30+$0x8100]  }
0x5f8: {  	s7 =	sor.u32 $0x300, s5;
	[tilespmem:v2+s24+$0x0] =	vst.idx.add.s32.msk $0xffff, v1  }
0x5f9: {  	v3 =	vld [tilespmem:s7+$0x8000]  }
0x5fa: {  	[tilespmem:v4+s24+$0x0] =	vst.idx.add.s32.msk $0xffff, v1  }
.Ltmp14:
0x5fb: {  	v2 =	vld [tilespmem:s6+$0x8000];
	(pc) =	sbr.rel @p0 .LBB2_30-.Ltmp14, $4  }
0x5fc: {  	[tilespmem:v6+s24+$0x0] =	vst.idx.add.s32.msk $0xffff, v1  }
0x5fd: {  	[tilespmem:v7+s23+$0x0] =	vst.idx.add.s32.msk $0xffff, v1  }
0x5fe: {  	v4 =	vld [tilespmem:s30+$0x8190]  }
0x5ff: {  	s4 =	sadd.s32 $0x20, s4;
	[tilespmem:v5+s23+$0x0] =	vst.idx.add.s32.msk $0xffff, v1  }
0x600: {  	_ = 	snop  }
0x601: {  	v5 =	vld [tilespmem:s30+$0x8180];
	_ =	sdelay $0x5  }
0x602: {  	[tilespmem:v4+s24+$0x0] =	vst.idx.add.s32.msk $0xffff, v1  }
0x603: {  	v4 =	vld [tilespmem:s30+$0x8210]  }
0x604: {  	[tilespmem:v5+s24+$0x0] =	vst.idx.add.s32.msk $0xffff, v1  }
0x605: {  	v5 =	vld [tilespmem:s30+$0x8200];
	_ =	sdelay $0x5  }
0x606: {  	[tilespmem:v4+s23+$0x0] =	vst.idx.add.s32.msk $0xffff, v1  }
0x607: {  	v4 =	vld [tilespmem:s30+$0x8290]  }
0x608: {  	[tilespmem:v5+s23+$0x0] =	vst.idx.add.s32.msk $0xffff, v1  }
0x609: {  	v5 =	vld [tilespmem:s30+$0x8280]  }
0x60a: {  	s2 =	sadd.s32 $0x1, s29  }
0x60b: {  	s2 =	sand.u32 $0x3, s2  }
0x60c: {  	s2 =	sshll.u32 s2, $0x5  }
0x60d: {  	s0 =	sadd.s32 s2, s0  }
0x60e: {  	s2 =	sadd.s32 $0x10, s0  }
0x60f: {  	s4 =	sor.u32 $0x300, s2;
	[tilespmem:v4+s24+$0x0] =	vst.idx.add.s32.msk $0xffff, v1  }
0x610: {  	v4 =	vld [tilespmem:s4+$0x8000]  }
0x611: {  	s6 =	sor.u32 $0x300, s0;
	[tilespmem:v5+s24+$0x0] =	vst.idx.add.s32.msk $0xffff, v1  }
0x612: {  	v5 =	vld [tilespmem:s6+$0x8000];
	_ =	sdelay $0x1  }
0x613: {  	[tilespmem:v3+s23+$0x0] =	vst.idx.add.s32.msk $0xffff, v1  }
0x614: {  	s7 =	sor.u32 $0x380, s5;
	[tilespmem:v2+s23+$0x0] =	vst.idx.add.s32.msk $0xffff, v1  }
0x615: {  	v3 =	vld [tilespmem:s7+$0x8000]  }
0x616: {  	v2 =	vld [tilespmem:s1+$0x8000]  }
0x617: {  	s5 =	sor.u32 $0x380, s2;
	[tilespmem:v4+s23+$0x0] =	vst.idx.add.s32.msk $0xffff, v1  }
0x618: {  	v4 =	vld [tilespmem:s5+$0x8000]  }
0x619: {  	s0 =	sor.u32 $0x380, s0;
	[tilespmem:v5+s23+$0x0] =	vst.idx.add.s32.msk $0xffff, v1  }
0x61a: {  	v5 =	vld [tilespmem:s0+$0x8000];
	_ =	sdelay $0x4  }
0x61b: {  	[tilespmem:v3+s24+$0x0] =	vst.idx.add.s32.msk $0xffff, v1  }
0x61c: {  	[tilespmem:v2+s24+$0x0] =	vst.idx.add.s32.msk $0xffff, v1  }
0x61d: {  	[tilespmem:v4+s24+$0x0] =	vst.idx.add.s32.msk $0xffff, v1  }
0x61e: {  	s29 =	simm.s32 $0x0;
	[tilespmem:v5+s24+$0x0] =	vst.idx.add.s32.msk $0xffff, v1  }
0x61f: {  	[tilespmem:s21], [sflag:$0x2] =	stream.linear.gather [hbm4b:s18+s29], $0x8000, $0x38;
	[tilespmem:$0x1A000] =	vst v63  }
0x620: {  	_ =	swait.ge [sflag:s22], $0x8000  }
0x621: {  	s7 =	sand.u32 $0x7C00, s29;
	s6 =	sand.u32 $0x60, s29;
	[sflag:s22] =	ssyncset.done $0x0  }
0x622: {  	s0 =	sor.u32 s6, s7;
	[sflag:s22] =	ssyncadd.s32 $0xFFFF8000  }
0x623: {  	v2 =	vld [tilespmem:s0+$0x10];
	_ =	sdelay $0x3  }
0x624: {  	v3 =	vld [tilespmem:s0+$0x0];
	_ =	sdelay $0x3  }
0x625: {  	[tilespmem:v2+s23+$0x0] =	vst.idx.add.s32.msk $0xffff, v1  }
0x626: {  	v2 =	vld [tilespmem:s0+$0x90];
	_ =	sdelay $0x2  }
0x627: {  	[tilespmem:v3+s23+$0x0] =	vst.idx.add.s32.msk $0xffff, v1  }
0x628: {  	v3 =	vld [tilespmem:s0+$0x80];
	_ =	sdelay $0x3  }
0x629: {  	[tilespmem:v2+s24+$0x0] =	vst.idx.add.s32.msk $0xffff, v1  }
0x62a: {  	v2 =	vld [tilespmem:s0+$0x110];
	_ =	sdelay $0x2  }
0x62b: {  	[tilespmem:v3+s24+$0x0] =	vst.idx.add.s32.msk $0xffff, v1  }
0x62c: {  	v3 =	vld [tilespmem:s0+$0x100];
	_ =	sdelay $0x3  }
0x62d: {  	s31 =	simm.s32 $0x100;
	s2 =	simm.s32 $0x20;
	[tilespmem:v2+s23+$0x0] =	vst.idx.add.s32.msk $0xffff, v1  }
0x62e: {  	s1 =	sand.u32 $0x60, s2;
	s4 =	sand.u32 $0x7C00, s31;
	v2 =	vld [tilespmem:s0+$0x190]  }
0x62f: {  	s30 =	sor.u32 s1, s4  }
0x630: {  	v4 =	vld [tilespmem:s30+$0x10]  }
0x631: {  	[tilespmem:v3+s23+$0x0] =	vst.idx.add.s32.msk $0xffff, v1  }
0x632: {  	v3 =	vld [tilespmem:s0+$0x180];
	_ =	sdelay $0x2  }
0x633: {  	v5 =	vld [tilespmem:s30+$0x0]  }
0x634: {  	[tilespmem:v2+s24+$0x0] =	vst.idx.add.s32.msk $0xffff, v1  }
0x635: {  	v2 =	vld [tilespmem:s0+$0x210]  }
0x636: {  	[tilespmem:v4+s23+$0x0] =	vst.idx.add.s32.msk $0xffff, v1  }
0x637: {  	v4 =	vld [tilespmem:s30+$0x90]  }
0x638: {  	[tilespmem:v3+s24+$0x0] =	vst.idx.add.s32.msk $0xffff, v1  }
0x639: {  	v3 =	vld [tilespmem:s0+$0x200];
	_ =	sdelay $0x1  }
0x63a: {  	[tilespmem:v5+s23+$0x0] =	vst.idx.add.s32.msk $0xffff, v1  }
0x63b: {  	v5 =	vld [tilespmem:s30+$0x80]  }
0x63c: {  	[tilespmem:v2+s23+$0x0] =	vst.idx.add.s32.msk $0xffff, v1  }
0x63d: {  	v2 =	vld [tilespmem:s0+$0x290]  }
0x63e: {  	[tilespmem:v4+s24+$0x0] =	vst.idx.add.s32.msk $0xffff, v1  }
0x63f: {  	v4 =	vld [tilespmem:s30+$0x110]  }
0x640: {  	[tilespmem:v3+s23+$0x0] =	vst.idx.add.s32.msk $0xffff, v1  }
0x641: {  	s5 =	sand.u32 $0x3, s29;
	v6 =	vld [tilespmem:s0+$0x280]  }
0x642: {  	s0 =	sshll.u32 s5, $0x5  }
0x643: {  	[tilespmem:v5+s24+$0x0] =	vst.idx.add.s32.msk $0xffff, v1;
	s0 =	sadd.s32 $0x0, s0  }
0x644: {  	v5 =	vld [tilespmem:s30+$0x100];
	s5 =	sadd.s32 $0x10, s0  }
0x645: {  	s6 =	sor.u32 $0x300, s5;
	[tilespmem:v2+s24+$0x0] =	vst.idx.add.s32.msk $0xffff, v1  }
0x646: {  	v3 =	vld [tilespmem:s6+$0x0];
	_ =	sdelay $0x1  }
0x647: {  	[tilespmem:v4+s23+$0x0] =	vst.idx.add.s32.msk $0xffff, v1  }
0x648: {  	s7 =	sor.u32 $0x300, s0;
	[tilespmem:v6+s24+$0x0] =	vst.idx.add.s32.msk $0xffff, v1  }
0x649: {  	v2 =	vld [tilespmem:s7+$0x0]  }
0x64a: {  	s2 =	simm.s32 $0x2;
	v4 =	vld [tilespmem:s30+$0x190]  }
0x64b: {  	s4 =	simm.s32 $0x40;
	[tilespmem:v5+s23+$0x0] =	vst.idx.add.s32.msk $0xffff, v1;
	s1 =	sor.u32 $0x380, s0;
	s0 =	simm.s32 $0x100  }
.LBB2_32:
0x64c: {  	s6 =	sand.u32 $0x60, s4;
	v5 =	vld [tilespmem:s30+$0x180];
	s31 =	sadd.s32 $0x100, s31  }
0x64d: {  	s2 =	sadd.s32 $0x2, s2;
	s5 =	sor.u32 $0x380, s5;
	s7 =	sand.u32 $0x7C00, s31;
	[tilespmem:v3+s23+$0x0] =	vst.idx.add.s32.msk $0xffff, v1  }
0x64e: {  	p0 =	slt.u32 s2, $0xFE;
	s6 =	sor.u32 s6, s7;
	v3 =	vld [tilespmem:s5+$0x0]  }
0x64f: {  	v6 =	vld [tilespmem:s6+$0x10]  }
0x650: {  	v7 =	vld [tilespmem:s6+$0x0]  }
0x651: {  	[tilespmem:v2+s23+$0x0] =	vst.idx.add.s32.msk $0xffff, v1  }
0x652: {  	[tilespmem:v4+s24+$0x0] =	vst.idx.add.s32.msk $0xffff, v1  }
0x653: {  	v2 =	vld [tilespmem:s30+$0x210]  }
0x654: {  	[tilespmem:v5+s24+$0x0] =	vst.idx.add.s32.msk $0xffff, v1  }
0x655: {  	v4 =	vld [tilespmem:s30+$0x200]  }
0x656: {  	[tilespmem:v3+s24+$0x0] =	vst.idx.add.s32.msk $0xffff, v1  }
0x657: {  	[tilespmem:v6+s23+$0x0] =	vst.idx.add.s32.msk $0xffff, v1  }
0x658: {  	v3 =	vld [tilespmem:s6+$0x90]  }
0x659: {  	[tilespmem:v7+s23+$0x0] =	vst.idx.add.s32.msk $0xffff, v1  }
0x65a: {  	v5 =	vld [tilespmem:s6+$0x80]  }
0x65b: {  	[tilespmem:v2+s23+$0x0] =	vst.idx.add.s32.msk $0xffff, v1  }
0x65c: {  	v2 =	vld [tilespmem:s30+$0x290]  }
0x65d: {  	[tilespmem:v4+s23+$0x0] =	vst.idx.add.s32.msk $0xffff, v1  }
0x65e: {  	v4 =	vld [tilespmem:s30+$0x280];
	s30 =	smov.u32 s6  }
0x65f: {  	s29 =	sadd.s32 $0x1, s29;
	v6 =	vld [tilespmem:s1+$0x0]  }
0x660: {  	s1 =	sand.u32 $0x3, s29;
	[tilespmem:v3+s24+$0x0] =	vst.idx.add.s32.msk $0xffff, v1  }
0x661: {  	s1 =	sshll.u32 s1, $0x5;
	v7 =	vld [tilespmem:s30+$0x110]  }
0x662: {  	s5 =	sadd.s32 s1, s0;
	s0 =	smov.u32 s31;
	[tilespmem:v5+s24+$0x0] =	vst.idx.add.s32.msk $0xffff, v1  }
0x663: {  	s6 =	sor.u32 $0x300, s5;
	s1 =	sor.u32 $0x380, s5;
	s5 =	sadd.s32 $0x10, s5;
	v5 =	vld [tilespmem:s30+$0x100]  }
0x664: {  	s7 =	sor.u32 $0x300, s5;
	[tilespmem:v2+s24+$0x0] =	vst.idx.add.s32.msk $0xffff, v1  }
0x665: {  	v3 =	vld [tilespmem:s7+$0x0]  }
0x666: {  	[tilespmem:v4+s24+$0x0] =	vst.idx.add.s32.msk $0xffff, v1  }
.Ltmp15:
0x667: {  	v2 =	vld [tilespmem:s6+$0x0];
	(pc) =	sbr.rel @p0 .LBB2_32-.Ltmp15, $4  }
0x668: {  	[tilespmem:v6+s24+$0x0] =	vst.idx.add.s32.msk $0xffff, v1  }
0x669: {  	[tilespmem:v7+s23+$0x0] =	vst.idx.add.s32.msk $0xffff, v1  }
0x66a: {  	v4 =	vld [tilespmem:s30+$0x190]  }
0x66b: {  	s4 =	sadd.s32 $0x20, s4;
	[tilespmem:v5+s23+$0x0] =	vst.idx.add.s32.msk $0xffff, v1  }
0x66c: {  	_ = 	snop  }
0x66d: {  	v5 =	vld [tilespmem:s30+$0x180];
	_ =	sdelay $0x5  }
0x66e: {  	[tilespmem:v4+s24+$0x0] =	vst.idx.add.s32.msk $0xffff, v1  }
0x66f: {  	v4 =	vld [tilespmem:s30+$0x210]  }
0x670: {  	[tilespmem:v5+s24+$0x0] =	vst.idx.add.s32.msk $0xffff, v1  }
0x671: {  	v5 =	vld [tilespmem:s30+$0x200];
	_ =	sdelay $0x5  }
0x672: {  	[tilespmem:v4+s23+$0x0] =	vst.idx.add.s32.msk $0xffff, v1  }
0x673: {  	v4 =	vld [tilespmem:s30+$0x290]  }
0x674: {  	[tilespmem:v5+s23+$0x0] =	vst.idx.add.s32.msk $0xffff, v1  }
0x675: {  	v5 =	vld [tilespmem:s30+$0x280]  }
0x676: {  	s2 =	sadd.s32 $0x1, s29  }
0x677: {  	s2 =	sand.u32 $0x3, s2  }
0x678: {  	s2 =	sshll.u32 s2, $0x5  }
0x679: {  	s0 =	sadd.s32 s2, s0  }
0x67a: {  	s2 =	sadd.s32 $0x10, s0  }
0x67b: {  	s4 =	sor.u32 $0x300, s2;
	[tilespmem:v4+s24+$0x0] =	vst.idx.add.s32.msk $0xffff, v1  }
0x67c: {  	v4 =	vld [tilespmem:s4+$0x0]  }
0x67d: {  	s6 =	sor.u32 $0x300, s0;
	[tilespmem:v5+s24+$0x0] =	vst.idx.add.s32.msk $0xffff, v1  }
0x67e: {  	v5 =	vld [tilespmem:s6+$0x0];
	_ =	sdelay $0x1  }
0x67f: {  	[tilespmem:v3+s23+$0x0] =	vst.idx.add.s32.msk $0xffff, v1  }
0x680: {  	s7 =	sor.u32 $0x380, s5;
	[tilespmem:v2+s23+$0x0] =	vst.idx.add.s32.msk $0xffff, v1  }
0x681: {  	v3 =	vld [tilespmem:s7+$0x0]  }
0x682: {  	v2 =	vld [tilespmem:s1+$0x0]  }
0x683: {  	s5 =	sor.u32 $0x380, s2;
	[tilespmem:v4+s23+$0x0] =	vst.idx.add.s32.msk $0xffff, v1  }
0x684: {  	v4 =	vld [tilespmem:s5+$0x0]  }
0x685: {  	s0 =	sor.u32 $0x380, s0;
	[tilespmem:v5+s23+$0x0] =	vst.idx.add.s32.msk $0xffff, v1  }
0x686: {  	v5 =	vld [tilespmem:s0+$0x0];
	_ =	sdelay $0x4  }
0x687: {  	[tilespmem:v3+s24+$0x0] =	vst.idx.add.s32.msk $0xffff, v1  }
0x688: {  	[tilespmem:v2+s24+$0x0] =	vst.idx.add.s32.msk $0xffff, v1  }
0x689: {  	[tilespmem:v4+s24+$0x0] =	vst.idx.add.s32.msk $0xffff, v1  }
0x68a: {  	[tilespmem:v5+s24+$0x0] =	vst.idx.add.s32.msk $0xffff, v1  }
0x68b: {  	s29 =	simm.s32 $0x0;
	_ =	swait.ge [sflag:s25], $0x8000  }
0x68c: {  	s7 =	sand.u32 $0x7C00, s29;
	s6 =	sand.u32 $0x60, s29;
	[sflag:s25] =	ssyncset.done $0x0  }
0x68d: {  	s0 =	sor.u32 s6, s7;
	[sflag:s25] =	ssyncadd.s32 $0xFFFF8000  }
0x68e: {  	v2 =	vld [tilespmem:s0+$0x8010];
	_ =	sdelay $0x3  }
0x68f: {  	v3 =	vld [tilespmem:s0+$0x8000];
	_ =	sdelay $0x3  }
0x690: {  	[tilespmem:v2+s23+$0x0] =	vst.idx.add.s32.msk $0xffff, v1  }
0x691: {  	v2 =	vld [tilespmem:s0+$0x8090];
	_ =	sdelay $0x2  }
0x692: {  	[tilespmem:v3+s23+$0x0] =	vst.idx.add.s32.msk $0xffff, v1  }
0x693: {  	v3 =	vld [tilespmem:s0+$0x8080];
	_ =	sdelay $0x3  }
0x694: {  	[tilespmem:v2+s24+$0x0] =	vst.idx.add.s32.msk $0xffff, v1  }
0x695: {  	v2 =	vld [tilespmem:s0+$0x8110];
	_ =	sdelay $0x2  }
0x696: {  	[tilespmem:v3+s24+$0x0] =	vst.idx.add.s32.msk $0xffff, v1  }
0x697: {  	v3 =	vld [tilespmem:s0+$0x8100];
	_ =	sdelay $0x3  }
0x698: {  	s31 =	simm.s32 $0x100;
	s2 =	simm.s32 $0x20;
	[tilespmem:v2+s23+$0x0] =	vst.idx.add.s32.msk $0xffff, v1  }
0x699: {  	s1 =	sand.u32 $0x60, s2;
	s4 =	sand.u32 $0x7C00, s31;
	v2 =	vld [tilespmem:s0+$0x8190]  }
0x69a: {  	s30 =	sor.u32 s1, s4  }
0x69b: {  	v4 =	vld [tilespmem:s30+$0x8010]  }
0x69c: {  	[tilespmem:v3+s23+$0x0] =	vst.idx.add.s32.msk $0xffff, v1  }
0x69d: {  	v3 =	vld [tilespmem:s0+$0x8180];
	_ =	sdelay $0x2  }
0x69e: {  	v5 =	vld [tilespmem:s30+$0x8000]  }
0x69f: {  	[tilespmem:v2+s24+$0x0] =	vst.idx.add.s32.msk $0xffff, v1  }
0x6a0: {  	v2 =	vld [tilespmem:s0+$0x8210]  }
0x6a1: {  	[tilespmem:v4+s23+$0x0] =	vst.idx.add.s32.msk $0xffff, v1  }
0x6a2: {  	v4 =	vld [tilespmem:s30+$0x8090]  }
0x6a3: {  	[tilespmem:v3+s24+$0x0] =	vst.idx.add.s32.msk $0xffff, v1  }
0x6a4: {  	v3 =	vld [tilespmem:s0+$0x8200];
	_ =	sdelay $0x1  }
0x6a5: {  	[tilespmem:v5+s23+$0x0] =	vst.idx.add.s32.msk $0xffff, v1  }
0x6a6: {  	v5 =	vld [tilespmem:s30+$0x8080]  }
0x6a7: {  	[tilespmem:v2+s23+$0x0] =	vst.idx.add.s32.msk $0xffff, v1  }
0x6a8: {  	v2 =	vld [tilespmem:s0+$0x8290]  }
0x6a9: {  	[tilespmem:v4+s24+$0x0] =	vst.idx.add.s32.msk $0xffff, v1  }
0x6aa: {  	v4 =	vld [tilespmem:s30+$0x8110]  }
0x6ab: {  	[tilespmem:v3+s23+$0x0] =	vst.idx.add.s32.msk $0xffff, v1  }
0x6ac: {  	s5 =	sand.u32 $0x3, s29;
	v6 =	vld [tilespmem:s0+$0x8280]  }
0x6ad: {  	s0 =	sshll.u32 s5, $0x5  }
0x6ae: {  	[tilespmem:v5+s24+$0x0] =	vst.idx.add.s32.msk $0xffff, v1;
	s0 =	sadd.s32 $0x0, s0  }
0x6af: {  	v5 =	vld [tilespmem:s30+$0x8100];
	s5 =	sadd.s32 $0x10, s0  }
0x6b0: {  	s6 =	sor.u32 $0x300, s5;
	[tilespmem:v2+s24+$0x0] =	vst.idx.add.s32.msk $0xffff, v1  }
0x6b1: {  	v3 =	vld [tilespmem:s6+$0x8000];
	_ =	sdelay $0x1  }
0x6b2: {  	[tilespmem:v4+s23+$0x0] =	vst.idx.add.s32.msk $0xffff, v1  }
0x6b3: {  	s7 =	sor.u32 $0x300, s0;
	[tilespmem:v6+s24+$0x0] =	vst.idx.add.s32.msk $0xffff, v1  }
0x6b4: {  	v2 =	vld [tilespmem:s7+$0x8000]  }
0x6b5: {  	s2 =	simm.s32 $0x2;
	v4 =	vld [tilespmem:s30+$0x8190]  }
0x6b6: {  	s4 =	simm.s32 $0x40;
	[tilespmem:v5+s23+$0x0] =	vst.idx.add.s32.msk $0xffff, v1;
	s1 =	sor.u32 $0x380, s0;
	s0 =	simm.s32 $0x100  }
.LBB2_34:
0x6b7: {  	s6 =	sand.u32 $0x60, s4;
	v5 =	vld [tilespmem:s30+$0x8180];
	s31 =	sadd.s32 $0x100, s31  }
0x6b8: {  	s2 =	sadd.s32 $0x2, s2;
	s5 =	sor.u32 $0x380, s5;
	s7 =	sand.u32 $0x7C00, s31;
	[tilespmem:v3+s23+$0x0] =	vst.idx.add.s32.msk $0xffff, v1  }
0x6b9: {  	p0 =	slt.u32 s2, $0xFE;
	s6 =	sor.u32 s6, s7;
	v3 =	vld [tilespmem:s5+$0x8000]  }
0x6ba: {  	v6 =	vld [tilespmem:s6+$0x8010]  }
0x6bb: {  	v7 =	vld [tilespmem:s6+$0x8000]  }
0x6bc: {  	[tilespmem:v2+s23+$0x0] =	vst.idx.add.s32.msk $0xffff, v1  }
0x6bd: {  	[tilespmem:v4+s24+$0x0] =	vst.idx.add.s32.msk $0xffff, v1  }
0x6be: {  	v2 =	vld [tilespmem:s30+$0x8210]  }
0x6bf: {  	[tilespmem:v5+s24+$0x0] =	vst.idx.add.s32.msk $0xffff, v1  }
0x6c0: {  	v4 =	vld [tilespmem:s30+$0x8200]  }
0x6c1: {  	[tilespmem:v3+s24+$0x0] =	vst.idx.add.s32.msk $0xffff, v1  }
0x6c2: {  	[tilespmem:v6+s23+$0x0] =	vst.idx.add.s32.msk $0xffff, v1  }
0x6c3: {  	v3 =	vld [tilespmem:s6+$0x8090]  }
0x6c4: {  	[tilespmem:v7+s23+$0x0] =	vst.idx.add.s32.msk $0xffff, v1  }
0x6c5: {  	v5 =	vld [tilespmem:s6+$0x8080]  }
0x6c6: {  	[tilespmem:v2+s23+$0x0] =	vst.idx.add.s32.msk $0xffff, v1  }
0x6c7: {  	v2 =	vld [tilespmem:s30+$0x8290]  }
0x6c8: {  	[tilespmem:v4+s23+$0x0] =	vst.idx.add.s32.msk $0xffff, v1  }
0x6c9: {  	v4 =	vld [tilespmem:s30+$0x8280];
	s30 =	smov.u32 s6  }
0x6ca: {  	s29 =	sadd.s32 $0x1, s29;
	v6 =	vld [tilespmem:s1+$0x8000]  }
0x6cb: {  	s1 =	sand.u32 $0x3, s29;
	[tilespmem:v3+s24+$0x0] =	vst.idx.add.s32.msk $0xffff, v1  }
0x6cc: {  	s1 =	sshll.u32 s1, $0x5;
	v7 =	vld [tilespmem:s30+$0x8110]  }
0x6cd: {  	s5 =	sadd.s32 s1, s0;
	s0 =	smov.u32 s31;
	[tilespmem:v5+s24+$0x0] =	vst.idx.add.s32.msk $0xffff, v1  }
0x6ce: {  	s6 =	sor.u32 $0x300, s5;
	s1 =	sor.u32 $0x380, s5;
	s5 =	sadd.s32 $0x10, s5;
	v5 =	vld [tilespmem:s30+$0x8100]  }
0x6cf: {  	s7 =	sor.u32 $0x300, s5;
	[tilespmem:v2+s24+$0x0] =	vst.idx.add.s32.msk $0xffff, v1  }
0x6d0: {  	v3 =	vld [tilespmem:s7+$0x8000]  }
0x6d1: {  	[tilespmem:v4+s24+$0x0] =	vst.idx.add.s32.msk $0xffff, v1  }
.Ltmp16:
0x6d2: {  	v2 =	vld [tilespmem:s6+$0x8000];
	(pc) =	sbr.rel @p0 .LBB2_34-.Ltmp16, $4  }
0x6d3: {  	[tilespmem:v6+s24+$0x0] =	vst.idx.add.s32.msk $0xffff, v1  }
0x6d4: {  	[tilespmem:v7+s23+$0x0] =	vst.idx.add.s32.msk $0xffff, v1  }
0x6d5: {  	v4 =	vld [tilespmem:s30+$0x8190]  }
0x6d6: {  	s4 =	sadd.s32 $0x20, s4;
	[tilespmem:v5+s23+$0x0] =	vst.idx.add.s32.msk $0xffff, v1  }
0x6d7: {  	_ = 	snop  }
0x6d8: {  	v5 =	vld [tilespmem:s30+$0x8180];
	_ =	sdelay $0x5  }
0x6d9: {  	[tilespmem:v4+s24+$0x0] =	vst.idx.add.s32.msk $0xffff, v1  }
0x6da: {  	v4 =	vld [tilespmem:s30+$0x8210]  }
0x6db: {  	[tilespmem:v5+s24+$0x0] =	vst.idx.add.s32.msk $0xffff, v1  }
0x6dc: {  	v5 =	vld [tilespmem:s30+$0x8200];
	_ =	sdelay $0x5  }
0x6dd: {  	[tilespmem:v4+s23+$0x0] =	vst.idx.add.s32.msk $0xffff, v1  }
0x6de: {  	v4 =	vld [tilespmem:s30+$0x8290]  }
0x6df: {  	[tilespmem:v5+s23+$0x0] =	vst.idx.add.s32.msk $0xffff, v1  }
0x6e0: {  	v5 =	vld [tilespmem:s30+$0x8280]  }
0x6e1: {  	s2 =	sadd.s32 $0x1, s29  }
0x6e2: {  	s2 =	sand.u32 $0x3, s2  }
0x6e3: {  	s2 =	sshll.u32 s2, $0x5  }
0x6e4: {  	s0 =	sadd.s32 s2, s0  }
0x6e5: {  	s2 =	sadd.s32 $0x10, s0  }
0x6e6: {  	s4 =	sor.u32 $0x300, s2;
	[tilespmem:v4+s24+$0x0] =	vst.idx.add.s32.msk $0xffff, v1  }
0x6e7: {  	v4 =	vld [tilespmem:s4+$0x8000]  }
0x6e8: {  	s29 =	sor.u32 $0x300, s0;
	[tilespmem:v5+s24+$0x0] =	vst.idx.add.s32.msk $0xffff, v1  }
0x6e9: {  	v5 =	vld [tilespmem:s29+$0x8000];
	_ =	sdelay $0x1  }
0x6ea: {  	[tilespmem:v3+s23+$0x0] =	vst.idx.add.s32.msk $0xffff, v1  }
0x6eb: {  	[tilespmem:v2+s23+$0x0] =	vst.idx.add.s32.msk $0xffff, v1  }
0x6ec: {  	v2 =	vld [tilespmem:s1+$0x8000];
	s30 =	sor.u32 $0x380, s5  }
0x6ed: {  	v3 =	vld [tilespmem:s30+$0x8000]  }
0x6ee: {  	s31 =	sor.u32 $0x380, s2;
	[tilespmem:v4+s23+$0x0] =	vst.idx.add.s32.msk $0xffff, v1  }
0x6ef: {  	v4 =	vld [tilespmem:s31+$0x8000]  }
0x6f0: {  	s0 =	sor.u32 $0x380, s0;
	[tilespmem:v5+s23+$0x0] =	vst.idx.add.s32.msk $0xffff, v1  }
0x6f1: {  	v5 =	vld [tilespmem:s0+$0x8000];
	_ =	sdelay $0x4  }
0x6f2: {  	[tilespmem:v2+s24+$0x0] =	vst.idx.add.s32.msk $0xffff, v1  }
0x6f3: {  	[tilespmem:v3+s24+$0x0] =	vst.idx.add.s32.msk $0xffff, v1  }
0x6f4: {  	[tilespmem:v4+s24+$0x0] =	vst.idx.add.s32.msk $0xffff, v1  }
0x6f5: {  	s0 =	simm.s32 $0x10040;
	[tilespmem:v5+s24+$0x0] =	vst.idx.add.s32.msk $0xffff, v1  }
0x6f6: {  	s1 =	simm.s32 $0x15040;
	v3 =	vld [tilespmem:s0+$0x30]  }
0x6f7: {  	v4 =	vld [tilespmem:s1+$0x30]  }
0x6f8: {  	v2 =	vld [tilespmem:s1+$0xFFFFFFC0]  }
0x6f9: {  	v5 =	vld [tilespmem:s0+$0xFFFFFFD0]  }
0x6fa: {  	v6 =	vld [tilespmem:s1+$0xFFFFFFD0]  }
0x6fb: {  	v7 =	vld [tilespmem:s0+$0xFFFFFFE0]  }
0x6fc: {  	v8 =	vld [tilespmem:s1+$0xFFFFFFE0]  }
0x6fd: {  	v9 =	vld [tilespmem:s0+$0xFFFFFFF0]  }
0x6fe: {  	v10 =	vld [tilespmem:s1+$0xFFFFFFF0]  }
0x6ff: {  	v11 =	vld [tilespmem:s0+$0x0]  }
0x700: {  	v12 =	vld [tilespmem:s1+$0x0]  }
0x701: {  	v4 =	vadd.s32 v3, v4;
	v3 =	vld [tilespmem:s0+$0x10]  }
0x702: {  	[tilespmem:s0+$0x30] =	vst v4;
	v4 =	vadd.s32 v5, v6;
	v5 =	vld [tilespmem:s1+$0x10]  }
0x703: {  	v6 =	vadd.s32 v7, v8;
	[tilespmem:s0+$0xFFFFFFD0] =	vst v4;
	v4 =	vld [tilespmem:s0+$0x20]  }
0x704: {  	v7 =	vadd.s32 v9, v10;
	[tilespmem:s0+$0xFFFFFFE0] =	vst v6;
	v6 =	vld [tilespmem:s1+$0x20]  }
0x705: {  	s2 =	simm.s32 $0x0;
	s4 =	simm.s32 $0x100C0;
	v8 =	vadd.s32 v11, v12;
	[tilespmem:s0+$0xFFFFFFF0] =	vst v7;
	v7 =	vld [tilespmem:s0+$0xFFFFFFC0]  }
.LBB2_36:
0x706: {  	v9 =	vld [tilespmem:s4+$0x30];
	[tilespmem:s0+$0x0] =	vst v8;
	s1 =	sadd.s32 $0x80, s1  }
0x707: {  	s2 =	sadd.s32 $0x8, s2;
	v8 =	vld [tilespmem:s1+$0x30];
	v3 =	vadd.s32 v3, v5  }
0x708: {  	p0 =	slt.u32 s2, $0x4F8;
	v5 =	vld [tilespmem:s1+$0xFFFFFFC0];
	[tilespmem:s0+$0x10] =	vst v3  }
0x709: {  	v3 =	vld [tilespmem:s4+$0xFFFFFFD0];
	v4 =	vadd.s32 v4, v6  }
0x70a: {  	v6 =	vld [tilespmem:s1+$0xFFFFFFD0];
	v2 =	vadd.s32 v7, v2;
	[tilespmem:s0+$0x20] =	vst v4  }
0x70b: {  	v4 =	vld [tilespmem:s4+$0xFFFFFFE0];
	[tilespmem:s0+$0xFFFFFFC0] =	vst v2;
	s0 =	smov.u32 s4  }
0x70c: {  	v7 =	vld [tilespmem:s1+$0xFFFFFFE0];
	v9 =	vadd.s32 v9, v8  }
0x70d: {  	v8 =	vld [tilespmem:s4+$0xFFFFFFF0];
	[tilespmem:s4+$0x30] =	vst v9;
	v2 =	vmov v5  }
0x70e: {  	v9 =	vld [tilespmem:s1+$0xFFFFFFF0]  }
0x70f: {  	v3 =	vadd.s32 v3, v6;
	v10 =	vld [tilespmem:s4+$0x0]  }
0x710: {  	[tilespmem:s4+$0xFFFFFFD0] =	vst v3;
	v11 =	vld [tilespmem:s1+$0x0]  }
.Ltmp17:
0x711: {  	v4 =	vadd.s32 v4, v7;
	v3 =	vld [tilespmem:s4+$0x10];
	(pc) =	sbr.rel @p0 .LBB2_36-.Ltmp17, $4  }
0x712: {  	[tilespmem:s4+$0xFFFFFFE0] =	vst v4;
	v5 =	vld [tilespmem:s1+$0x10]  }
0x713: {  	v6 =	vadd.s32 v8, v9;
	v4 =	vld [tilespmem:s4+$0x20]  }
0x714: {  	[tilespmem:s4+$0xFFFFFFF0] =	vst v6;
	v6 =	vld [tilespmem:s1+$0x20]  }
0x715: {  	s4 =	sadd.s32 $0x80, s4;
	v7 =	vld [tilespmem:s0+$0xFFFFFFC0];
	v8 =	vadd.s32 v10, v11  }
0x716: {  	_ =	sdelay $0x1  }
0x717: {  	[tilespmem:s0+$0x0] =	vst v8;
	v3 =	vadd.s32 v3, v5  }
0x718: {  	s28 =	sadd.s32 $0x1, s28;
	[tilespmem:s0+$0x10] =	vst v3;
	v3 =	vadd.s32 v4, v6  }
0x719: {  	p0 =	sne.s32 s28, s20;
	v2 =	vadd.s32 v7, v2;
	[tilespmem:s0+$0x20] =	vst v3  }
.Ltmp18:
0x71a: {  	s6 =	simm.s32 $0x0;
	[tilespmem:s0+$0xFFFFFFC0] =	vst v2;
	(pc) =	sbr.rel @p0 .LBB2_1-.Ltmp18, $4  }
0x71b: {  	[hbm4b:s19+s6] =	stream.linear.scatter [tilespmem:s23], [sflag:$0x3], $0x5000, $0x38;
	[tilespmem:$0x1A000] =	vst v63  }
0x71c: {  	_ =	swait.ge [sflag:s26], $0x5000  }
0x71d: {  	[sflag:s26] =	ssyncset.done $0x0  }
0x71e: {  	[sflag:s26] =	ssyncadd.s32 $0xFFFFB000  }
0x71f: {  	_ =	sfence.sel $0x180000  }
0x720: {  	[bflag:$0x0] =	sbarrier.arrive $0xFFFF  }
0x721: {  	_ =	strace $0x90000047  }
0x722: {  	s0 =	stileid.u32;
	[bflag:$0x2] =	sbarrier.arrive $0xFFFF  }
0x723: {  	p0 =	sne.s32 s0, $0x0;
	s0 =	rddreg [dreg:$0x2]  }
0x724: {  	s0 =	sadd.s32 @!p0 $0x100000, s0  }
0x725: {  	[sflag:s0] =	ssyncadd.tile.s32 @!p0 $0x1;
	_ =	shalt  }
.Lfunc_end2:
_tile_overlayer_lowered:
.L_overlay_start_2:
0x726: {  	(tag) =	ssettag $0x2  }
0x727: {  	s0 =	rddreg [dreg:$0x0];
	s2 =	stileid.u32  }
0x728: {  	s1 =	rddreg [dreg:$0x1];
	p0 =	sne.s32 s2, $0x0  }
0x729: {  	s3 =	rddreg [dreg:$0x2];
	[bflag:$0x3] =	sbarrier.arrive $0xFFFF;
	s2 =	simm.s32 @!p0 $0x1C03  }
0x72a: {  	[timem:s3], [sflag:s2] =	dma.local @!p0 [hbm:s0], s1  }
0x72b: {  	s0 =	simm.s32 @!p0 $0x3  }
0x72c: {  	_ =	swait.ge @!p0 [sflag:s0], s1  }
0x72d: {  	s1 =	ssub.s32 @!p0 $0x0, s1;
	[sflag:s0] =	ssyncset.done @!p0 $0x0  }
0x72e: {  	[sflag:s0] =	ssyncadd.s32 @!p0 s1  }
0x72f: {  	[bflag:$0x3] =	sbarrier.arrive $0xFFFF  }
0x730: {  	_ =	shalt  }

</sc_bundles>
